<compile_context>
chip_gen: v7x
topology: tpu7x:2x2x1
jax: 0.10.2.dev20260603
libtpu: 0.0.44.dev20260713+nightly
codegen_flags: <defaults>
</compile_context>

<pallas_src>
import functools

import jax
import jax.numpy as jnp
from jax import lax
from jax.experimental import pallas as pl
from jax.experimental.pallas import tpu as pltpu
from jax.experimental.pallas import tpu_sc as plsc

N = 10000
E = 320000
D = 128
R = 16
EPS = 1e-5

NC = 2
NS = 16
NW = NC * NS
CH = 125
NCHK = 80
SLAB = 8
NSLAB = NCHK // SLAB
NA = N
LANE = 16

BN = 10000
NB = N // BN
BNC = 1000
NBC = N // BNC



def _mm_body(x_ref, w_ref, o_ref):
    o_ref[0] = jnp.dot(x_ref[...], w_ref[0], preferred_element_type=jnp.float32)


def _xw(x, w_all):
    return pl.pallas_call(
        _mm_body,
        grid=(NB, R + 1),
        in_specs=[
            pl.BlockSpec((BN, D), lambda nb, r: (nb, 0)),
            pl.BlockSpec((1, D, D), lambda nb, r: (r, 0, 0)),
        ],
        out_specs=pl.BlockSpec((1, BN, D), lambda nb, r: (r, nb, 0)),
        out_shape=jax.ShapeDtypeStruct((R + 1, N, D), jnp.float32),
    )(x, w_all)



def _make_sc_agg():
    mesh = plsc.VectorSubcoreMesh(core_axis_name="c", subcore_axis_name="s")

    out_type = jax.ShapeDtypeStruct((NC, N, D), jnp.float32)

    scratch = [
        pltpu.VMEM((2, SLAB, CH), jnp.int32),
        pltpu.VMEM((2, SLAB, CH), jnp.int32),
        pltpu.VMEM((2, CH, D), jnp.float32),
        pltpu.SemaphoreType.DMA,
        pltpu.SemaphoreType.DMA,
        pltpu.VMEM_SHARED((NA, D), jnp.float32),
    ]

    def body(xw_hbm, gidx_hbm, dst_hbm, z_hbm,
             agg_out, gidxs, dsts, rowb, sem, sem_s, agg_sh):
        c = lax.axis_index("c")
        s = lax.axis_index("s")
        w = c * NS + s

        @pl.when(s == 0)
        def _():
            pltpu.sync_copy(z_hbm, agg_sh)

        plsc.subcore_barrier()

        pltpu.sync_copy(gidx_hbm.at[w, 0], gidxs.at[0])
        pltpu.sync_copy(dst_hbm.at[w, 0], dsts.at[0])
        pltpu.async_copy(xw_hbm.at[gidxs.at[0, 0]], rowb.at[0], sem)

        def _slab(sl, _):
            cur = lax.rem(sl, 2)
            nxt = lax.rem(sl + 1, 2)

            @pl.when(sl > 0)
            def _():
                pltpu.make_async_copy(
                    rowb.at[1], agg_sh.at[dsts.at[nxt, SLAB - 1]],
                    sem_s).wait()

            @pl.when(sl + 1 < NSLAB)
            def _():
                pltpu.sync_copy(gidx_hbm.at[w, sl + 1], gidxs.at[nxt])
                pltpu.sync_copy(dst_hbm.at[w, sl + 1], dsts.at[nxt])

            for j in range(SLAB):
                par = j % 2
                pltpu.make_async_copy(
                    xw_hbm.at[gidxs.at[cur, j]], rowb.at[par], sem).wait()
                if j >= 1:
                    pltpu.make_async_copy(
                        rowb.at[1 - par], agg_sh.at[dsts.at[cur, j - 1]],
                        sem_s).wait()
                pltpu.async_copy(rowb.at[par], agg_sh.at[dsts.at[cur, j]],
                                 sem_s, add=True)
                if j + 1 < SLAB:
                    pltpu.async_copy(xw_hbm.at[gidxs.at[cur, j + 1]],
                                     rowb.at[1 - par], sem)
                else:
                    @pl.when(sl + 1 < NSLAB)
                    def _():
                        pltpu.async_copy(xw_hbm.at[gidxs.at[nxt, 0]],
                                         rowb.at[1 - par], sem)
            return 0
        lax.fori_loop(0, NSLAB, _slab, 0)

        pltpu.make_async_copy(
            rowb.at[1], agg_sh.at[dsts.at[(NSLAB - 1) % 2, SLAB - 1]],
            sem_s).wait()

        plsc.subcore_barrier()

        @pl.when(s == 0)
        def _():
            pltpu.sync_copy(agg_sh.at[pl.ds(0, N)], agg_out.at[c])

    return pl.kernel(body, out_type=out_type, mesh=mesh,
                     scratch_types=scratch)


_make_sc_agg = functools.lru_cache(maxsize=None)(_make_sc_agg)


def _sc_agg(*args):
    return _make_sc_agg()(*args)


def _make_sc_deg():
    mesh = plsc.VectorSubcoreMesh(core_axis_name="c", subcore_axis_name="s")

    out_type = jax.ShapeDtypeStruct((NC, N, D), jnp.float32)

    scratch = [
        pltpu.VMEM((2, SLAB, CH), jnp.int32),
        pltpu.VMEM((CH, D), jnp.float32),
        pltpu.SemaphoreType.DMA,
        pltpu.VMEM_SHARED((N, D), jnp.float32),
    ]

    def body(dst_hbm, z_hbm, ones_hbm, deg_out, dsts, onesb, sem_s, deg_sh):
        c = lax.axis_index("c")
        s = lax.axis_index("s")
        w = c * NS + s

        @pl.when(s == 0)
        def _():
            pltpu.sync_copy(z_hbm, deg_sh)
        pltpu.sync_copy(ones_hbm, onesb)

        plsc.subcore_barrier()

        pltpu.sync_copy(dst_hbm.at[w, 0], dsts.at[0])

        def _slab(sl, _):
            cur = lax.rem(sl, 2)
            nxt = lax.rem(sl + 1, 2)

            @pl.when(sl > 0)
            def _():
                for j in range(SLAB):
                    pltpu.make_async_copy(
                        onesb, deg_sh.at[dsts.at[nxt, j]], sem_s).wait()

            @pl.when(sl + 1 < NSLAB)
            def _():
                pltpu.sync_copy(dst_hbm.at[w, sl + 1], dsts.at[nxt])

            for j in range(SLAB):
                pltpu.async_copy(onesb, deg_sh.at[dsts.at[cur, j]],
                                 sem_s, add=True)
            return 0
        lax.fori_loop(0, NSLAB, _slab, 0)

        for j in range(SLAB):
            pltpu.make_async_copy(
                onesb, deg_sh.at[dsts.at[(NSLAB - 1) % 2, j]], sem_s).wait()

        plsc.subcore_barrier()

        @pl.when(s == 0)
        def _():
            pltpu.sync_copy(deg_sh, deg_out.at[c])

    return pl.kernel(body, out_type=out_type, mesh=mesh,
                     scratch_types=scratch)


_make_sc_deg = functools.lru_cache(maxsize=None)(_make_sc_deg)


def _sc_deg(*args):
    return _make_sc_deg()(*args)



def _comb_body(hs_ref, a_ref, d_ref, b_ref, g_ref, be_ref, o_ref):
    a = a_ref[0] + a_ref[1]
    dsum = d_ref[0, :, 0] + d_ref[1, :, 0]
    rd = 1.0 / jnp.maximum(dsum, 1.0)
    h = hs_ref[...] + a * rd[:, None] + b_ref[0]
    h = jnp.maximum(h, 0.0)
    mu = jnp.mean(h, axis=1, keepdims=True)
    var = jnp.mean((h - mu) ** 2, axis=1, keepdims=True)
    o_ref[...] = (h - mu) / jnp.sqrt(var + EPS) * g_ref[0] + be_ref[0]


def _combine(hself, agg2, degs, b, g, be):
    return pl.pallas_call(
        _comb_body,
        grid=(NBC,),
        in_specs=[
            pl.BlockSpec((BNC, D), lambda nb: (nb, 0)),
            pl.BlockSpec((NC, BNC, D), lambda nb: (0, nb, 0)),
            pl.BlockSpec((NC, BNC, D), lambda nb: (0, nb, 0)),
            pl.BlockSpec((1, D), lambda nb: (0, 0)),
            pl.BlockSpec((1, D), lambda nb: (0, 0)),
            pl.BlockSpec((1, D), lambda nb: (0, 0)),
        ],
        out_specs=pl.BlockSpec((BNC, D), lambda nb: (nb, 0)),
        out_shape=jax.ShapeDtypeStruct((N, D), jnp.float32),
    )(hself, agg2, degs, b.reshape(1, D), g.reshape(1, D), be.reshape(1, D))



def kernel(node_features, edge_index, edge_types,
           W_rel1, W_self1, b1, g1, be1,
           W_rel2, W_self2, b2, g2, be2):
    gidx4 = (edge_types * N + edge_index[0]).reshape(NW, NSLAB, SLAB, CH)
    dst4 = edge_index[1].reshape(NW, NSLAB, SLAB, CH)
    zros = jnp.zeros((NA, D), jnp.float32)
    ones = jnp.ones((CH, D), jnp.float32)

    degs = _sc_deg(dst4, zros, ones)

    w_all1 = jnp.concatenate([W_rel1, W_self1[None]], axis=0)
    xw1 = _xw(node_features, w_all1)
    agg1 = _sc_agg(xw1.reshape((R + 1) * N, D), gidx4, dst4, zros)
    h1 = _combine(xw1[R], agg1, degs, b1, g1, be1)

    w_all2 = jnp.concatenate([W_rel2, W_self2[None]], axis=0)
    xw2 = _xw(h1, w_all2)
    agg2 = _sc_agg(xw2.reshape((R + 1) * N, D), gidx4, dst4, zros)
    h2 = _combine(xw2[R], agg2, degs, b2, g2, be2)
    return h2

# --- scband reference (transcript-rebuilt; emitter-appended) ---
"""Pipeline reference for scband-graph-retriever-6854767805056 (READ-ONLY COPY).

The authoritative reference and input builder live on the scoring server;
editing this copy changes nothing except your own understanding.
"""

import jax, jax.numpy as jnp
import numpy as np

N = 10000
E = 320000
D = 128
R = 16
EPS = 1e-5


def layer_norm(h, gamma, beta):
    mu = jnp.mean(h, axis=-1, keepdims=True)
    var = jnp.var(h, axis=-1, keepdims=True)
    return (h - mu) / jnp.sqrt(var + EPS) * gamma + beta


def rgcn_layer(x, src, dst, etype, W_rel, W_self, b):
    # per-relation transform of all nodes: [R, N, D]
    xW = jnp.einsum('ni,rio->rno', x, W_rel)
    # gather transformed source features per edge
    msgs = xW[etype, src]  # [E, D]
    agg = jax.ops.segment_sum(msgs, dst, num_segments=N)
    deg = jax.ops.segment_sum(jnp.ones((msgs.shape[0],), dtype=x.dtype), dst, num_segments=N)
    agg = agg / jnp.clip(deg, 1.0)[:, None]
    h = x @ W_self + agg + b
    return jax.nn.relu(h)


def setup_inputs(seed: int = 0) -> dict:
    key = jax.random.key(seed)
    ks = jax.random.split(key, 8)
    scale = 1.0 / np.sqrt(D)
    x = jax.random.normal(ks[0], (N, D), dtype=jnp.float32)
    edge_index = jax.random.randint(ks[1], (2, E), 0, N, dtype=jnp.int32)
    edge_types = jax.random.randint(ks[2], (E,), 0, R, dtype=jnp.int32)
    W_rel1 = jax.random.normal(ks[3], (R, D, D), dtype=jnp.float32) * scale
    W_self1 = jax.random.normal(ks[4], (D, D), dtype=jnp.float32) * scale
    b1 = jnp.zeros((D,), dtype=jnp.float32)
    g1 = jnp.ones((D,), dtype=jnp.float32)
    be1 = jnp.zeros((D,), dtype=jnp.float32)
    W_rel2 = jax.random.normal(ks[5], (R, D, D), dtype=jnp.float32) * scale
    W_self2 = jax.random.normal(ks[6], (D, D), dtype=jnp.float32) * scale
    b2 = jnp.zeros((D,), dtype=jnp.float32)
    g2 = jnp.ones((D,), dtype=jnp.float32)
    be2 = jnp.zeros((D,), dtype=jnp.float32)
    return {
        'node_features': x,
        'edge_index': edge_index,
        'edge_types': edge_types,
        'W_rel1': W_rel1, 'W_self1': W_self1, 'b1': b1, 'g1': g1, 'be1': be1,
        'W_rel2': W_rel2, 'W_self2': W_self2, 'b2': b2, 'g2': g2, 'be2': be2,
    }


def reference(node_features, edge_index, edge_types,
              W_rel1, W_self1, b1, g1, be1,
              W_rel2, W_self2, b2, g2, be2):
    src = edge_index[0]
    dst = edge_index[1]
    x = node_features
    x = rgcn_layer(x, src, dst, edge_types, W_rel1, W_self1, b1)
    x = layer_norm(x, g1, be1)
    x = rgcn_layer(x, src, dst, edge_types, W_rel2, W_self2, b2)
    x = layer_norm(x, g2, be2)
    return x

if __name__ == "__main__":
    import jax
    _d = setup_inputs()
    print(jax.jit(kernel)(*tuple(_d.values())))

</pallas_src>

<mosaic_0001>
#map = affine_map<(d0, d1) -> (0, 0)>
#map1 = affine_map<(d0, d1) -> (0, 0, 0, 0)>
#map2 = affine_map<(d0, d1) -> (0, 0, 0)>
module attributes {stable_mosaic.version = 14 : i64} {
  func.func @body(%arg0: i32, %arg1: i32, %arg2: memref<170000x128xf32, #tpu.memory_space<hbm>>, %arg3: memref<32x10x8x125xi32, #tpu.memory_space<hbm>>, %arg4: memref<32x10x8x125xi32, #tpu.memory_space<hbm>>, %arg5: memref<10000x128xf32, #tpu.memory_space<hbm>>, %arg6: memref<2x10000x128xf32, #tpu.memory_space<hbm>>, %arg7: memref<2x8x125xi32, #tpu.memory_space<vmem>>, %arg8: memref<2x8x125xi32, #tpu.memory_space<vmem>>, %arg9: memref<2x125x128xf32, #tpu.memory_space<vmem>>, %arg10: memref<!tpu.dma_semaphore, #tpu.memory_space<semaphore_mem>>, %arg11: memref<!tpu.dma_semaphore, #tpu.memory_space<semaphore_mem>>, %arg12: memref<10000x128xf32, #tpu.memory_space<vmem_shared>>) attributes {dimension_semantics = [#tpu.dimension_semantics<core_parallel>, #tpu.dimension_semantics<subcore_parallel>], iteration_bounds = array<i64: 2, 16>, scalar_prefetch = 0 : i64, scratch_operands = 6 : i64, tpu.core_type = #tpu.core_type<sc_vector_subcore>, window_params = [{transform_indices = #map}, {transform_indices = #map1}, {transform_indices = #map1}, {transform_indices = #map}, {transform_indices = #map2}]} {
    %mul3A = arith.constant 16 : i32
    %mul3A_0 = arith.muli %arg0, %mul3A : i32
    %add3A = arith.addi %mul3A_0, %arg1 : i32
    %eq3A = arith.constant 0 : i32
    %eq3A_1 = arith.cmpi eq, %arg1, %eq3A : i32
    %convert_element_type3A = arith.extui %eq3A_1 : i1 to i32
    %cond3A = arith.constant 0 : i32
    %cond3A_2 = arith.cmpi ne, %convert_element_type3A, %cond3A : i32
    scf.if %cond3A_2 {
      "tpu.region"() ({
        %run_scoped3A_42 = tpu.sem_alloc : memref<!tpu.dma_semaphore, #tpu.memory_space<semaphore_mem>>
        tpu.enqueue_dma source(%arg5 : memref<10000x128xf32, #tpu.memory_space<hbm>>) target(%arg12 : memref<10000x128xf32, #tpu.memory_space<vmem_shared>>) target_semaphore(%run_scoped3A_42 : memref<!tpu.dma_semaphore, #tpu.memory_space<semaphore_mem>>)
        tpu.wait_dma2 semaphore(%run_scoped3A_42 : memref<!tpu.dma_semaphore, #tpu.memory_space<semaphore_mem>>) src(%arg5 : memref<10000x128xf32, #tpu.memory_space<hbm>>) dst(%arg12 : memref<10000x128xf32, #tpu.memory_space<vmem_shared>>)
        tpu.yield
      }) : () -> ()
    } else {
    }
    %barrier3A = arith.constant 0 : index
    tpu.barrier barrier_id(%barrier3A)
    %run_scoped3A = arith.constant 0 : i32
    %run_scoped3A_3 = arith.constant 0 : i32
    "tpu.region"() ({
      %run_scoped3A_42 = tpu.sem_alloc : memref<!tpu.dma_semaphore, #tpu.memory_space<semaphore_mem>>
      %dma_start3A_43 = arith.constant 0 : i32
      %dma_start3A_44 = arith.constant 0 : i32
      %dma_start3A_45 = tpu.memref_slice %arg7[%run_scoped3A_3, %dma_start3A_43, %dma_start3A_44] : memref<2x8x125xi32, #tpu.memory_space<vmem>> -> memref<1x8x125xi32, #tpu.memory_space<vmem>>
      %dma_start3A_46 = tpu.memref_squeeze %dma_start3A_45 : memref<1x8x125xi32, #tpu.memory_space<vmem>> -> memref<8x125xi32, #tpu.memory_space<vmem>>
      %dma_start3A_47 = arith.constant 0 : i32
      %dma_start3A_48 = arith.constant 0 : i32
      %dma_start3A_49 = tpu.memref_slice %arg3[%add3A, %run_scoped3A, %dma_start3A_47, %dma_start3A_48] : memref<32x10x8x125xi32, #tpu.memory_space<hbm>> -> memref<1x1x8x125xi32, #tpu.memory_space<hbm>>
      %dma_start3A_50 = tpu.memref_squeeze %dma_start3A_49 : memref<1x1x8x125xi32, #tpu.memory_space<hbm>> -> memref<8x125xi32, #tpu.memory_space<hbm>>
      %dma_start3A_51 = arith.constant 0 : i32
      %dma_start3A_52 = arith.constant 0 : i32
      %dma_start3A_53 = tpu.memref_slice %arg7[%run_scoped3A_3, %dma_start3A_51, %dma_start3A_52] : memref<2x8x125xi32, #tpu.memory_space<vmem>> -> memref<1x8x125xi32, #tpu.memory_space<vmem>>
      %dma_start3A_54 = tpu.memref_squeeze %dma_start3A_53 : memref<1x8x125xi32, #tpu.memory_space<vmem>> -> memref<8x125xi32, #tpu.memory_space<vmem>>
      %dma_start3A_55 = arith.constant 0 : i32
      %dma_start3A_56 = arith.constant 0 : i32
      %dma_start3A_57 = tpu.memref_slice %arg3[%add3A, %run_scoped3A, %dma_start3A_55, %dma_start3A_56] : memref<32x10x8x125xi32, #tpu.memory_space<hbm>> -> memref<1x1x8x125xi32, #tpu.memory_space<hbm>>
      %dma_start3A_58 = tpu.memref_squeeze %dma_start3A_57 : memref<1x1x8x125xi32, #tpu.memory_space<hbm>> -> memref<8x125xi32, #tpu.memory_space<hbm>>
      tpu.enqueue_dma source(%dma_start3A_58 : memref<8x125xi32, #tpu.memory_space<hbm>>) target(%dma_start3A_54 : memref<8x125xi32, #tpu.memory_space<vmem>>) target_semaphore(%run_scoped3A_42 : memref<!tpu.dma_semaphore, #tpu.memory_space<semaphore_mem>>)
      %dma_wait3A_59 = arith.constant 0 : i32
      %dma_wait3A_60 = arith.constant 0 : i32
      %dma_wait3A_61 = tpu.memref_slice %arg7[%run_scoped3A_3, %dma_wait3A_59, %dma_wait3A_60] : memref<2x8x125xi32, #tpu.memory_space<vmem>> -> memref<1x8x125xi32, #tpu.memory_space<vmem>>
      %dma_wait3A_62 = tpu.memref_squeeze %dma_wait3A_61 : memref<1x8x125xi32, #tpu.memory_space<vmem>> -> memref<8x125xi32, #tpu.memory_space<vmem>>
      %dma_wait3A_63 = arith.constant 0 : i32
      %dma_wait3A_64 = arith.constant 0 : i32
      %dma_wait3A_65 = tpu.memref_slice %arg3[%add3A, %run_scoped3A, %dma_wait3A_63, %dma_wait3A_64] : memref<32x10x8x125xi32, #tpu.memory_space<hbm>> -> memref<1x1x8x125xi32, #tpu.memory_space<hbm>>
      %dma_wait3A_66 = tpu.memref_squeeze %dma_wait3A_65 : memref<1x1x8x125xi32, #tpu.memory_space<hbm>> -> memref<8x125xi32, #tpu.memory_space<hbm>>
      %dma_wait3A_67 = arith.constant 0 : i32
      %dma_wait3A_68 = arith.constant 0 : i32
      %dma_wait3A_69 = tpu.memref_slice %arg7[%run_scoped3A_3, %dma_wait3A_67, %dma_wait3A_68] : memref<2x8x125xi32, #tpu.memory_space<vmem>> -> memref<1x8x125xi32, #tpu.memory_space<vmem>>
      %dma_wait3A_70 = tpu.memref_squeeze %dma_wait3A_69 : memref<1x8x125xi32, #tpu.memory_space<vmem>> -> memref<8x125xi32, #tpu.memory_space<vmem>>
      %dma_wait3A_71 = arith.constant 0 : i32
      %dma_wait3A_72 = arith.constant 0 : i32
      %dma_wait3A_73 = tpu.memref_slice %arg3[%add3A, %run_scoped3A, %dma_wait3A_71, %dma_wait3A_72] : memref<32x10x8x125xi32, #tpu.memory_space<hbm>> -> memref<1x1x8x125xi32, #tpu.memory_space<hbm>>
      %dma_wait3A_74 = tpu.memref_squeeze %dma_wait3A_73 : memref<1x1x8x125xi32, #tpu.memory_space<hbm>> -> memref<8x125xi32, #tpu.memory_space<hbm>>
      tpu.wait_dma2 semaphore(%run_scoped3A_42 : memref<!tpu.dma_semaphore, #tpu.memory_space<semaphore_mem>>) src(%dma_wait3A_74 : memref<8x125xi32, #tpu.memory_space<hbm>>) dst(%dma_wait3A_70 : memref<8x125xi32, #tpu.memory_space<vmem>>)
      tpu.yield
    }) : () -> ()
    %run_scoped3A_4 = arith.constant 0 : i32
    %run_scoped3A_5 = arith.constant 0 : i32
    "tpu.region"() ({
      %run_scoped3A_42 = tpu.sem_alloc : memref<!tpu.dma_semaphore, #tpu.memory_space<semaphore_mem>>
      %dma_start3A_43 = arith.constant 0 : i32
      %dma_start3A_44 = arith.constant 0 : i32
      %dma_start3A_45 = tpu.memref_slice %arg8[%run_scoped3A_5, %dma_start3A_43, %dma_start3A_44] : memref<2x8x125xi32, #tpu.memory_space<vmem>> -> memref<1x8x125xi32, #tpu.memory_space<vmem>>
      %dma_start3A_46 = tpu.memref_squeeze %dma_start3A_45 : memref<1x8x125xi32, #tpu.memory_space<vmem>> -> memref<8x125xi32, #tpu.memory_space<vmem>>
      %dma_start3A_47 = arith.constant 0 : i32
      %dma_start3A_48 = arith.constant 0 : i32
      %dma_start3A_49 = tpu.memref_slice %arg4[%add3A, %run_scoped3A_4, %dma_start3A_47, %dma_start3A_48] : memref<32x10x8x125xi32, #tpu.memory_space<hbm>> -> memref<1x1x8x125xi32, #tpu.memory_space<hbm>>
      %dma_start3A_50 = tpu.memref_squeeze %dma_start3A_49 : memref<1x1x8x125xi32, #tpu.memory_space<hbm>> -> memref<8x125xi32, #tpu.memory_space<hbm>>
      %dma_start3A_51 = arith.constant 0 : i32
      %dma_start3A_52 = arith.constant 0 : i32
      %dma_start3A_53 = tpu.memref_slice %arg8[%run_scoped3A_5, %dma_start3A_51, %dma_start3A_52] : memref<2x8x125xi32, #tpu.memory_space<vmem>> -> memref<1x8x125xi32, #tpu.memory_space<vmem>>
      %dma_start3A_54 = tpu.memref_squeeze %dma_start3A_53 : memref<1x8x125xi32, #tpu.memory_space<vmem>> -> memref<8x125xi32, #tpu.memory_space<vmem>>
      %dma_start3A_55 = arith.constant 0 : i32
      %dma_start3A_56 = arith.constant 0 : i32
      %dma_start3A_57 = tpu.memref_slice %arg4[%add3A, %run_scoped3A_4, %dma_start3A_55, %dma_start3A_56] : memref<32x10x8x125xi32, #tpu.memory_space<hbm>> -> memref<1x1x8x125xi32, #tpu.memory_space<hbm>>
      %dma_start3A_58 = tpu.memref_squeeze %dma_start3A_57 : memref<1x1x8x125xi32, #tpu.memory_space<hbm>> -> memref<8x125xi32, #tpu.memory_space<hbm>>
      tpu.enqueue_dma source(%dma_start3A_58 : memref<8x125xi32, #tpu.memory_space<hbm>>) target(%dma_start3A_54 : memref<8x125xi32, #tpu.memory_space<vmem>>) target_semaphore(%run_scoped3A_42 : memref<!tpu.dma_semaphore, #tpu.memory_space<semaphore_mem>>)
      %dma_wait3A_59 = arith.constant 0 : i32
      %dma_wait3A_60 = arith.constant 0 : i32
      %dma_wait3A_61 = tpu.memref_slice %arg8[%run_scoped3A_5, %dma_wait3A_59, %dma_wait3A_60] : memref<2x8x125xi32, #tpu.memory_space<vmem>> -> memref<1x8x125xi32, #tpu.memory_space<vmem>>
      %dma_wait3A_62 = tpu.memref_squeeze %dma_wait3A_61 : memref<1x8x125xi32, #tpu.memory_space<vmem>> -> memref<8x125xi32, #tpu.memory_space<vmem>>
      %dma_wait3A_63 = arith.constant 0 : i32
      %dma_wait3A_64 = arith.constant 0 : i32
      %dma_wait3A_65 = tpu.memref_slice %arg4[%add3A, %run_scoped3A_4, %dma_wait3A_63, %dma_wait3A_64] : memref<32x10x8x125xi32, #tpu.memory_space<hbm>> -> memref<1x1x8x125xi32, #tpu.memory_space<hbm>>
      %dma_wait3A_66 = tpu.memref_squeeze %dma_wait3A_65 : memref<1x1x8x125xi32, #tpu.memory_space<hbm>> -> memref<8x125xi32, #tpu.memory_space<hbm>>
      %dma_wait3A_67 = arith.constant 0 : i32
      %dma_wait3A_68 = arith.constant 0 : i32
      %dma_wait3A_69 = tpu.memref_slice %arg8[%run_scoped3A_5, %dma_wait3A_67, %dma_wait3A_68] : memref<2x8x125xi32, #tpu.memory_space<vmem>> -> memref<1x8x125xi32, #tpu.memory_space<vmem>>
      %dma_wait3A_70 = tpu.memref_squeeze %dma_wait3A_69 : memref<1x8x125xi32, #tpu.memory_space<vmem>> -> memref<8x125xi32, #tpu.memory_space<vmem>>
      %dma_wait3A_71 = arith.constant 0 : i32
      %dma_wait3A_72 = arith.constant 0 : i32
      %dma_wait3A_73 = tpu.memref_slice %arg4[%add3A, %run_scoped3A_4, %dma_wait3A_71, %dma_wait3A_72] : memref<32x10x8x125xi32, #tpu.memory_space<hbm>> -> memref<1x1x8x125xi32, #tpu.memory_space<hbm>>
      %dma_wait3A_74 = tpu.memref_squeeze %dma_wait3A_73 : memref<1x1x8x125xi32, #tpu.memory_space<hbm>> -> memref<8x125xi32, #tpu.memory_space<hbm>>
      tpu.wait_dma2 semaphore(%run_scoped3A_42 : memref<!tpu.dma_semaphore, #tpu.memory_space<semaphore_mem>>) src(%dma_wait3A_74 : memref<8x125xi32, #tpu.memory_space<hbm>>) dst(%dma_wait3A_70 : memref<8x125xi32, #tpu.memory_space<vmem>>)
      tpu.yield
    }) : () -> ()
    %dma_start3A = arith.constant 0 : i32
    %dma_start3A_6 = arith.constant 0 : i32
    %dma_start3A_7 = arith.constant 0 : i32
    %dma_start3A_8 = arith.constant 0 : i32
    %dma_start3A_9 = arith.constant 0 : i32
    %dma_start3A_10 = tpu.memref_slice %arg9[%dma_start3A_7, %dma_start3A_8, %dma_start3A_9] : memref<2x125x128xf32, #tpu.memory_space<vmem>> -> memref<1x125x128xf32, #tpu.memory_space<vmem>>
    %dma_start3A_11 = tpu.memref_squeeze %dma_start3A_10 : memref<1x125x128xf32, #tpu.memory_space<vmem>> -> memref<125x128xf32, #tpu.memory_space<vmem>>
    %dma_start3A_12 = arith.constant 0 : i32
    %dma_start3A_13 = tpu.memref_slice %arg7[%dma_start3A, %dma_start3A_6, %dma_start3A_12] : memref<2x8x125xi32, #tpu.memory_space<vmem>> -> memref<1x1x125xi32, #tpu.memory_space<vmem>>
    %dma_start3A_14 = tpu.memref_squeeze %dma_start3A_13 : memref<1x1x125xi32, #tpu.memory_space<vmem>> -> memref<125xi32, #tpu.memory_space<vmem>>
    %dma_start3A_15 = arith.constant 0 : i32
    %dma_start3A_16 = arith.constant 0 : i32
    %dma_start3A_17 = tpu.memref_slice %arg2[%dma_start3A_15, %dma_start3A_16] : memref<170000x128xf32, #tpu.memory_space<hbm>> -> memref<170000x128xf32, #tpu.memory_space<hbm>>
    tpu.enqueue_indirect_dma source(%dma_start3A_17 : memref<170000x128xf32, #tpu.memory_space<hbm>>) target(%dma_start3A_11 : memref<125x128xf32, #tpu.memory_space<vmem>>) offsets(%dma_start3A_14 : memref<125xi32, #tpu.memory_space<vmem>>) semaphore(%arg10 : memref<!tpu.dma_semaphore, #tpu.memory_space<semaphore_mem>>)
    %scan3A = arith.constant 0 : i32
    %scan3A_18 = arith.constant 0 : i32
    %scan3A_19 = arith.constant 10 : i32
    %scan3A_20 = arith.addi %scan3A_18, %scan3A_19 : i32
    %scan3A_21 = arith.constant 1 : i32
    %scan3A_22 = scf.for %scan3A_42 = %scan3A_18 to %scan3A_20 step %scan3A_21 iter_args(%scan3A_43 = %scan3A) -> (i32)  : i32 {
      %rem3A = arith.constant 2 : i32
      %rem3A_44 = arith.remsi %scan3A_42, %rem3A : i32
      %add3A_45 = arith.constant 1 : i32
      %add3A_46 = arith.addi %scan3A_42, %add3A_45 : i32
      %rem3A_47 = arith.constant 2 : i32
      %rem3A_48 = arith.remsi %add3A_46, %rem3A_47 : i32
      %gt3A = arith.constant 0 : i32
      %gt3A_49 = arith.cmpi sgt, %scan3A_42, %gt3A : i32
      %convert_element_type3A_50 = arith.extui %gt3A_49 : i1 to i32
      %cond3A_51 = arith.constant 0 : i32
      %cond3A_52 = arith.cmpi ne, %convert_element_type3A_50, %cond3A_51 : i32
      scf.if %cond3A_52 {
        %dma_wait3A_427 = arith.constant 1 : i32
        %dma_wait3A_428 = arith.constant 7 : i32
        %dma_wait3A_429 = arith.constant 0 : i32
        %dma_wait3A_430 = arith.constant 0 : i32
        %dma_wait3A_431 = tpu.memref_slice %arg9[%dma_wait3A_427, %dma_wait3A_429, %dma_wait3A_430] : memref<2x125x128xf32, #tpu.memory_space<vmem>> -> memref<1x125x128xf32, #tpu.memory_space<vmem>>
        %dma_wait3A_432 = tpu.memref_squeeze %dma_wait3A_431 : memref<1x125x128xf32, #tpu.memory_space<vmem>> -> memref<125x128xf32, #tpu.memory_space<vmem>>
        %dma_wait3A_433 = arith.constant 0 : i32
        %dma_wait3A_434 = tpu.memref_slice %arg8[%rem3A_48, %dma_wait3A_428, %dma_wait3A_433] : memref<2x8x125xi32, #tpu.memory_space<vmem>> -> memref<1x1x125xi32, #tpu.memory_space<vmem>>
        %dma_wait3A_435 = tpu.memref_squeeze %dma_wait3A_434 : memref<1x1x125xi32, #tpu.memory_space<vmem>> -> memref<125xi32, #tpu.memory_space<vmem>>
        %dma_wait3A_436 = arith.constant 0 : i32
        %dma_wait3A_437 = arith.constant 0 : i32
        %dma_wait3A_438 = tpu.memref_slice %arg12[%dma_wait3A_436, %dma_wait3A_437] : memref<10000x128xf32, #tpu.memory_space<vmem_shared>> -> memref<10000x128xf32, #tpu.memory_space<vmem_shared>>
        tpu.wait_indirect_dma semaphore(%arg11 : memref<!tpu.dma_semaphore, #tpu.memory_space<semaphore_mem>>) src(%dma_wait3A_432 : memref<125x128xf32, #tpu.memory_space<vmem>>) dst(%dma_wait3A_438 : memref<10000x128xf32, #tpu.memory_space<vmem_shared>>)
      } else {
      }
      %add3A_53 = arith.constant 1 : i32
      %add3A_54 = arith.addi %scan3A_42, %add3A_53 : i32
      %lt3A = arith.constant 10 : i32
      %lt3A_55 = arith.cmpi slt, %add3A_54, %lt3A : i32
      %convert_element_type3A_56 = arith.extui %lt3A_55 : i1 to i32
      %cond3A_57 = arith.constant 0 : i32
      %cond3A_58 = arith.cmpi ne, %convert_element_type3A_56, %cond3A_57 : i32
      scf.if %cond3A_58 {
        %add3A_427 = arith.constant 1 : i32
        %add3A_428 = arith.addi %scan3A_42, %add3A_427 : i32
        "tpu.region"() ({
          %run_scoped3A_431 = tpu.sem_alloc : memref<!tpu.dma_semaphore, #tpu.memory_space<semaphore_mem>>
          %dma_start3A_432 = arith.constant 0 : i32
          %dma_start3A_433 = arith.constant 0 : i32
          %dma_start3A_434 = tpu.memref_slice %arg7[%rem3A_48, %dma_start3A_432, %dma_start3A_433] : memref<2x8x125xi32, #tpu.memory_space<vmem>> -> memref<1x8x125xi32, #tpu.memory_space<vmem>>
          %dma_start3A_435 = tpu.memref_squeeze %dma_start3A_434 : memref<1x8x125xi32, #tpu.memory_space<vmem>> -> memref<8x125xi32, #tpu.memory_space<vmem>>
          %dma_start3A_436 = arith.constant 0 : i32
          %dma_start3A_437 = arith.constant 0 : i32
          %dma_start3A_438 = tpu.memref_slice %arg3[%add3A, %add3A_428, %dma_start3A_436, %dma_start3A_437] : memref<32x10x8x125xi32, #tpu.memory_space<hbm>> -> memref<1x1x8x125xi32, #tpu.memory_space<hbm>>
          %dma_start3A_439 = tpu.memref_squeeze %dma_start3A_438 : memref<1x1x8x125xi32, #tpu.memory_space<hbm>> -> memref<8x125xi32, #tpu.memory_space<hbm>>
          %dma_start3A_440 = arith.constant 0 : i32
          %dma_start3A_441 = arith.constant 0 : i32
          %dma_start3A_442 = tpu.memref_slice %arg7[%rem3A_48, %dma_start3A_440, %dma_start3A_441] : memref<2x8x125xi32, #tpu.memory_space<vmem>> -> memref<1x8x125xi32, #tpu.memory_space<vmem>>
          %dma_start3A_443 = tpu.memref_squeeze %dma_start3A_442 : memref<1x8x125xi32, #tpu.memory_space<vmem>> -> memref<8x125xi32, #tpu.memory_space<vmem>>
          %dma_start3A_444 = arith.constant 0 : i32
          %dma_start3A_445 = arith.constant 0 : i32
          %dma_start3A_446 = tpu.memref_slice %arg3[%add3A, %add3A_428, %dma_start3A_444, %dma_start3A_445] : memref<32x10x8x125xi32, #tpu.memory_space<hbm>> -> memref<1x1x8x125xi32, #tpu.memory_space<hbm>>
          %dma_start3A_447 = tpu.memref_squeeze %dma_start3A_446 : memref<1x1x8x125xi32, #tpu.memory_space<hbm>> -> memref<8x125xi32, #tpu.memory_space<hbm>>
          tpu.enqueue_dma source(%dma_start3A_447 : memref<8x125xi32, #tpu.memory_space<hbm>>) target(%dma_start3A_443 : memref<8x125xi32, #tpu.memory_space<vmem>>) target_semaphore(%run_scoped3A_431 : memref<!tpu.dma_semaphore, #tpu.memory_space<semaphore_mem>>)
          %dma_wait3A_448 = arith.constant 0 : i32
          %dma_wait3A_449 = arith.constant 0 : i32
          %dma_wait3A_450 = tpu.memref_slice %arg7[%rem3A_48, %dma_wait3A_448, %dma_wait3A_449] : memref<2x8x125xi32, #tpu.memory_space<vmem>> -> memref<1x8x125xi32, #tpu.memory_space<vmem>>
          %dma_wait3A_451 = tpu.memref_squeeze %dma_wait3A_450 : memref<1x8x125xi32, #tpu.memory_space<vmem>> -> memref<8x125xi32, #tpu.memory_space<vmem>>
          %dma_wait3A_452 = arith.constant 0 : i32
          %dma_wait3A_453 = arith.constant 0 : i32
          %dma_wait3A_454 = tpu.memref_slice %arg3[%add3A, %add3A_428, %dma_wait3A_452, %dma_wait3A_453] : memref<32x10x8x125xi32, #tpu.memory_space<hbm>> -> memref<1x1x8x125xi32, #tpu.memory_space<hbm>>
          %dma_wait3A_455 = tpu.memref_squeeze %dma_wait3A_454 : memref<1x1x8x125xi32, #tpu.memory_space<hbm>> -> memref<8x125xi32, #tpu.memory_space<hbm>>
          %dma_wait3A_456 = arith.constant 0 : i32
          %dma_wait3A_457 = arith.constant 0 : i32
          %dma_wait3A_458 = tpu.memref_slice %arg7[%rem3A_48, %dma_wait3A_456, %dma_wait3A_457] : memref<2x8x125xi32, #tpu.memory_space<vmem>> -> memref<1x8x125xi32, #tpu.memory_space<vmem>>
          %dma_wait3A_459 = tpu.memref_squeeze %dma_wait3A_458 : memref<1x8x125xi32, #tpu.memory_space<vmem>> -> memref<8x125xi32, #tpu.memory_space<vmem>>
          %dma_wait3A_460 = arith.constant 0 : i32
          %dma_wait3A_461 = arith.constant 0 : i32
          %dma_wait3A_462 = tpu.memref_slice %arg3[%add3A, %add3A_428, %dma_wait3A_460, %dma_wait3A_461] : memref<32x10x8x125xi32, #tpu.memory_space<hbm>> -> memref<1x1x8x125xi32, #tpu.memory_space<hbm>>
          %dma_wait3A_463 = tpu.memref_squeeze %dma_wait3A_462 : memref<1x1x8x125xi32, #tpu.memory_space<hbm>> -> memref<8x125xi32, #tpu.memory_space<hbm>>
          tpu.wait_dma2 semaphore(%run_scoped3A_431 : memref<!tpu.dma_semaphore, #tpu.memory_space<semaphore_mem>>) src(%dma_wait3A_463 : memref<8x125xi32, #tpu.memory_space<hbm>>) dst(%dma_wait3A_459 : memref<8x125xi32, #tpu.memory_space<vmem>>)
          tpu.yield
        }) : () -> ()
        %add3A_429 = arith.constant 1 : i32
        %add3A_430 = arith.addi %scan3A_42, %add3A_429 : i32
        "tpu.region"() ({
          %run_scoped3A_431 = tpu.sem_alloc : memref<!tpu.dma_semaphore, #tpu.memory_space<semaphore_mem>>
          %dma_start3A_432 = arith.constant 0 : i32
          %dma_start3A_433 = arith.constant 0 : i32
          %dma_start3A_434 = tpu.memref_slice %arg8[%rem3A_48, %dma_start3A_432, %dma_start3A_433] : memref<2x8x125xi32, #tpu.memory_space<vmem>> -> memref<1x8x125xi32, #tpu.memory_space<vmem>>
          %dma_start3A_435 = tpu.memref_squeeze %dma_start3A_434 : memref<1x8x125xi32, #tpu.memory_space<vmem>> -> memref<8x125xi32, #tpu.memory_space<vmem>>
          %dma_start3A_436 = arith.constant 0 : i32
          %dma_start3A_437 = arith.constant 0 : i32
          %dma_start3A_438 = tpu.memref_slice %arg4[%add3A, %add3A_430, %dma_start3A_436, %dma_start3A_437] : memref<32x10x8x125xi32, #tpu.memory_space<hbm>> -> memref<1x1x8x125xi32, #tpu.memory_space<hbm>>
          %dma_start3A_439 = tpu.memref_squeeze %dma_start3A_438 : memref<1x1x8x125xi32, #tpu.memory_space<hbm>> -> memref<8x125xi32, #tpu.memory_space<hbm>>
          %dma_start3A_440 = arith.constant 0 : i32
          %dma_start3A_441 = arith.constant 0 : i32
          %dma_start3A_442 = tpu.memref_slice %arg8[%rem3A_48, %dma_start3A_440, %dma_start3A_441] : memref<2x8x125xi32, #tpu.memory_space<vmem>> -> memref<1x8x125xi32, #tpu.memory_space<vmem>>
          %dma_start3A_443 = tpu.memref_squeeze %dma_start3A_442 : memref<1x8x125xi32, #tpu.memory_space<vmem>> -> memref<8x125xi32, #tpu.memory_space<vmem>>
          %dma_start3A_444 = arith.constant 0 : i32
          %dma_start3A_445 = arith.constant 0 : i32
          %dma_start3A_446 = tpu.memref_slice %arg4[%add3A, %add3A_430, %dma_start3A_444, %dma_start3A_445] : memref<32x10x8x125xi32, #tpu.memory_space<hbm>> -> memref<1x1x8x125xi32, #tpu.memory_space<hbm>>
          %dma_start3A_447 = tpu.memref_squeeze %dma_start3A_446 : memref<1x1x8x125xi32, #tpu.memory_space<hbm>> -> memref<8x125xi32, #tpu.memory_space<hbm>>
          tpu.enqueue_dma source(%dma_start3A_447 : memref<8x125xi32, #tpu.memory_space<hbm>>) target(%dma_start3A_443 : memref<8x125xi32, #tpu.memory_space<vmem>>) target_semaphore(%run_scoped3A_431 : memref<!tpu.dma_semaphore, #tpu.memory_space<semaphore_mem>>)
          %dma_wait3A_448 = arith.constant 0 : i32
          %dma_wait3A_449 = arith.constant 0 : i32
          %dma_wait3A_450 = tpu.memref_slice %arg8[%rem3A_48, %dma_wait3A_448, %dma_wait3A_449] : memref<2x8x125xi32, #tpu.memory_space<vmem>> -> memref<1x8x125xi32, #tpu.memory_space<vmem>>
          %dma_wait3A_451 = tpu.memref_squeeze %dma_wait3A_450 : memref<1x8x125xi32, #tpu.memory_space<vmem>> -> memref<8x125xi32, #tpu.memory_space<vmem>>
          %dma_wait3A_452 = arith.constant 0 : i32
          %dma_wait3A_453 = arith.constant 0 : i32
          %dma_wait3A_454 = tpu.memref_slice %arg4[%add3A, %add3A_430, %dma_wait3A_452, %dma_wait3A_453] : memref<32x10x8x125xi32, #tpu.memory_space<hbm>> -> memref<1x1x8x125xi32, #tpu.memory_space<hbm>>
          %dma_wait3A_455 = tpu.memref_squeeze %dma_wait3A_454 : memref<1x1x8x125xi32, #tpu.memory_space<hbm>> -> memref<8x125xi32, #tpu.memory_space<hbm>>
          %dma_wait3A_456 = arith.constant 0 : i32
          %dma_wait3A_457 = arith.constant 0 : i32
          %dma_wait3A_458 = tpu.memref_slice %arg8[%rem3A_48, %dma_wait3A_456, %dma_wait3A_457] : memref<2x8x125xi32, #tpu.memory_space<vmem>> -> memref<1x8x125xi32, #tpu.memory_space<vmem>>
          %dma_wait3A_459 = tpu.memref_squeeze %dma_wait3A_458 : memref<1x8x125xi32, #tpu.memory_space<vmem>> -> memref<8x125xi32, #tpu.memory_space<vmem>>
          %dma_wait3A_460 = arith.constant 0 : i32
          %dma_wait3A_461 = arith.constant 0 : i32
          %dma_wait3A_462 = tpu.memref_slice %arg4[%add3A, %add3A_430, %dma_wait3A_460, %dma_wait3A_461] : memref<32x10x8x125xi32, #tpu.memory_space<hbm>> -> memref<1x1x8x125xi32, #tpu.memory_space<hbm>>
          %dma_wait3A_463 = tpu.memref_squeeze %dma_wait3A_462 : memref<1x1x8x125xi32, #tpu.memory_space<hbm>> -> memref<8x125xi32, #tpu.memory_space<hbm>>
          tpu.wait_dma2 semaphore(%run_scoped3A_431 : memref<!tpu.dma_semaphore, #tpu.memory_space<semaphore_mem>>) src(%dma_wait3A_463 : memref<8x125xi32, #tpu.memory_space<hbm>>) dst(%dma_wait3A_459 : memref<8x125xi32, #tpu.memory_space<vmem>>)
          tpu.yield
        }) : () -> ()
      } else {
      }
      %dma_wait3A_59 = arith.constant 0 : i32
      %dma_wait3A_60 = arith.constant 0 : i32
      %dma_wait3A_61 = arith.constant 0 : i32
      %dma_wait3A_62 = arith.constant 0 : i32
      %dma_wait3A_63 = tpu.memref_slice %arg9[%dma_wait3A_60, %dma_wait3A_61, %dma_wait3A_62] : memref<2x125x128xf32, #tpu.memory_space<vmem>> -> memref<1x125x128xf32, #tpu.memory_space<vmem>>
      %dma_wait3A_64 = tpu.memref_squeeze %dma_wait3A_63 : memref<1x125x128xf32, #tpu.memory_space<vmem>> -> memref<125x128xf32, #tpu.memory_space<vmem>>
      %dma_wait3A_65 = arith.constant 0 : i32
      %dma_wait3A_66 = tpu.memref_slice %arg7[%rem3A_44, %dma_wait3A_59, %dma_wait3A_65] : memref<2x8x125xi32, #tpu.memory_space<vmem>> -> memref<1x1x125xi32, #tpu.memory_space<vmem>>
      %dma_wait3A_67 = tpu.memref_squeeze %dma_wait3A_66 : memref<1x1x125xi32, #tpu.memory_space<vmem>> -> memref<125xi32, #tpu.memory_space<vmem>>
      %dma_wait3A_68 = arith.constant 0 : i32
      %dma_wait3A_69 = arith.constant 0 : i32
      %dma_wait3A_70 = tpu.memref_slice %arg2[%dma_wait3A_68, %dma_wait3A_69] : memref<170000x128xf32, #tpu.memory_space<hbm>> -> memref<170000x128xf32, #tpu.memory_space<hbm>>
      tpu.wait_indirect_dma semaphore(%arg10 : memref<!tpu.dma_semaphore, #tpu.memory_space<semaphore_mem>>) src(%dma_wait3A_70 : memref<170000x128xf32, #tpu.memory_space<hbm>>) dst(%dma_wait3A_64 : memref<125x128xf32, #tpu.memory_space<vmem>>)
      %dma_start3A_71 = arith.constant 0 : i32
      %dma_start3A_72 = arith.constant 0 : i32
      %dma_start3A_73 = arith.constant 0 : i32
      %dma_start3A_74 = arith.constant 0 : i32
      %dma_start3A_75 = tpu.memref_slice %arg9[%dma_start3A_71, %dma_start3A_73, %dma_start3A_74] : memref<2x125x128xf32, #tpu.memory_space<vmem>> -> memref<1x125x128xf32, #tpu.memory_space<vmem>>
      %dma_start3A_76 = tpu.memref_squeeze %dma_start3A_75 : memref<1x125x128xf32, #tpu.memory_space<vmem>> -> memref<125x128xf32, #tpu.memory_space<vmem>>
      %dma_start3A_77 = arith.constant 0 : i32
      %dma_start3A_78 = tpu.memref_slice %arg8[%rem3A_44, %dma_start3A_72, %dma_start3A_77] : memref<2x8x125xi32, #tpu.memory_space<vmem>> -> memref<1x1x125xi32, #tpu.memory_space<vmem>>
      %dma_start3A_79 = tpu.memref_squeeze %dma_start3A_78 : memref<1x1x125xi32, #tpu.memory_space<vmem>> -> memref<125xi32, #tpu.memory_space<vmem>>
      %dma_start3A_80 = arith.constant 0 : i32
      %dma_start3A_81 = arith.constant 0 : i32
      %dma_start3A_82 = tpu.memref_slice %arg12[%dma_start3A_80, %dma_start3A_81] : memref<10000x128xf32, #tpu.memory_space<vmem_shared>> -> memref<10000x128xf32, #tpu.memory_space<vmem_shared>>
      tpu.enqueue_indirect_dma source(%dma_start3A_76 : memref<125x128xf32, #tpu.memory_space<vmem>>) target(%dma_start3A_82 : memref<10000x128xf32, #tpu.memory_space<vmem_shared>>) offsets(%dma_start3A_79 : memref<125xi32, #tpu.memory_space<vmem>>) semaphore(%arg11 : memref<!tpu.dma_semaphore, #tpu.memory_space<semaphore_mem>>) {add = true}
      %dma_start3A_83 = arith.constant 1 : i32
      %dma_start3A_84 = arith.constant 1 : i32
      %dma_start3A_85 = arith.constant 0 : i32
      %dma_start3A_86 = arith.constant 0 : i32
      %dma_start3A_87 = tpu.memref_slice %arg9[%dma_start3A_84, %dma_start3A_85, %dma_start3A_86] : memref<2x125x128xf32, #tpu.memory_space<vmem>> -> memref<1x125x128xf32, #tpu.memory_space<vmem>>
      %dma_start3A_88 = tpu.memref_squeeze %dma_start3A_87 : memref<1x125x128xf32, #tpu.memory_space<vmem>> -> memref<125x128xf32, #tpu.memory_space<vmem>>
      %dma_start3A_89 = arith.constant 0 : i32
      %dma_start3A_90 = tpu.memref_slice %arg7[%rem3A_44, %dma_start3A_83, %dma_start3A_89] : memref<2x8x125xi32, #tpu.memory_space<vmem>> -> memref<1x1x125xi32, #tpu.memory_space<vmem>>
      %dma_start3A_91 = tpu.memref_squeeze %dma_start3A_90 : memref<1x1x125xi32, #tpu.memory_space<vmem>> -> memref<125xi32, #tpu.memory_space<vmem>>
      %dma_start3A_92 = arith.constant 0 : i32
      %dma_start3A_93 = arith.constant 0 : i32
      %dma_start3A_94 = tpu.memref_slice %arg2[%dma_start3A_92, %dma_start3A_93] : memref<170000x128xf32, #tpu.memory_space<hbm>> -> memref<170000x128xf32, #tpu.memory_space<hbm>>
      tpu.enqueue_indirect_dma source(%dma_start3A_94 : memref<170000x128xf32, #tpu.memory_space<hbm>>) target(%dma_start3A_88 : memref<125x128xf32, #tpu.memory_space<vmem>>) offsets(%dma_start3A_91 : memref<125xi32, #tpu.memory_space<vmem>>) semaphore(%arg10 : memref<!tpu.dma_semaphore, #tpu.memory_space<semaphore_mem>>)
      %dma_wait3A_95 = arith.constant 1 : i32
      %dma_wait3A_96 = arith.constant 1 : i32
      %dma_wait3A_97 = arith.constant 0 : i32
      %dma_wait3A_98 = arith.constant 0 : i32
      %dma_wait3A_99 = tpu.memref_slice %arg9[%dma_wait3A_96, %dma_wait3A_97, %dma_wait3A_98] : memref<2x125x128xf32, #tpu.memory_space<vmem>> -> memref<1x125x128xf32, #tpu.memory_space<vmem>>
      %dma_wait3A_100 = tpu.memref_squeeze %dma_wait3A_99 : memref<1x125x128xf32, #tpu.memory_space<vmem>> -> memref<125x128xf32, #tpu.memory_space<vmem>>
      %dma_wait3A_101 = arith.constant 0 : i32
      %dma_wait3A_102 = tpu.memref_slice %arg7[%rem3A_44, %dma_wait3A_95, %dma_wait3A_101] : memref<2x8x125xi32, #tpu.memory_space<vmem>> -> memref<1x1x125xi32, #tpu.memory_space<vmem>>
      %dma_wait3A_103 = tpu.memref_squeeze %dma_wait3A_102 : memref<1x1x125xi32, #tpu.memory_space<vmem>> -> memref<125xi32, #tpu.memory_space<vmem>>
      %dma_wait3A_104 = arith.constant 0 : i32
      %dma_wait3A_105 = arith.constant 0 : i32
      %dma_wait3A_106 = tpu.memref_slice %arg2[%dma_wait3A_104, %dma_wait3A_105] : memref<170000x128xf32, #tpu.memory_space<hbm>> -> memref<170000x128xf32, #tpu.memory_space<hbm>>
      tpu.wait_indirect_dma semaphore(%arg10 : memref<!tpu.dma_semaphore, #tpu.memory_space<semaphore_mem>>) src(%dma_wait3A_106 : memref<170000x128xf32, #tpu.memory_space<hbm>>) dst(%dma_wait3A_100 : memref<125x128xf32, #tpu.memory_space<vmem>>)
      %dma_wait3A_107 = arith.constant 0 : i32
      %dma_wait3A_108 = arith.constant 0 : i32
      %dma_wait3A_109 = arith.constant 0 : i32
      %dma_wait3A_110 = arith.constant 0 : i32
      %dma_wait3A_111 = tpu.memref_slice %arg9[%dma_wait3A_107, %dma_wait3A_109, %dma_wait3A_110] : memref<2x125x128xf32, #tpu.memory_space<vmem>> -> memref<1x125x128xf32, #tpu.memory_space<vmem>>
      %dma_wait3A_112 = tpu.memref_squeeze %dma_wait3A_111 : memref<1x125x128xf32, #tpu.memory_space<vmem>> -> memref<125x128xf32, #tpu.memory_space<vmem>>
      %dma_wait3A_113 = arith.constant 0 : i32
      %dma_wait3A_114 = tpu.memref_slice %arg8[%rem3A_44, %dma_wait3A_108, %dma_wait3A_113] : memref<2x8x125xi32, #tpu.memory_space<vmem>> -> memref<1x1x125xi32, #tpu.memory_space<vmem>>
      %dma_wait3A_115 = tpu.memref_squeeze %dma_wait3A_114 : memref<1x1x125xi32, #tpu.memory_space<vmem>> -> memref<125xi32, #tpu.memory_space<vmem>>
      %dma_wait3A_116 = arith.constant 0 : i32
      %dma_wait3A_117 = arith.constant 0 : i32
      %dma_wait3A_118 = tpu.memref_slice %arg12[%dma_wait3A_116, %dma_wait3A_117] : memref<10000x128xf32, #tpu.memory_space<vmem_shared>> -> memref<10000x128xf32, #tpu.memory_space<vmem_shared>>
      tpu.wait_indirect_dma semaphore(%arg11 : memref<!tpu.dma_semaphore, #tpu.memory_space<semaphore_mem>>) src(%dma_wait3A_112 : memref<125x128xf32, #tpu.memory_space<vmem>>) dst(%dma_wait3A_118 : memref<10000x128xf32, #tpu.memory_space<vmem_shared>>)
      %dma_start3A_119 = arith.constant 1 : i32
      %dma_start3A_120 = arith.constant 1 : i32
      %dma_start3A_121 = arith.constant 0 : i32
      %dma_start3A_122 = arith.constant 0 : i32
      %dma_start3A_123 = tpu.memref_slice %arg9[%dma_start3A_119, %dma_start3A_121, %dma_start3A_122] : memref<2x125x128xf32, #tpu.memory_space<vmem>> -> memref<1x125x128xf32, #tpu.memory_space<vmem>>
      %dma_start3A_124 = tpu.memref_squeeze %dma_start3A_123 : memref<1x125x128xf32, #tpu.memory_space<vmem>> -> memref<125x128xf32, #tpu.memory_space<vmem>>
      %dma_start3A_125 = arith.constant 0 : i32
      %dma_start3A_126 = tpu.memref_slice %arg8[%rem3A_44, %dma_start3A_120, %dma_start3A_125] : memref<2x8x125xi32, #tpu.memory_space<vmem>> -> memref<1x1x125xi32, #tpu.memory_space<vmem>>
      %dma_start3A_127 = tpu.memref_squeeze %dma_start3A_126 : memref<1x1x125xi32, #tpu.memory_space<vmem>> -> memref<125xi32, #tpu.memory_space<vmem>>
      %dma_start3A_128 = arith.constant 0 : i32
      %dma_start3A_129 = arith.constant 0 : i32
      %dma_start3A_130 = tpu.memref_slice %arg12[%dma_start3A_128, %dma_start3A_129] : memref<10000x128xf32, #tpu.memory_space<vmem_shared>> -> memref<10000x128xf32, #tpu.memory_space<vmem_shared>>
      tpu.enqueue_indirect_dma source(%dma_start3A_124 : memref<125x128xf32, #tpu.memory_space<vmem>>) target(%dma_start3A_130 : memref<10000x128xf32, #tpu.memory_space<vmem_shared>>) offsets(%dma_start3A_127 : memref<125xi32, #tpu.memory_space<vmem>>) semaphore(%arg11 : memref<!tpu.dma_semaphore, #tpu.memory_space<semaphore_mem>>) {add = true}
      %dma_start3A_131 = arith.constant 2 : i32
      %dma_start3A_132 = arith.constant 0 : i32
      %dma_start3A_133 = arith.constant 0 : i32
      %dma_start3A_134 = arith.constant 0 : i32
      %dma_start3A_135 = tpu.memref_slice %arg9[%dma_start3A_132, %dma_start3A_133, %dma_start3A_134] : memref<2x125x128xf32, #tpu.memory_space<vmem>> -> memref<1x125x128xf32, #tpu.memory_space<vmem>>
      %dma_start3A_136 = tpu.memref_squeeze %dma_start3A_135 : memref<1x125x128xf32, #tpu.memory_space<vmem>> -> memref<125x128xf32, #tpu.memory_space<vmem>>
      %dma_start3A_137 = arith.constant 0 : i32
      %dma_start3A_138 = tpu.memref_slice %arg7[%rem3A_44, %dma_start3A_131, %dma_start3A_137] : memref<2x8x125xi32, #tpu.memory_space<vmem>> -> memref<1x1x125xi32, #tpu.memory_space<vmem>>
      %dma_start3A_139 = tpu.memref_squeeze %dma_start3A_138 : memref<1x1x125xi32, #tpu.memory_space<vmem>> -> memref<125xi32, #tpu.memory_space<vmem>>
      %dma_start3A_140 = arith.constant 0 : i32
      %dma_start3A_141 = arith.constant 0 : i32
      %dma_start3A_142 = tpu.memref_slice %arg2[%dma_start3A_140, %dma_start3A_141] : memref<170000x128xf32, #tpu.memory_space<hbm>> -> memref<170000x128xf32, #tpu.memory_space<hbm>>
      tpu.enqueue_indirect_dma source(%dma_start3A_142 : memref<170000x128xf32, #tpu.memory_space<hbm>>) target(%dma_start3A_136 : memref<125x128xf32, #tpu.memory_space<vmem>>) offsets(%dma_start3A_139 : memref<125xi32, #tpu.memory_space<vmem>>) semaphore(%arg10 : memref<!tpu.dma_semaphore, #tpu.memory_space<semaphore_mem>>)
      %dma_wait3A_143 = arith.constant 2 : i32
      %dma_wait3A_144 = arith.constant 0 : i32
      %dma_wait3A_145 = arith.constant 0 : i32
      %dma_wait3A_146 = arith.constant 0 : i32
      %dma_wait3A_147 = tpu.memref_slice %arg9[%dma_wait3A_144, %dma_wait3A_145, %dma_wait3A_146] : memref<2x125x128xf32, #tpu.memory_space<vmem>> -> memref<1x125x128xf32, #tpu.memory_space<vmem>>
      %dma_wait3A_148 = tpu.memref_squeeze %dma_wait3A_147 : memref<1x125x128xf32, #tpu.memory_space<vmem>> -> memref<125x128xf32, #tpu.memory_space<vmem>>
      %dma_wait3A_149 = arith.constant 0 : i32
      %dma_wait3A_150 = tpu.memref_slice %arg7[%rem3A_44, %dma_wait3A_143, %dma_wait3A_149] : memref<2x8x125xi32, #tpu.memory_space<vmem>> -> memref<1x1x125xi32, #tpu.memory_space<vmem>>
      %dma_wait3A_151 = tpu.memref_squeeze %dma_wait3A_150 : memref<1x1x125xi32, #tpu.memory_space<vmem>> -> memref<125xi32, #tpu.memory_space<vmem>>
      %dma_wait3A_152 = arith.constant 0 : i32
      %dma_wait3A_153 = arith.constant 0 : i32
      %dma_wait3A_154 = tpu.memref_slice %arg2[%dma_wait3A_152, %dma_wait3A_153] : memref<170000x128xf32, #tpu.memory_space<hbm>> -> memref<170000x128xf32, #tpu.memory_space<hbm>>
      tpu.wait_indirect_dma semaphore(%arg10 : memref<!tpu.dma_semaphore, #tpu.memory_space<semaphore_mem>>) src(%dma_wait3A_154 : memref<170000x128xf32, #tpu.memory_space<hbm>>) dst(%dma_wait3A_148 : memref<125x128xf32, #tpu.memory_space<vmem>>)
      %dma_wait3A_155 = arith.constant 1 : i32
      %dma_wait3A_156 = arith.constant 1 : i32
      %dma_wait3A_157 = arith.constant 0 : i32
      %dma_wait3A_158 = arith.constant 0 : i32
      %dma_wait3A_159 = tpu.memref_slice %arg9[%dma_wait3A_155, %dma_wait3A_157, %dma_wait3A_158] : memref<2x125x128xf32, #tpu.memory_space<vmem>> -> memref<1x125x128xf32, #tpu.memory_space<vmem>>
      %dma_wait3A_160 = tpu.memref_squeeze %dma_wait3A_159 : memref<1x125x128xf32, #tpu.memory_space<vmem>> -> memref<125x128xf32, #tpu.memory_space<vmem>>
      %dma_wait3A_161 = arith.constant 0 : i32
      %dma_wait3A_162 = tpu.memref_slice %arg8[%rem3A_44, %dma_wait3A_156, %dma_wait3A_161] : memref<2x8x125xi32, #tpu.memory_space<vmem>> -> memref<1x1x125xi32, #tpu.memory_space<vmem>>
      %dma_wait3A_163 = tpu.memref_squeeze %dma_wait3A_162 : memref<1x1x125xi32, #tpu.memory_space<vmem>> -> memref<125xi32, #tpu.memory_space<vmem>>
      %dma_wait3A_164 = arith.constant 0 : i32
      %dma_wait3A_165 = arith.constant 0 : i32
      %dma_wait3A_166 = tpu.memref_slice %arg12[%dma_wait3A_164, %dma_wait3A_165] : memref<10000x128xf32, #tpu.memory_space<vmem_shared>> -> memref<10000x128xf32, #tpu.memory_space<vmem_shared>>
      tpu.wait_indirect_dma semaphore(%arg11 : memref<!tpu.dma_semaphore, #tpu.memory_space<semaphore_mem>>) src(%dma_wait3A_160 : memref<125x128xf32, #tpu.memory_space<vmem>>) dst(%dma_wait3A_166 : memref<10000x128xf32, #tpu.memory_space<vmem_shared>>)
      %dma_start3A_167 = arith.constant 0 : i32
      %dma_start3A_168 = arith.constant 2 : i32
      %dma_start3A_169 = arith.constant 0 : i32
      %dma_start3A_170 = arith.constant 0 : i32
      %dma_start3A_171 = tpu.memref_slice %arg9[%dma_start3A_167, %dma_start3A_169, %dma_start3A_170] : memref<2x125x128xf32, #tpu.memory_space<vmem>> -> memref<1x125x128xf32, #tpu.memory_space<vmem>>
      %dma_start3A_172 = tpu.memref_squeeze %dma_start3A_171 : memref<1x125x128xf32, #tpu.memory_space<vmem>> -> memref<125x128xf32, #tpu.memory_space<vmem>>
      %dma_start3A_173 = arith.constant 0 : i32
      %dma_start3A_174 = tpu.memref_slice %arg8[%rem3A_44, %dma_start3A_168, %dma_start3A_173] : memref<2x8x125xi32, #tpu.memory_space<vmem>> -> memref<1x1x125xi32, #tpu.memory_space<vmem>>
      %dma_start3A_175 = tpu.memref_squeeze %dma_start3A_174 : memref<1x1x125xi32, #tpu.memory_space<vmem>> -> memref<125xi32, #tpu.memory_space<vmem>>
      %dma_start3A_176 = arith.constant 0 : i32
      %dma_start3A_177 = arith.constant 0 : i32
      %dma_start3A_178 = tpu.memref_slice %arg12[%dma_start3A_176, %dma_start3A_177] : memref<10000x128xf32, #tpu.memory_space<vmem_shared>> -> memref<10000x128xf32, #tpu.memory_space<vmem_shared>>
      tpu.enqueue_indirect_dma source(%dma_start3A_172 : memref<125x128xf32, #tpu.memory_space<vmem>>) target(%dma_start3A_178 : memref<10000x128xf32, #tpu.memory_space<vmem_shared>>) offsets(%dma_start3A_175 : memref<125xi32, #tpu.memory_space<vmem>>) semaphore(%arg11 : memref<!tpu.dma_semaphore, #tpu.memory_space<semaphore_mem>>) {add = true}
      %dma_start3A_179 = arith.constant 3 : i32
      %dma_start3A_180 = arith.constant 1 : i32
      %dma_start3A_181 = arith.constant 0 : i32
      %dma_start3A_182 = arith.constant 0 : i32
      %dma_start3A_183 = tpu.memref_slice %arg9[%dma_start3A_180, %dma_start3A_181, %dma_start3A_182] : memref<2x125x128xf32, #tpu.memory_space<vmem>> -> memref<1x125x128xf32, #tpu.memory_space<vmem>>
      %dma_start3A_184 = tpu.memref_squeeze %dma_start3A_183 : memref<1x125x128xf32, #tpu.memory_space<vmem>> -> memref<125x128xf32, #tpu.memory_space<vmem>>
      %dma_start3A_185 = arith.constant 0 : i32
      %dma_start3A_186 = tpu.memref_slice %arg7[%rem3A_44, %dma_start3A_179, %dma_start3A_185] : memref<2x8x125xi32, #tpu.memory_space<vmem>> -> memref<1x1x125xi32, #tpu.memory_space<vmem>>
      %dma_start3A_187 = tpu.memref_squeeze %dma_start3A_186 : memref<1x1x125xi32, #tpu.memory_space<vmem>> -> memref<125xi32, #tpu.memory_space<vmem>>
      %dma_start3A_188 = arith.constant 0 : i32
      %dma_start3A_189 = arith.constant 0 : i32
      %dma_start3A_190 = tpu.memref_slice %arg2[%dma_start3A_188, %dma_start3A_189] : memref<170000x128xf32, #tpu.memory_space<hbm>> -> memref<170000x128xf32, #tpu.memory_space<hbm>>
      tpu.enqueue_indirect_dma source(%dma_start3A_190 : memref<170000x128xf32, #tpu.memory_space<hbm>>) target(%dma_start3A_184 : memref<125x128xf32, #tpu.memory_space<vmem>>) offsets(%dma_start3A_187 : memref<125xi32, #tpu.memory_space<vmem>>) semaphore(%arg10 : memref<!tpu.dma_semaphore, #tpu.memory_space<semaphore_mem>>)
      %dma_wait3A_191 = arith.constant 3 : i32
      %dma_wait3A_192 = arith.constant 1 : i32
      %dma_wait3A_193 = arith.constant 0 : i32
      %dma_wait3A_194 = arith.constant 0 : i32
      %dma_wait3A_195 = tpu.memref_slice %arg9[%dma_wait3A_192, %dma_wait3A_193, %dma_wait3A_194] : memref<2x125x128xf32, #tpu.memory_space<vmem>> -> memref<1x125x128xf32, #tpu.memory_space<vmem>>
      %dma_wait3A_196 = tpu.memref_squeeze %dma_wait3A_195 : memref<1x125x128xf32, #tpu.memory_space<vmem>> -> memref<125x128xf32, #tpu.memory_space<vmem>>
      %dma_wait3A_197 = arith.constant 0 : i32
      %dma_wait3A_198 = tpu.memref_slice %arg7[%rem3A_44, %dma_wait3A_191, %dma_wait3A_197] : memref<2x8x125xi32, #tpu.memory_space<vmem>> -> memref<1x1x125xi32, #tpu.memory_space<vmem>>
      %dma_wait3A_199 = tpu.memref_squeeze %dma_wait3A_198 : memref<1x1x125xi32, #tpu.memory_space<vmem>> -> memref<125xi32, #tpu.memory_space<vmem>>
      %dma_wait3A_200 = arith.constant 0 : i32
      %dma_wait3A_201 = arith.constant 0 : i32
      %dma_wait3A_202 = tpu.memref_slice %arg2[%dma_wait3A_200, %dma_wait3A_201] : memref<170000x128xf32, #tpu.memory_space<hbm>> -> memref<170000x128xf32, #tpu.memory_space<hbm>>
      tpu.wait_indirect_dma semaphore(%arg10 : memref<!tpu.dma_semaphore, #tpu.memory_space<semaphore_mem>>) src(%dma_wait3A_202 : memref<170000x128xf32, #tpu.memory_space<hbm>>) dst(%dma_wait3A_196 : memref<125x128xf32, #tpu.memory_space<vmem>>)
      %dma_wait3A_203 = arith.constant 0 : i32
      %dma_wait3A_204 = arith.constant 2 : i32
      %dma_wait3A_205 = arith.constant 0 : i32
      %dma_wait3A_206 = arith.constant 0 : i32
      %dma_wait3A_207 = tpu.memref_slice %arg9[%dma_wait3A_203, %dma_wait3A_205, %dma_wait3A_206] : memref<2x125x128xf32, #tpu.memory_space<vmem>> -> memref<1x125x128xf32, #tpu.memory_space<vmem>>
      %dma_wait3A_208 = tpu.memref_squeeze %dma_wait3A_207 : memref<1x125x128xf32, #tpu.memory_space<vmem>> -> memref<125x128xf32, #tpu.memory_space<vmem>>
      %dma_wait3A_209 = arith.constant 0 : i32
      %dma_wait3A_210 = tpu.memref_slice %arg8[%rem3A_44, %dma_wait3A_204, %dma_wait3A_209] : memref<2x8x125xi32, #tpu.memory_space<vmem>> -> memref<1x1x125xi32, #tpu.memory_space<vmem>>
      %dma_wait3A_211 = tpu.memref_squeeze %dma_wait3A_210 : memref<1x1x125xi32, #tpu.memory_space<vmem>> -> memref<125xi32, #tpu.memory_space<vmem>>
      %dma_wait3A_212 = arith.constant 0 : i32
      %dma_wait3A_213 = arith.constant 0 : i32
      %dma_wait3A_214 = tpu.memref_slice %arg12[%dma_wait3A_212, %dma_wait3A_213] : memref<10000x128xf32, #tpu.memory_space<vmem_shared>> -> memref<10000x128xf32, #tpu.memory_space<vmem_shared>>
      tpu.wait_indirect_dma semaphore(%arg11 : memref<!tpu.dma_semaphore, #tpu.memory_space<semaphore_mem>>) src(%dma_wait3A_208 : memref<125x128xf32, #tpu.memory_space<vmem>>) dst(%dma_wait3A_214 : memref<10000x128xf32, #tpu.memory_space<vmem_shared>>)
      %dma_start3A_215 = arith.constant 1 : i32
      %dma_start3A_216 = arith.constant 3 : i32
      %dma_start3A_217 = arith.constant 0 : i32
      %dma_start3A_218 = arith.constant 0 : i32
      %dma_start3A_219 = tpu.memref_slice %arg9[%dma_start3A_215, %dma_start3A_217, %dma_start3A_218] : memref<2x125x128xf32, #tpu.memory_space<vmem>> -> memref<1x125x128xf32, #tpu.memory_space<vmem>>
      %dma_start3A_220 = tpu.memref_squeeze %dma_start3A_219 : memref<1x125x128xf32, #tpu.memory_space<vmem>> -> memref<125x128xf32, #tpu.memory_space<vmem>>
      %dma_start3A_221 = arith.constant 0 : i32
      %dma_start3A_222 = tpu.memref_slice %arg8[%rem3A_44, %dma_start3A_216, %dma_start3A_221] : memref<2x8x125xi32, #tpu.memory_space<vmem>> -> memref<1x1x125xi32, #tpu.memory_space<vmem>>
      %dma_start3A_223 = tpu.memref_squeeze %dma_start3A_222 : memref<1x1x125xi32, #tpu.memory_space<vmem>> -> memref<125xi32, #tpu.memory_space<vmem>>
      %dma_start3A_224 = arith.constant 0 : i32
      %dma_start3A_225 = arith.constant 0 : i32
      %dma_start3A_226 = tpu.memref_slice %arg12[%dma_start3A_224, %dma_start3A_225] : memref<10000x128xf32, #tpu.memory_space<vmem_shared>> -> memref<10000x128xf32, #tpu.memory_space<vmem_shared>>
      tpu.enqueue_indirect_dma source(%dma_start3A_220 : memref<125x128xf32, #tpu.memory_space<vmem>>) target(%dma_start3A_226 : memref<10000x128xf32, #tpu.memory_space<vmem_shared>>) offsets(%dma_start3A_223 : memref<125xi32, #tpu.memory_space<vmem>>) semaphore(%arg11 : memref<!tpu.dma_semaphore, #tpu.memory_space<semaphore_mem>>) {add = true}
      %dma_start3A_227 = arith.constant 4 : i32
      %dma_start3A_228 = arith.constant 0 : i32
      %dma_start3A_229 = arith.constant 0 : i32
      %dma_start3A_230 = arith.constant 0 : i32
      %dma_start3A_231 = tpu.memref_slice %arg9[%dma_start3A_228, %dma_start3A_229, %dma_start3A_230] : memref<2x125x128xf32, #tpu.memory_space<vmem>> -> memref<1x125x128xf32, #tpu.memory_space<vmem>>
      %dma_start3A_232 = tpu.memref_squeeze %dma_start3A_231 : memref<1x125x128xf32, #tpu.memory_space<vmem>> -> memref<125x128xf32, #tpu.memory_space<vmem>>
      %dma_start3A_233 = arith.constant 0 : i32
      %dma_start3A_234 = tpu.memref_slice %arg7[%rem3A_44, %dma_start3A_227, %dma_start3A_233] : memref<2x8x125xi32, #tpu.memory_space<vmem>> -> memref<1x1x125xi32, #tpu.memory_space<vmem>>
      %dma_start3A_235 = tpu.memref_squeeze %dma_start3A_234 : memref<1x1x125xi32, #tpu.memory_space<vmem>> -> memref<125xi32, #tpu.memory_space<vmem>>
      %dma_start3A_236 = arith.constant 0 : i32
      %dma_start3A_237 = arith.constant 0 : i32
      %dma_start3A_238 = tpu.memref_slice %arg2[%dma_start3A_236, %dma_start3A_237] : memref<170000x128xf32, #tpu.memory_space<hbm>> -> memref<170000x128xf32, #tpu.memory_space<hbm>>
      tpu.enqueue_indirect_dma source(%dma_start3A_238 : memref<170000x128xf32, #tpu.memory_space<hbm>>) target(%dma_start3A_232 : memref<125x128xf32, #tpu.memory_space<vmem>>) offsets(%dma_start3A_235 : memref<125xi32, #tpu.memory_space<vmem>>) semaphore(%arg10 : memref<!tpu.dma_semaphore, #tpu.memory_space<semaphore_mem>>)
      %dma_wait3A_239 = arith.constant 4 : i32
      %dma_wait3A_240 = arith.constant 0 : i32
      %dma_wait3A_241 = arith.constant 0 : i32
      %dma_wait3A_242 = arith.constant 0 : i32
      %dma_wait3A_243 = tpu.memref_slice %arg9[%dma_wait3A_240, %dma_wait3A_241, %dma_wait3A_242] : memref<2x125x128xf32, #tpu.memory_space<vmem>> -> memref<1x125x128xf32, #tpu.memory_space<vmem>>
      %dma_wait3A_244 = tpu.memref_squeeze %dma_wait3A_243 : memref<1x125x128xf32, #tpu.memory_space<vmem>> -> memref<125x128xf32, #tpu.memory_space<vmem>>
      %dma_wait3A_245 = arith.constant 0 : i32
      %dma_wait3A_246 = tpu.memref_slice %arg7[%rem3A_44, %dma_wait3A_239, %dma_wait3A_245] : memref<2x8x125xi32, #tpu.memory_space<vmem>> -> memref<1x1x125xi32, #tpu.memory_space<vmem>>
      %dma_wait3A_247 = tpu.memref_squeeze %dma_wait3A_246 : memref<1x1x125xi32, #tpu.memory_space<vmem>> -> memref<125xi32, #tpu.memory_space<vmem>>
      %dma_wait3A_248 = arith.constant 0 : i32
      %dma_wait3A_249 = arith.constant 0 : i32
      %dma_wait3A_250 = tpu.memref_slice %arg2[%dma_wait3A_248, %dma_wait3A_249] : memref<170000x128xf32, #tpu.memory_space<hbm>> -> memref<170000x128xf32, #tpu.memory_space<hbm>>
      tpu.wait_indirect_dma semaphore(%arg10 : memref<!tpu.dma_semaphore, #tpu.memory_space<semaphore_mem>>) src(%dma_wait3A_250 : memref<170000x128xf32, #tpu.memory_space<hbm>>) dst(%dma_wait3A_244 : memref<125x128xf32, #tpu.memory_space<vmem>>)
      %dma_wait3A_251 = arith.constant 1 : i32
      %dma_wait3A_252 = arith.constant 3 : i32
      %dma_wait3A_253 = arith.constant 0 : i32
      %dma_wait3A_254 = arith.constant 0 : i32
      %dma_wait3A_255 = tpu.memref_slice %arg9[%dma_wait3A_251, %dma_wait3A_253, %dma_wait3A_254] : memref<2x125x128xf32, #tpu.memory_space<vmem>> -> memref<1x125x128xf32, #tpu.memory_space<vmem>>
      %dma_wait3A_256 = tpu.memref_squeeze %dma_wait3A_255 : memref<1x125x128xf32, #tpu.memory_space<vmem>> -> memref<125x128xf32, #tpu.memory_space<vmem>>
      %dma_wait3A_257 = arith.constant 0 : i32
      %dma_wait3A_258 = tpu.memref_slice %arg8[%rem3A_44, %dma_wait3A_252, %dma_wait3A_257] : memref<2x8x125xi32, #tpu.memory_space<vmem>> -> memref<1x1x125xi32, #tpu.memory_space<vmem>>
      %dma_wait3A_259 = tpu.memref_squeeze %dma_wait3A_258 : memref<1x1x125xi32, #tpu.memory_space<vmem>> -> memref<125xi32, #tpu.memory_space<vmem>>
      %dma_wait3A_260 = arith.constant 0 : i32
      %dma_wait3A_261 = arith.constant 0 : i32
      %dma_wait3A_262 = tpu.memref_slice %arg12[%dma_wait3A_260, %dma_wait3A_261] : memref<10000x128xf32, #tpu.memory_space<vmem_shared>> -> memref<10000x128xf32, #tpu.memory_space<vmem_shared>>
      tpu.wait_indirect_dma semaphore(%arg11 : memref<!tpu.dma_semaphore, #tpu.memory_space<semaphore_mem>>) src(%dma_wait3A_256 : memref<125x128xf32, #tpu.memory_space<vmem>>) dst(%dma_wait3A_262 : memref<10000x128xf32, #tpu.memory_space<vmem_shared>>)
      %dma_start3A_263 = arith.constant 0 : i32
      %dma_start3A_264 = arith.constant 4 : i32
      %dma_start3A_265 = arith.constant 0 : i32
      %dma_start3A_266 = arith.constant 0 : i32
      %dma_start3A_267 = tpu.memref_slice %arg9[%dma_start3A_263, %dma_start3A_265, %dma_start3A_266] : memref<2x125x128xf32, #tpu.memory_space<vmem>> -> memref<1x125x128xf32, #tpu.memory_space<vmem>>
      %dma_start3A_268 = tpu.memref_squeeze %dma_start3A_267 : memref<1x125x128xf32, #tpu.memory_space<vmem>> -> memref<125x128xf32, #tpu.memory_space<vmem>>
      %dma_start3A_269 = arith.constant 0 : i32
      %dma_start3A_270 = tpu.memref_slice %arg8[%rem3A_44, %dma_start3A_264, %dma_start3A_269] : memref<2x8x125xi32, #tpu.memory_space<vmem>> -> memref<1x1x125xi32, #tpu.memory_space<vmem>>
      %dma_start3A_271 = tpu.memref_squeeze %dma_start3A_270 : memref<1x1x125xi32, #tpu.memory_space<vmem>> -> memref<125xi32, #tpu.memory_space<vmem>>
      %dma_start3A_272 = arith.constant 0 : i32
      %dma_start3A_273 = arith.constant 0 : i32
      %dma_start3A_274 = tpu.memref_slice %arg12[%dma_start3A_272, %dma_start3A_273] : memref<10000x128xf32, #tpu.memory_space<vmem_shared>> -> memref<10000x128xf32, #tpu.memory_space<vmem_shared>>
      tpu.enqueue_indirect_dma source(%dma_start3A_268 : memref<125x128xf32, #tpu.memory_space<vmem>>) target(%dma_start3A_274 : memref<10000x128xf32, #tpu.memory_space<vmem_shared>>) offsets(%dma_start3A_271 : memref<125xi32, #tpu.memory_space<vmem>>) semaphore(%arg11 : memref<!tpu.dma_semaphore, #tpu.memory_space<semaphore_mem>>) {add = true}
      %dma_start3A_275 = arith.constant 5 : i32
      %dma_start3A_276 = arith.constant 1 : i32
      %dma_start3A_277 = arith.constant 0 : i32
      %dma_start3A_278 = arith.constant 0 : i32
      %dma_start3A_279 = tpu.memref_slice %arg9[%dma_start3A_276, %dma_start3A_277, %dma_start3A_278] : memref<2x125x128xf32, #tpu.memory_space<vmem>> -> memref<1x125x128xf32, #tpu.memory_space<vmem>>
      %dma_start3A_280 = tpu.memref_squeeze %dma_start3A_279 : memref<1x125x128xf32, #tpu.memory_space<vmem>> -> memref<125x128xf32, #tpu.memory_space<vmem>>
      %dma_start3A_281 = arith.constant 0 : i32
      %dma_start3A_282 = tpu.memref_slice %arg7[%rem3A_44, %dma_start3A_275, %dma_start3A_281] : memref<2x8x125xi32, #tpu.memory_space<vmem>> -> memref<1x1x125xi32, #tpu.memory_space<vmem>>
      %dma_start3A_283 = tpu.memref_squeeze %dma_start3A_282 : memref<1x1x125xi32, #tpu.memory_space<vmem>> -> memref<125xi32, #tpu.memory_space<vmem>>
      %dma_start3A_284 = arith.constant 0 : i32
      %dma_start3A_285 = arith.constant 0 : i32
      %dma_start3A_286 = tpu.memref_slice %arg2[%dma_start3A_284, %dma_start3A_285] : memref<170000x128xf32, #tpu.memory_space<hbm>> -> memref<170000x128xf32, #tpu.memory_space<hbm>>
      tpu.enqueue_indirect_dma source(%dma_start3A_286 : memref<170000x128xf32, #tpu.memory_space<hbm>>) target(%dma_start3A_280 : memref<125x128xf32, #tpu.memory_space<vmem>>) offsets(%dma_start3A_283 : memref<125xi32, #tpu.memory_space<vmem>>) semaphore(%arg10 : memref<!tpu.dma_semaphore, #tpu.memory_space<semaphore_mem>>)
      %dma_wait3A_287 = arith.constant 5 : i32
      %dma_wait3A_288 = arith.constant 1 : i32
      %dma_wait3A_289 = arith.constant 0 : i32
      %dma_wait3A_290 = arith.constant 0 : i32
      %dma_wait3A_291 = tpu.memref_slice %arg9[%dma_wait3A_288, %dma_wait3A_289, %dma_wait3A_290] : memref<2x125x128xf32, #tpu.memory_space<vmem>> -> memref<1x125x128xf32, #tpu.memory_space<vmem>>
      %dma_wait3A_292 = tpu.memref_squeeze %dma_wait3A_291 : memref<1x125x128xf32, #tpu.memory_space<vmem>> -> memref<125x128xf32, #tpu.memory_space<vmem>>
      %dma_wait3A_293 = arith.constant 0 : i32
      %dma_wait3A_294 = tpu.memref_slice %arg7[%rem3A_44, %dma_wait3A_287, %dma_wait3A_293] : memref<2x8x125xi32, #tpu.memory_space<vmem>> -> memref<1x1x125xi32, #tpu.memory_space<vmem>>
      %dma_wait3A_295 = tpu.memref_squeeze %dma_wait3A_294 : memref<1x1x125xi32, #tpu.memory_space<vmem>> -> memref<125xi32, #tpu.memory_space<vmem>>
      %dma_wait3A_296 = arith.constant 0 : i32
      %dma_wait3A_297 = arith.constant 0 : i32
      %dma_wait3A_298 = tpu.memref_slice %arg2[%dma_wait3A_296, %dma_wait3A_297] : memref<170000x128xf32, #tpu.memory_space<hbm>> -> memref<170000x128xf32, #tpu.memory_space<hbm>>
      tpu.wait_indirect_dma semaphore(%arg10 : memref<!tpu.dma_semaphore, #tpu.memory_space<semaphore_mem>>) src(%dma_wait3A_298 : memref<170000x128xf32, #tpu.memory_space<hbm>>) dst(%dma_wait3A_292 : memref<125x128xf32, #tpu.memory_space<vmem>>)
      %dma_wait3A_299 = arith.constant 0 : i32
      %dma_wait3A_300 = arith.constant 4 : i32
      %dma_wait3A_301 = arith.constant 0 : i32
      %dma_wait3A_302 = arith.constant 0 : i32
      %dma_wait3A_303 = tpu.memref_slice %arg9[%dma_wait3A_299, %dma_wait3A_301, %dma_wait3A_302] : memref<2x125x128xf32, #tpu.memory_space<vmem>> -> memref<1x125x128xf32, #tpu.memory_space<vmem>>
      %dma_wait3A_304 = tpu.memref_squeeze %dma_wait3A_303 : memref<1x125x128xf32, #tpu.memory_space<vmem>> -> memref<125x128xf32, #tpu.memory_space<vmem>>
      %dma_wait3A_305 = arith.constant 0 : i32
      %dma_wait3A_306 = tpu.memref_slice %arg8[%rem3A_44, %dma_wait3A_300, %dma_wait3A_305] : memref<2x8x125xi32, #tpu.memory_space<vmem>> -> memref<1x1x125xi32, #tpu.memory_space<vmem>>
      %dma_wait3A_307 = tpu.memref_squeeze %dma_wait3A_306 : memref<1x1x125xi32, #tpu.memory_space<vmem>> -> memref<125xi32, #tpu.memory_space<vmem>>
      %dma_wait3A_308 = arith.constant 0 : i32
      %dma_wait3A_309 = arith.constant 0 : i32
      %dma_wait3A_310 = tpu.memref_slice %arg12[%dma_wait3A_308, %dma_wait3A_309] : memref<10000x128xf32, #tpu.memory_space<vmem_shared>> -> memref<10000x128xf32, #tpu.memory_space<vmem_shared>>
      tpu.wait_indirect_dma semaphore(%arg11 : memref<!tpu.dma_semaphore, #tpu.memory_space<semaphore_mem>>) src(%dma_wait3A_304 : memref<125x128xf32, #tpu.memory_space<vmem>>) dst(%dma_wait3A_310 : memref<10000x128xf32, #tpu.memory_space<vmem_shared>>)
      %dma_start3A_311 = arith.constant 1 : i32
      %dma_start3A_312 = arith.constant 5 : i32
      %dma_start3A_313 = arith.constant 0 : i32
      %dma_start3A_314 = arith.constant 0 : i32
      %dma_start3A_315 = tpu.memref_slice %arg9[%dma_start3A_311, %dma_start3A_313, %dma_start3A_314] : memref<2x125x128xf32, #tpu.memory_space<vmem>> -> memref<1x125x128xf32, #tpu.memory_space<vmem>>
      %dma_start3A_316 = tpu.memref_squeeze %dma_start3A_315 : memref<1x125x128xf32, #tpu.memory_space<vmem>> -> memref<125x128xf32, #tpu.memory_space<vmem>>
      %dma_start3A_317 = arith.constant 0 : i32
      %dma_start3A_318 = tpu.memref_slice %arg8[%rem3A_44, %dma_start3A_312, %dma_start3A_317] : memref<2x8x125xi32, #tpu.memory_space<vmem>> -> memref<1x1x125xi32, #tpu.memory_space<vmem>>
      %dma_start3A_319 = tpu.memref_squeeze %dma_start3A_318 : memref<1x1x125xi32, #tpu.memory_space<vmem>> -> memref<125xi32, #tpu.memory_space<vmem>>
      %dma_start3A_320 = arith.constant 0 : i32
      %dma_start3A_321 = arith.constant 0 : i32
      %dma_start3A_322 = tpu.memref_slice %arg12[%dma_start3A_320, %dma_start3A_321] : memref<10000x128xf32, #tpu.memory_space<vmem_shared>> -> memref<10000x128xf32, #tpu.memory_space<vmem_shared>>
      tpu.enqueue_indirect_dma source(%dma_start3A_316 : memref<125x128xf32, #tpu.memory_space<vmem>>) target(%dma_start3A_322 : memref<10000x128xf32, #tpu.memory_space<vmem_shared>>) offsets(%dma_start3A_319 : memref<125xi32, #tpu.memory_space<vmem>>) semaphore(%arg11 : memref<!tpu.dma_semaphore, #tpu.memory_space<semaphore_mem>>) {add = true}
      %dma_start3A_323 = arith.constant 6 : i32
      %dma_start3A_324 = arith.constant 0 : i32
      %dma_start3A_325 = arith.constant 0 : i32
      %dma_start3A_326 = arith.constant 0 : i32
      %dma_start3A_327 = tpu.memref_slice %arg9[%dma_start3A_324, %dma_start3A_325, %dma_start3A_326] : memref<2x125x128xf32, #tpu.memory_space<vmem>> -> memref<1x125x128xf32, #tpu.memory_space<vmem>>
      %dma_start3A_328 = tpu.memref_squeeze %dma_start3A_327 : memref<1x125x128xf32, #tpu.memory_space<vmem>> -> memref<125x128xf32, #tpu.memory_space<vmem>>
      %dma_start3A_329 = arith.constant 0 : i32
      %dma_start3A_330 = tpu.memref_slice %arg7[%rem3A_44, %dma_start3A_323, %dma_start3A_329] : memref<2x8x125xi32, #tpu.memory_space<vmem>> -> memref<1x1x125xi32, #tpu.memory_space<vmem>>
      %dma_start3A_331 = tpu.memref_squeeze %dma_start3A_330 : memref<1x1x125xi32, #tpu.memory_space<vmem>> -> memref<125xi32, #tpu.memory_space<vmem>>
      %dma_start3A_332 = arith.constant 0 : i32
      %dma_start3A_333 = arith.constant 0 : i32
      %dma_start3A_334 = tpu.memref_slice %arg2[%dma_start3A_332, %dma_start3A_333] : memref<170000x128xf32, #tpu.memory_space<hbm>> -> memref<170000x128xf32, #tpu.memory_space<hbm>>
      tpu.enqueue_indirect_dma source(%dma_start3A_334 : memref<170000x128xf32, #tpu.memory_space<hbm>>) target(%dma_start3A_328 : memref<125x128xf32, #tpu.memory_space<vmem>>) offsets(%dma_start3A_331 : memref<125xi32, #tpu.memory_space<vmem>>) semaphore(%arg10 : memref<!tpu.dma_semaphore, #tpu.memory_space<semaphore_mem>>)
      %dma_wait3A_335 = arith.constant 6 : i32
      %dma_wait3A_336 = arith.constant 0 : i32
      %dma_wait3A_337 = arith.constant 0 : i32
      %dma_wait3A_338 = arith.constant 0 : i32
      %dma_wait3A_339 = tpu.memref_slice %arg9[%dma_wait3A_336, %dma_wait3A_337, %dma_wait3A_338] : memref<2x125x128xf32, #tpu.memory_space<vmem>> -> memref<1x125x128xf32, #tpu.memory_space<vmem>>
      %dma_wait3A_340 = tpu.memref_squeeze %dma_wait3A_339 : memref<1x125x128xf32, #tpu.memory_space<vmem>> -> memref<125x128xf32, #tpu.memory_space<vmem>>
      %dma_wait3A_341 = arith.constant 0 : i32
      %dma_wait3A_342 = tpu.memref_slice %arg7[%rem3A_44, %dma_wait3A_335, %dma_wait3A_341] : memref<2x8x125xi32, #tpu.memory_space<vmem>> -> memref<1x1x125xi32, #tpu.memory_space<vmem>>
      %dma_wait3A_343 = tpu.memref_squeeze %dma_wait3A_342 : memref<1x1x125xi32, #tpu.memory_space<vmem>> -> memref<125xi32, #tpu.memory_space<vmem>>
      %dma_wait3A_344 = arith.constant 0 : i32
      %dma_wait3A_345 = arith.constant 0 : i32
      %dma_wait3A_346 = tpu.memref_slice %arg2[%dma_wait3A_344, %dma_wait3A_345] : memref<170000x128xf32, #tpu.memory_space<hbm>> -> memref<170000x128xf32, #tpu.memory_space<hbm>>
      tpu.wait_indirect_dma semaphore(%arg10 : memref<!tpu.dma_semaphore, #tpu.memory_space<semaphore_mem>>) src(%dma_wait3A_346 : memref<170000x128xf32, #tpu.memory_space<hbm>>) dst(%dma_wait3A_340 : memref<125x128xf32, #tpu.memory_space<vmem>>)
      %dma_wait3A_347 = arith.constant 1 : i32
      %dma_wait3A_348 = arith.constant 5 : i32
      %dma_wait3A_349 = arith.constant 0 : i32
      %dma_wait3A_350 = arith.constant 0 : i32
      %dma_wait3A_351 = tpu.memref_slice %arg9[%dma_wait3A_347, %dma_wait3A_349, %dma_wait3A_350] : memref<2x125x128xf32, #tpu.memory_space<vmem>> -> memref<1x125x128xf32, #tpu.memory_space<vmem>>
      %dma_wait3A_352 = tpu.memref_squeeze %dma_wait3A_351 : memref<1x125x128xf32, #tpu.memory_space<vmem>> -> memref<125x128xf32, #tpu.memory_space<vmem>>
      %dma_wait3A_353 = arith.constant 0 : i32
      %dma_wait3A_354 = tpu.memref_slice %arg8[%rem3A_44, %dma_wait3A_348, %dma_wait3A_353] : memref<2x8x125xi32, #tpu.memory_space<vmem>> -> memref<1x1x125xi32, #tpu.memory_space<vmem>>
      %dma_wait3A_355 = tpu.memref_squeeze %dma_wait3A_354 : memref<1x1x125xi32, #tpu.memory_space<vmem>> -> memref<125xi32, #tpu.memory_space<vmem>>
      %dma_wait3A_356 = arith.constant 0 : i32
      %dma_wait3A_357 = arith.constant 0 : i32
      %dma_wait3A_358 = tpu.memref_slice %arg12[%dma_wait3A_356, %dma_wait3A_357] : memref<10000x128xf32, #tpu.memory_space<vmem_shared>> -> memref<10000x128xf32, #tpu.memory_space<vmem_shared>>
      tpu.wait_indirect_dma semaphore(%arg11 : memref<!tpu.dma_semaphore, #tpu.memory_space<semaphore_mem>>) src(%dma_wait3A_352 : memref<125x128xf32, #tpu.memory_space<vmem>>) dst(%dma_wait3A_358 : memref<10000x128xf32, #tpu.memory_space<vmem_shared>>)
      %dma_start3A_359 = arith.constant 0 : i32
      %dma_start3A_360 = arith.constant 6 : i32
      %dma_start3A_361 = arith.constant 0 : i32
      %dma_start3A_362 = arith.constant 0 : i32
      %dma_start3A_363 = tpu.memref_slice %arg9[%dma_start3A_359, %dma_start3A_361, %dma_start3A_362] : memref<2x125x128xf32, #tpu.memory_space<vmem>> -> memref<1x125x128xf32, #tpu.memory_space<vmem>>
      %dma_start3A_364 = tpu.memref_squeeze %dma_start3A_363 : memref<1x125x128xf32, #tpu.memory_space<vmem>> -> memref<125x128xf32, #tpu.memory_space<vmem>>
      %dma_start3A_365 = arith.constant 0 : i32
      %dma_start3A_366 = tpu.memref_slice %arg8[%rem3A_44, %dma_start3A_360, %dma_start3A_365] : memref<2x8x125xi32, #tpu.memory_space<vmem>> -> memref<1x1x125xi32, #tpu.memory_space<vmem>>
      %dma_start3A_367 = tpu.memref_squeeze %dma_start3A_366 : memref<1x1x125xi32, #tpu.memory_space<vmem>> -> memref<125xi32, #tpu.memory_space<vmem>>
      %dma_start3A_368 = arith.constant 0 : i32
      %dma_start3A_369 = arith.constant 0 : i32
      %dma_start3A_370 = tpu.memref_slice %arg12[%dma_start3A_368, %dma_start3A_369] : memref<10000x128xf32, #tpu.memory_space<vmem_shared>> -> memref<10000x128xf32, #tpu.memory_space<vmem_shared>>
      tpu.enqueue_indirect_dma source(%dma_start3A_364 : memref<125x128xf32, #tpu.memory_space<vmem>>) target(%dma_start3A_370 : memref<10000x128xf32, #tpu.memory_space<vmem_shared>>) offsets(%dma_start3A_367 : memref<125xi32, #tpu.memory_space<vmem>>) semaphore(%arg11 : memref<!tpu.dma_semaphore, #tpu.memory_space<semaphore_mem>>) {add = true}
      %dma_start3A_371 = arith.constant 7 : i32
      %dma_start3A_372 = arith.constant 1 : i32
      %dma_start3A_373 = arith.constant 0 : i32
      %dma_start3A_374 = arith.constant 0 : i32
      %dma_start3A_375 = tpu.memref_slice %arg9[%dma_start3A_372, %dma_start3A_373, %dma_start3A_374] : memref<2x125x128xf32, #tpu.memory_space<vmem>> -> memref<1x125x128xf32, #tpu.memory_space<vmem>>
      %dma_start3A_376 = tpu.memref_squeeze %dma_start3A_375 : memref<1x125x128xf32, #tpu.memory_space<vmem>> -> memref<125x128xf32, #tpu.memory_space<vmem>>
      %dma_start3A_377 = arith.constant 0 : i32
      %dma_start3A_378 = tpu.memref_slice %arg7[%rem3A_44, %dma_start3A_371, %dma_start3A_377] : memref<2x8x125xi32, #tpu.memory_space<vmem>> -> memref<1x1x125xi32, #tpu.memory_space<vmem>>
      %dma_start3A_379 = tpu.memref_squeeze %dma_start3A_378 : memref<1x1x125xi32, #tpu.memory_space<vmem>> -> memref<125xi32, #tpu.memory_space<vmem>>
      %dma_start3A_380 = arith.constant 0 : i32
      %dma_start3A_381 = arith.constant 0 : i32
      %dma_start3A_382 = tpu.memref_slice %arg2[%dma_start3A_380, %dma_start3A_381] : memref<170000x128xf32, #tpu.memory_space<hbm>> -> memref<170000x128xf32, #tpu.memory_space<hbm>>
      tpu.enqueue_indirect_dma source(%dma_start3A_382 : memref<170000x128xf32, #tpu.memory_space<hbm>>) target(%dma_start3A_376 : memref<125x128xf32, #tpu.memory_space<vmem>>) offsets(%dma_start3A_379 : memref<125xi32, #tpu.memory_space<vmem>>) semaphore(%arg10 : memref<!tpu.dma_semaphore, #tpu.memory_space<semaphore_mem>>)
      %dma_wait3A_383 = arith.constant 7 : i32
      %dma_wait3A_384 = arith.constant 1 : i32
      %dma_wait3A_385 = arith.constant 0 : i32
      %dma_wait3A_386 = arith.constant 0 : i32
      %dma_wait3A_387 = tpu.memref_slice %arg9[%dma_wait3A_384, %dma_wait3A_385, %dma_wait3A_386] : memref<2x125x128xf32, #tpu.memory_space<vmem>> -> memref<1x125x128xf32, #tpu.memory_space<vmem>>
      %dma_wait3A_388 = tpu.memref_squeeze %dma_wait3A_387 : memref<1x125x128xf32, #tpu.memory_space<vmem>> -> memref<125x128xf32, #tpu.memory_space<vmem>>
      %dma_wait3A_389 = arith.constant 0 : i32
      %dma_wait3A_390 = tpu.memref_slice %arg7[%rem3A_44, %dma_wait3A_383, %dma_wait3A_389] : memref<2x8x125xi32, #tpu.memory_space<vmem>> -> memref<1x1x125xi32, #tpu.memory_space<vmem>>
      %dma_wait3A_391 = tpu.memref_squeeze %dma_wait3A_390 : memref<1x1x125xi32, #tpu.memory_space<vmem>> -> memref<125xi32, #tpu.memory_space<vmem>>
      %dma_wait3A_392 = arith.constant 0 : i32
      %dma_wait3A_393 = arith.constant 0 : i32
      %dma_wait3A_394 = tpu.memref_slice %arg2[%dma_wait3A_392, %dma_wait3A_393] : memref<170000x128xf32, #tpu.memory_space<hbm>> -> memref<170000x128xf32, #tpu.memory_space<hbm>>
      tpu.wait_indirect_dma semaphore(%arg10 : memref<!tpu.dma_semaphore, #tpu.memory_space<semaphore_mem>>) src(%dma_wait3A_394 : memref<170000x128xf32, #tpu.memory_space<hbm>>) dst(%dma_wait3A_388 : memref<125x128xf32, #tpu.memory_space<vmem>>)
      %dma_wait3A_395 = arith.constant 0 : i32
      %dma_wait3A_396 = arith.constant 6 : i32
      %dma_wait3A_397 = arith.constant 0 : i32
      %dma_wait3A_398 = arith.constant 0 : i32
      %dma_wait3A_399 = tpu.memref_slice %arg9[%dma_wait3A_395, %dma_wait3A_397, %dma_wait3A_398] : memref<2x125x128xf32, #tpu.memory_space<vmem>> -> memref<1x125x128xf32, #tpu.memory_space<vmem>>
      %dma_wait3A_400 = tpu.memref_squeeze %dma_wait3A_399 : memref<1x125x128xf32, #tpu.memory_space<vmem>> -> memref<125x128xf32, #tpu.memory_space<vmem>>
      %dma_wait3A_401 = arith.constant 0 : i32
      %dma_wait3A_402 = tpu.memref_slice %arg8[%rem3A_44, %dma_wait3A_396, %dma_wait3A_401] : memref<2x8x125xi32, #tpu.memory_space<vmem>> -> memref<1x1x125xi32, #tpu.memory_space<vmem>>
      %dma_wait3A_403 = tpu.memref_squeeze %dma_wait3A_402 : memref<1x1x125xi32, #tpu.memory_space<vmem>> -> memref<125xi32, #tpu.memory_space<vmem>>
      %dma_wait3A_404 = arith.constant 0 : i32
      %dma_wait3A_405 = arith.constant 0 : i32
      %dma_wait3A_406 = tpu.memref_slice %arg12[%dma_wait3A_404, %dma_wait3A_405] : memref<10000x128xf32, #tpu.memory_space<vmem_shared>> -> memref<10000x128xf32, #tpu.memory_space<vmem_shared>>
      tpu.wait_indirect_dma semaphore(%arg11 : memref<!tpu.dma_semaphore, #tpu.memory_space<semaphore_mem>>) src(%dma_wait3A_400 : memref<125x128xf32, #tpu.memory_space<vmem>>) dst(%dma_wait3A_406 : memref<10000x128xf32, #tpu.memory_space<vmem_shared>>)
      %dma_start3A_407 = arith.constant 1 : i32
      %dma_start3A_408 = arith.constant 7 : i32
      %dma_start3A_409 = arith.constant 0 : i32
      %dma_start3A_410 = arith.constant 0 : i32
      %dma_start3A_411 = tpu.memref_slice %arg9[%dma_start3A_407, %dma_start3A_409, %dma_start3A_410] : memref<2x125x128xf32, #tpu.memory_space<vmem>> -> memref<1x125x128xf32, #tpu.memory_space<vmem>>
      %dma_start3A_412 = tpu.memref_squeeze %dma_start3A_411 : memref<1x125x128xf32, #tpu.memory_space<vmem>> -> memref<125x128xf32, #tpu.memory_space<vmem>>
      %dma_start3A_413 = arith.constant 0 : i32
      %dma_start3A_414 = tpu.memref_slice %arg8[%rem3A_44, %dma_start3A_408, %dma_start3A_413] : memref<2x8x125xi32, #tpu.memory_space<vmem>> -> memref<1x1x125xi32, #tpu.memory_space<vmem>>
      %dma_start3A_415 = tpu.memref_squeeze %dma_start3A_414 : memref<1x1x125xi32, #tpu.memory_space<vmem>> -> memref<125xi32, #tpu.memory_space<vmem>>
      %dma_start3A_416 = arith.constant 0 : i32
      %dma_start3A_417 = arith.constant 0 : i32
      %dma_start3A_418 = tpu.memref_slice %arg12[%dma_start3A_416, %dma_start3A_417] : memref<10000x128xf32, #tpu.memory_space<vmem_shared>> -> memref<10000x128xf32, #tpu.memory_space<vmem_shared>>
      tpu.enqueue_indirect_dma source(%dma_start3A_412 : memref<125x128xf32, #tpu.memory_space<vmem>>) target(%dma_start3A_418 : memref<10000x128xf32, #tpu.memory_space<vmem_shared>>) offsets(%dma_start3A_415 : memref<125xi32, #tpu.memory_space<vmem>>) semaphore(%arg11 : memref<!tpu.dma_semaphore, #tpu.memory_space<semaphore_mem>>) {add = true}
      %add3A_419 = arith.constant 1 : i32
      %add3A_420 = arith.addi %scan3A_42, %add3A_419 : i32
      %lt3A_421 = arith.constant 10 : i32
      %lt3A_422 = arith.cmpi slt, %add3A_420, %lt3A_421 : i32
      %convert_element_type3A_423 = arith.extui %lt3A_422 : i1 to i32
      %cond3A_424 = arith.constant 0 : i32
      %cond3A_425 = arith.cmpi ne, %convert_element_type3A_423, %cond3A_424 : i32
      scf.if %cond3A_425 {
        %dma_start3A_427 = arith.constant 0 : i32
        %dma_start3A_428 = arith.constant 0 : i32
        %dma_start3A_429 = arith.constant 0 : i32
        %dma_start3A_430 = arith.constant 0 : i32
        %dma_start3A_431 = tpu.memref_slice %arg9[%dma_start3A_428, %dma_start3A_429, %dma_start3A_430] : memref<2x125x128xf32, #tpu.memory_space<vmem>> -> memref<1x125x128xf32, #tpu.memory_space<vmem>>
        %dma_start3A_432 = tpu.memref_squeeze %dma_start3A_431 : memref<1x125x128xf32, #tpu.memory_space<vmem>> -> memref<125x128xf32, #tpu.memory_space<vmem>>
        %dma_start3A_433 = arith.constant 0 : i32
        %dma_start3A_434 = tpu.memref_slice %arg7[%rem3A_48, %dma_start3A_427, %dma_start3A_433] : memref<2x8x125xi32, #tpu.memory_space<vmem>> -> memref<1x1x125xi32, #tpu.memory_space<vmem>>
        %dma_start3A_435 = tpu.memref_squeeze %dma_start3A_434 : memref<1x1x125xi32, #tpu.memory_space<vmem>> -> memref<125xi32, #tpu.memory_space<vmem>>
        %dma_start3A_436 = arith.constant 0 : i32
        %dma_start3A_437 = arith.constant 0 : i32
        %dma_start3A_438 = tpu.memref_slice %arg2[%dma_start3A_436, %dma_start3A_437] : memref<170000x128xf32, #tpu.memory_space<hbm>> -> memref<170000x128xf32, #tpu.memory_space<hbm>>
        tpu.enqueue_indirect_dma source(%dma_start3A_438 : memref<170000x128xf32, #tpu.memory_space<hbm>>) target(%dma_start3A_432 : memref<125x128xf32, #tpu.memory_space<vmem>>) offsets(%dma_start3A_435 : memref<125xi32, #tpu.memory_space<vmem>>) semaphore(%arg10 : memref<!tpu.dma_semaphore, #tpu.memory_space<semaphore_mem>>)
      } else {
      }
      %scan3A_426 = arith.constant 0 : i32
      scf.yield %scan3A_426 : i32
    }
    %scan3A_23 = arith.constant 10 : i32
    %dma_wait3A = arith.constant 1 : i32
    %dma_wait3A_24 = arith.constant 1 : i32
    %dma_wait3A_25 = arith.constant 7 : i32
    %dma_wait3A_26 = arith.constant 0 : i32
    %dma_wait3A_27 = arith.constant 0 : i32
    %dma_wait3A_28 = tpu.memref_slice %arg9[%dma_wait3A, %dma_wait3A_26, %dma_wait3A_27] : memref<2x125x128xf32, #tpu.memory_space<vmem>> -> memref<1x125x128xf32, #tpu.memory_space<vmem>>
    %dma_wait3A_29 = tpu.memref_squeeze %dma_wait3A_28 : memref<1x125x128xf32, #tpu.memory_space<vmem>> -> memref<125x128xf32, #tpu.memory_space<vmem>>
    %dma_wait3A_30 = arith.constant 0 : i32
    %dma_wait3A_31 = tpu.memref_slice %arg8[%dma_wait3A_24, %dma_wait3A_25, %dma_wait3A_30] : memref<2x8x125xi32, #tpu.memory_space<vmem>> -> memref<1x1x125xi32, #tpu.memory_space<vmem>>
    %dma_wait3A_32 = tpu.memref_squeeze %dma_wait3A_31 : memref<1x1x125xi32, #tpu.memory_space<vmem>> -> memref<125xi32, #tpu.memory_space<vmem>>
    %dma_wait3A_33 = arith.constant 0 : i32
    %dma_wait3A_34 = arith.constant 0 : i32
    %dma_wait3A_35 = tpu.memref_slice %arg12[%dma_wait3A_33, %dma_wait3A_34] : memref<10000x128xf32, #tpu.memory_space<vmem_shared>> -> memref<10000x128xf32, #tpu.memory_space<vmem_shared>>
    tpu.wait_indirect_dma semaphore(%arg11 : memref<!tpu.dma_semaphore, #tpu.memory_space<semaphore_mem>>) src(%dma_wait3A_29 : memref<125x128xf32, #tpu.memory_space<vmem>>) dst(%dma_wait3A_35 : memref<10000x128xf32, #tpu.memory_space<vmem_shared>>)
    %barrier3A_36 = arith.constant 0 : index
    tpu.barrier barrier_id(%barrier3A_36)
    %eq3A_37 = arith.constant 0 : i32
    %eq3A_38 = arith.cmpi eq, %arg1, %eq3A_37 : i32
    %convert_element_type3A_39 = arith.extui %eq3A_38 : i1 to i32
    %cond3A_40 = arith.constant 0 : i32
    %cond3A_41 = arith.cmpi ne, %convert_element_type3A_39, %cond3A_40 : i32
    scf.if %cond3A_41 {
      "tpu.region"() ({
        %run_scoped3A_42 = tpu.sem_alloc : memref<!tpu.dma_semaphore, #tpu.memory_space<semaphore_mem>>
        %dma_start3A_43 = arith.constant 0 : i32
        %dma_start3A_44 = arith.constant 0 : i32
        %dma_start3A_45 = tpu.memref_slice %arg6[%arg0, %dma_start3A_43, %dma_start3A_44] : memref<2x10000x128xf32, #tpu.memory_space<hbm>> -> memref<1x10000x128xf32, #tpu.memory_space<hbm>>
        %dma_start3A_46 = tpu.memref_squeeze %dma_start3A_45 : memref<1x10000x128xf32, #tpu.memory_space<hbm>> -> memref<10000x128xf32, #tpu.memory_space<hbm>>
        %dma_start3A_47 = arith.constant 0 : i32
        %dma_start3A_48 = arith.constant 0 : i32
        %dma_start3A_49 = tpu.memref_slice %arg12[%dma_start3A_47, %dma_start3A_48] : memref<10000x128xf32, #tpu.memory_space<vmem_shared>> -> memref<10000x128xf32, #tpu.memory_space<vmem_shared>>
        tpu.enqueue_dma source(%dma_start3A_49 : memref<10000x128xf32, #tpu.memory_space<vmem_shared>>) target(%dma_start3A_46 : memref<10000x128xf32, #tpu.memory_space<hbm>>) target_semaphore(%run_scoped3A_42 : memref<!tpu.dma_semaphore, #tpu.memory_space<semaphore_mem>>)
        %dma_wait3A_50 = arith.constant 0 : i32
        %dma_wait3A_51 = arith.constant 0 : i32
        %dma_wait3A_52 = tpu.memref_slice %arg6[%arg0, %dma_wait3A_50, %dma_wait3A_51] : memref<2x10000x128xf32, #tpu.memory_space<hbm>> -> memref<1x10000x128xf32, #tpu.memory_space<hbm>>
        %dma_wait3A_53 = tpu.memref_squeeze %dma_wait3A_52 : memref<1x10000x128xf32, #tpu.memory_space<hbm>> -> memref<10000x128xf32, #tpu.memory_space<hbm>>
        %dma_wait3A_54 = arith.constant 0 : i32
        %dma_wait3A_55 = arith.constant 0 : i32
        %dma_wait3A_56 = tpu.memref_slice %arg12[%dma_wait3A_54, %dma_wait3A_55] : memref<10000x128xf32, #tpu.memory_space<vmem_shared>> -> memref<10000x128xf32, #tpu.memory_space<vmem_shared>>
        tpu.wait_dma2 semaphore(%run_scoped3A_42 : memref<!tpu.dma_semaphore, #tpu.memory_space<semaphore_mem>>) src(%dma_wait3A_56 : memref<10000x128xf32, #tpu.memory_space<vmem_shared>>) dst(%dma_wait3A_53 : memref<10000x128xf32, #tpu.memory_space<hbm>>)
        tpu.yield
      }) : () -> ()
    } else {
    }
    return
  }
}

#map = affine_map<(d0, d1) -> (0, 0)>
#map1 = affine_map<(d0, d1) -> (0, 0, 0, 0)>
#map2 = affine_map<(d0, d1) -> (0, 0, 0)>
module attributes {stable_mosaic.version = 14 : i64} {
  func.func @body(%arg0: i32, %arg1: i32, %arg2: memref<170000x128xf32, #tpu.memory_space<hbm>>, %arg3: memref<32x10x8x125xi32, #tpu.memory_space<hbm>>, %arg4: memref<32x10x8x125xi32, #tpu.memory_space<hbm>>, %arg5: memref<10000x128xf32, #tpu.memory_space<hbm>>, %arg6: memref<2x10000x128xf32, #tpu.memory_space<hbm>>, %arg7: memref<2x8x125xi32, #tpu.memory_space<vmem>>, %arg8: memref<2x8x125xi32, #tpu.memory_space<vmem>>, %arg9: memref<2x125x128xf32, #tpu.memory_space<vmem>>, %arg10: memref<!tpu.dma_semaphore, #tpu.memory_space<semaphore_mem>>, %arg11: memref<!tpu.dma_semaphore, #tpu.memory_space<semaphore_mem>>, %arg12: memref<10000x128xf32, #tpu.memory_space<vmem_shared>>) attributes {dimension_semantics = [#tpu.dimension_semantics<core_parallel>, #tpu.dimension_semantics<subcore_parallel>], iteration_bounds = array<i64: 2, 16>, scalar_prefetch = 0 : i64, scratch_operands = 6 : i64, tpu.core_type = #tpu.core_type<sc_vector_subcore>, window_params = [{transform_indices = #map}, {transform_indices = #map1}, {transform_indices = #map1}, {transform_indices = #map}, {transform_indices = #map2}]} {
    %mul3A = arith.constant 16 : i32
    %mul3A_0 = arith.muli %arg0, %mul3A : i32
    %add3A = arith.addi %mul3A_0, %arg1 : i32
    %eq3A = arith.constant 0 : i32
    %eq3A_1 = arith.cmpi eq, %arg1, %eq3A : i32
    %convert_element_type3A = arith.extui %eq3A_1 : i1 to i32
    %cond3A = arith.constant 0 : i32
    %cond3A_2 = arith.cmpi ne, %convert_element_type3A, %cond3A : i32
    scf.if %cond3A_2 {
      "tpu.region"() ({
        %run_scoped3A_42 = tpu.sem_alloc : memref<!tpu.dma_semaphore, #tpu.memory_space<semaphore_mem>>
        tpu.enqueue_dma source(%arg5 : memref<10000x128xf32, #tpu.memory_space<hbm>>) target(%arg12 : memref<10000x128xf32, #tpu.memory_space<vmem_shared>>) target_semaphore(%run_scoped3A_42 : memref<!tpu.dma_semaphore, #tpu.memory_space<semaphore_mem>>)
        tpu.wait_dma2 semaphore(%run_scoped3A_42 : memref<!tpu.dma_semaphore, #tpu.memory_space<semaphore_mem>>) src(%arg5 : memref<10000x128xf32, #tpu.memory_space<hbm>>) dst(%arg12 : memref<10000x128xf32, #tpu.memory_space<vmem_shared>>)
        tpu.yield
      }) : () -> ()
    } else {
    }
    %barrier3A = arith.constant 0 : index
    tpu.barrier barrier_id(%barrier3A)
    %run_scoped3A = arith.constant 0 : i32
    %run_scoped3A_3 = arith.constant 0 : i32
    "tpu.region"() ({
      %run_scoped3A_42 = tpu.sem_alloc : memref<!tpu.dma_semaphore, #tpu.memory_space<semaphore_mem>>
      %dma_start3A_43 = arith.constant 0 : i32
      %dma_start3A_44 = arith.constant 0 : i32
      %dma_start3A_45 = tpu.memref_slice %arg7[%run_scoped3A_3, %dma_start3A_43, %dma_start3A_44] : memref<2x8x125xi32, #tpu.memory_space<vmem>> -> memref<1x8x125xi32, #tpu.memory_space<vmem>>
      %dma_start3A_46 = tpu.memref_squeeze %dma_start3A_45 : memref<1x8x125xi32, #tpu.memory_space<vmem>> -> memref<8x125xi32, #tpu.memory_space<vmem>>
      %dma_start3A_47 = arith.constant 0 : i32
      %dma_start3A_48 = arith.constant 0 : i32
      %dma_start3A_49 = tpu.memref_slice %arg3[%add3A, %run_scoped3A, %dma_start3A_47, %dma_start3A_48] : memref<32x10x8x125xi32, #tpu.memory_space<hbm>> -> memref<1x1x8x125xi32, #tpu.memory_space<hbm>>
      %dma_start3A_50 = tpu.memref_squeeze %dma_start3A_49 : memref<1x1x8x125xi32, #tpu.memory_space<hbm>> -> memref<8x125xi32, #tpu.memory_space<hbm>>
      %dma_start3A_51 = arith.constant 0 : i32
      %dma_start3A_52 = arith.constant 0 : i32
      %dma_start3A_53 = tpu.memref_slice %arg7[%run_scoped3A_3, %dma_start3A_51, %dma_start3A_52] : memref<2x8x125xi32, #tpu.memory_space<vmem>> -> memref<1x8x125xi32, #tpu.memory_space<vmem>>
      %dma_start3A_54 = tpu.memref_squeeze %dma_start3A_53 : memref<1x8x125xi32, #tpu.memory_space<vmem>> -> memref<8x125xi32, #tpu.memory_space<vmem>>
      %dma_start3A_55 = arith.constant 0 : i32
      %dma_start3A_56 = arith.constant 0 : i32
      %dma_start3A_57 = tpu.memref_slice %arg3[%add3A, %run_scoped3A, %dma_start3A_55, %dma_start3A_56] : memref<32x10x8x125xi32, #tpu.memory_space<hbm>> -> memref<1x1x8x125xi32, #tpu.memory_space<hbm>>
      %dma_start3A_58 = tpu.memref_squeeze %dma_start3A_57 : memref<1x1x8x125xi32, #tpu.memory_space<hbm>> -> memref<8x125xi32, #tpu.memory_space<hbm>>
      tpu.enqueue_dma source(%dma_start3A_58 : memref<8x125xi32, #tpu.memory_space<hbm>>) target(%dma_start3A_54 : memref<8x125xi32, #tpu.memory_space<vmem>>) target_semaphore(%run_scoped3A_42 : memref<!tpu.dma_semaphore, #tpu.memory_space<semaphore_mem>>)
      %dma_wait3A_59 = arith.constant 0 : i32
      %dma_wait3A_60 = arith.constant 0 : i32
      %dma_wait3A_61 = tpu.memref_slice %arg7[%run_scoped3A_3, %dma_wait3A_59, %dma_wait3A_60] : memref<2x8x125xi32, #tpu.memory_space<vmem>> -> memref<1x8x125xi32, #tpu.memory_space<vmem>>
      %dma_wait3A_62 = tpu.memref_squeeze %dma_wait3A_61 : memref<1x8x125xi32, #tpu.memory_space<vmem>> -> memref<8x125xi32, #tpu.memory_space<vmem>>
      %dma_wait3A_63 = arith.constant 0 : i32
      %dma_wait3A_64 = arith.constant 0 : i32
      %dma_wait3A_65 = tpu.memref_slice %arg3[%add3A, %run_scoped3A, %dma_wait3A_63, %dma_wait3A_64] : memref<32x10x8x125xi32, #tpu.memory_space<hbm>> -> memref<1x1x8x125xi32, #tpu.memory_space<hbm>>
      %dma_wait3A_66 = tpu.memref_squeeze %dma_wait3A_65 : memref<1x1x8x125xi32, #tpu.memory_space<hbm>> -> memref<8x125xi32, #tpu.memory_space<hbm>>
      %dma_wait3A_67 = arith.constant 0 : i32
      %dma_wait3A_68 = arith.constant 0 : i32
      %dma_wait3A_69 = tpu.memref_slice %arg7[%run_scoped3A_3, %dma_wait3A_67, %dma_wait3A_68] : memref<2x8x125xi32, #tpu.memory_space<vmem>> -> memref<1x8x125xi32, #tpu.memory_space<vmem>>
      %dma_wait3A_70 = tpu.memref_squeeze %dma_wait3A_69 : memref<1x8x125xi32, #tpu.memory_space<vmem>> -> memref<8x125xi32, #tpu.memory_space<vmem>>
      %dma_wait3A_71 = arith.constant 0 : i32
      %dma_wait3A_72 = arith.constant 0 : i32
      %dma_wait3A_73 = tpu.memref_slice %arg3[%add3A, %run_scoped3A, %dma_wait3A_71, %dma_wait3A_72] : memref<32x10x8x125xi32, #tpu.memory_space<hbm>> -> memref<1x1x8x125xi32, #tpu.memory_space<hbm>>
      %dma_wait3A_74 = tpu.memref_squeeze %dma_wait3A_73 : memref<1x1x8x125xi32, #tpu.memory_space<hbm>> -> memref<8x125xi32, #tpu.memory_space<hbm>>
      tpu.wait_dma2 semaphore(%run_scoped3A_42 : memref<!tpu.dma_semaphore, #tpu.memory_space<semaphore_mem>>) src(%dma_wait3A_74 : memref<8x125xi32, #tpu.memory_space<hbm>>) dst(%dma_wait3A_70 : memref<8x125xi32, #tpu.memory_space<vmem>>)
      tpu.yield
    }) : () -> ()
    %run_scoped3A_4 = arith.constant 0 : i32
    %run_scoped3A_5 = arith.constant 0 : i32
    "tpu.region"() ({
      %run_scoped3A_42 = tpu.sem_alloc : memref<!tpu.dma_semaphore, #tpu.memory_space<semaphore_mem>>
      %dma_start3A_43 = arith.constant 0 : i32
      %dma_start3A_44 = arith.constant 0 : i32
      %dma_start3A_45 = tpu.memref_slice %arg8[%run_scoped3A_5, %dma_start3A_43, %dma_start3A_44] : memref<2x8x125xi32, #tpu.memory_space<vmem>> -> memref<1x8x125xi32, #tpu.memory_space<vmem>>
      %dma_start3A_46 = tpu.memref_squeeze %dma_start3A_45 : memref<1x8x125xi32, #tpu.memory_space<vmem>> -> memref<8x125xi32, #tpu.memory_space<vmem>>
      %dma_start3A_47 = arith.constant 0 : i32
      %dma_start3A_48 = arith.constant 0 : i32
      %dma_start3A_49 = tpu.memref_slice %arg4[%add3A, %run_scoped3A_4, %dma_start3A_47, %dma_start3A_48] : memref<32x10x8x125xi32, #tpu.memory_space<hbm>> -> memref<1x1x8x125xi32, #tpu.memory_space<hbm>>
      %dma_start3A_50 = tpu.memref_squeeze %dma_start3A_49 : memref<1x1x8x125xi32, #tpu.memory_space<hbm>> -> memref<8x125xi32, #tpu.memory_space<hbm>>
      %dma_start3A_51 = arith.constant 0 : i32
      %dma_start3A_52 = arith.constant 0 : i32
      %dma_start3A_53 = tpu.memref_slice %arg8[%run_scoped3A_5, %dma_start3A_51, %dma_start3A_52] : memref<2x8x125xi32, #tpu.memory_space<vmem>> -> memref<1x8x125xi32, #tpu.memory_space<vmem>>
      %dma_start3A_54 = tpu.memref_squeeze %dma_start3A_53 : memref<1x8x125xi32, #tpu.memory_space<vmem>> -> memref<8x125xi32, #tpu.memory_space<vmem>>
      %dma_start3A_55 = arith.constant 0 : i32
      %dma_start3A_56 = arith.constant 0 : i32
      %dma_start3A_57 = tpu.memref_slice %arg4[%add3A, %run_scoped3A_4, %dma_start3A_55, %dma_start3A_56] : memref<32x10x8x125xi32, #tpu.memory_space<hbm>> -> memref<1x1x8x125xi32, #tpu.memory_space<hbm>>
      %dma_start3A_58 = tpu.memref_squeeze %dma_start3A_57 : memref<1x1x8x125xi32, #tpu.memory_space<hbm>> -> memref<8x125xi32, #tpu.memory_space<hbm>>
      tpu.enqueue_dma source(%dma_start3A_58 : memref<8x125xi32, #tpu.memory_space<hbm>>) target(%dma_start3A_54 : memref<8x125xi32, #tpu.memory_space<vmem>>) target_semaphore(%run_scoped3A_42 : memref<!tpu.dma_semaphore, #tpu.memory_space<semaphore_mem>>)
      %dma_wait3A_59 = arith.constant 0 : i32
      %dma_wait3A_60 = arith.constant 0 : i32
      %dma_wait3A_61 = tpu.memref_slice %arg8[%run_scoped3A_5, %dma_wait3A_59, %dma_wait3A_60] : memref<2x8x125xi32, #tpu.memory_space<vmem>> -> memref<1x8x125xi32, #tpu.memory_space<vmem>>
      %dma_wait3A_62 = tpu.memref_squeeze %dma_wait3A_61 : memref<1x8x125xi32, #tpu.memory_space<vmem>> -> memref<8x125xi32, #tpu.memory_space<vmem>>
      %dma_wait3A_63 = arith.constant 0 : i32
      %dma_wait3A_64 = arith.constant 0 : i32
      %dma_wait3A_65 = tpu.memref_slice %arg4[%add3A, %run_scoped3A_4, %dma_wait3A_63, %dma_wait3A_64] : memref<32x10x8x125xi32, #tpu.memory_space<hbm>> -> memref<1x1x8x125xi32, #tpu.memory_space<hbm>>
      %dma_wait3A_66 = tpu.memref_squeeze %dma_wait3A_65 : memref<1x1x8x125xi32, #tpu.memory_space<hbm>> -> memref<8x125xi32, #tpu.memory_space<hbm>>
      %dma_wait3A_67 = arith.constant 0 : i32
      %dma_wait3A_68 = arith.constant 0 : i32
      %dma_wait3A_69 = tpu.memref_slice %arg8[%run_scoped3A_5, %dma_wait3A_67, %dma_wait3A_68] : memref<2x8x125xi32, #tpu.memory_space<vmem>> -> memref<1x8x125xi32, #tpu.memory_space<vmem>>
      %dma_wait3A_70 = tpu.memref_squeeze %dma_wait3A_69 : memref<1x8x125xi32, #tpu.memory_space<vmem>> -> memref<8x125xi32, #tpu.memory_space<vmem>>
      %dma_wait3A_71 = arith.constant 0 : i32
      %dma_wait3A_72 = arith.constant 0 : i32
      %dma_wait3A_73 = tpu.memref_slice %arg4[%add3A, %run_scoped3A_4, %dma_wait3A_71, %dma_wait3A_72] : memref<32x10x8x125xi32, #tpu.memory_space<hbm>> -> memref<1x1x8x125xi32, #tpu.memory_space<hbm>>
      %dma_wait3A_74 = tpu.memref_squeeze %dma_wait3A_73 : memref<1x1x8x125xi32, #tpu.memory_space<hbm>> -> memref<8x125xi32, #tpu.memory_space<hbm>>
      tpu.wait_dma2 semaphore(%run_scoped3A_42 : memref<!tpu.dma_semaphore, #tpu.memory_space<semaphore_mem>>) src(%dma_wait3A_74 : memref<8x125xi32, #tpu.memory_space<hbm>>) dst(%dma_wait3A_70 : memref<8x125xi32, #tpu.memory_space<vmem>>)
      tpu.yield
    }) : () -> ()
    %dma_start3A = arith.constant 0 : i32
    %dma_start3A_6 = arith.constant 0 : i32
    %dma_start3A_7 = arith.constant 0 : i32
    %dma_start3A_8 = arith.constant 0 : i32
    %dma_start3A_9 = arith.constant 0 : i32
    %dma_start3A_10 = tpu.memref_slice %arg9[%dma_start3A_7, %dma_start3A_8, %dma_start3A_9] : memref<2x125x128xf32, #tpu.memory_space<vmem>> -> memref<1x125x128xf32, #tpu.memory_space<vmem>>
    %dma_start3A_11 = tpu.memref_squeeze %dma_start3A_10 : memref<1x125x128xf32, #tpu.memory_space<vmem>> -> memref<125x128xf32, #tpu.memory_space<vmem>>
    %dma_start3A_12 = arith.constant 0 : i32
    %dma_start3A_13 = tpu.memref_slice %arg7[%dma_start3A, %dma_start3A_6, %dma_start3A_12] : memref<2x8x125xi32, #tpu.memory_space<vmem>> -> memref<1x1x125xi32, #tpu.memory_space<vmem>>
    %dma_start3A_14 = tpu.memref_squeeze %dma_start3A_13 : memref<1x1x125xi32, #tpu.memory_space<vmem>> -> memref<125xi32, #tpu.memory_space<vmem>>
    %dma_start3A_15 = arith.constant 0 : i32
    %dma_start3A_16 = arith.constant 0 : i32
    %dma_start3A_17 = tpu.memref_slice %arg2[%dma_start3A_15, %dma_start3A_16] : memref<170000x128xf32, #tpu.memory_space<hbm>> -> memref<170000x128xf32, #tpu.memory_space<hbm>>
    tpu.enqueue_indirect_dma source(%dma_start3A_17 : memref<170000x128xf32, #tpu.memory_space<hbm>>) target(%dma_start3A_11 : memref<125x128xf32, #tpu.memory_space<vmem>>) offsets(%dma_start3A_14 : memref<125xi32, #tpu.memory_space<vmem>>) semaphore(%arg10 : memref<!tpu.dma_semaphore, #tpu.memory_space<semaphore_mem>>)
    %scan3A = arith.constant 0 : i32
    %scan3A_18 = arith.constant 0 : i32
    %scan3A_19 = arith.constant 10 : i32
    %scan3A_20 = arith.addi %scan3A_18, %scan3A_19 : i32
    %scan3A_21 = arith.constant 1 : i32
    %scan3A_22 = scf.for %scan3A_42 = %scan3A_18 to %scan3A_20 step %scan3A_21 iter_args(%scan3A_43 = %scan3A) -> (i32)  : i32 {
      %rem3A = arith.constant 2 : i32
      %rem3A_44 = arith.remsi %scan3A_42, %rem3A : i32
      %add3A_45 = arith.constant 1 : i32
      %add3A_46 = arith.addi %scan3A_42, %add3A_45 : i32
      %rem3A_47 = arith.constant 2 : i32
      %rem3A_48 = arith.remsi %add3A_46, %rem3A_47 : i32
      %gt3A = arith.constant 0 : i32
      %gt3A_49 = arith.cmpi sgt, %scan3A_42, %gt3A : i32
      %convert_element_type3A_50 = arith.extui %gt3A_49 : i1 to i32
      %cond3A_51 = arith.constant 0 : i32
      %cond3A_52 = arith.cmpi ne, %convert_element_type3A_50, %cond3A_51 : i32
      scf.if %cond3A_52 {
        %dma_wait3A_427 = arith.constant 1 : i32
        %dma_wait3A_428 = arith.constant 7 : i32
        %dma_wait3A_429 = arith.constant 0 : i32
        %dma_wait3A_430 = arith.constant 0 : i32
        %dma_wait3A_431 = tpu.memref_slice %arg9[%dma_wait3A_427, %dma_wait3A_429, %dma_wait3A_430] : memref<2x125x128xf32, #tpu.memory_space<vmem>> -> memref<1x125x128xf32, #tpu.memory_space<vmem>>
        %dma_wait3A_432 = tpu.memref_squeeze %dma_wait3A_431 : memref<1x125x128xf32, #tpu.memory_space<vmem>> -> memref<125x128xf32, #tpu.memory_space<vmem>>
        %dma_wait3A_433 = arith.constant 0 : i32
        %dma_wait3A_434 = tpu.memref_slice %arg8[%rem3A_48, %dma_wait3A_428, %dma_wait3A_433] : memref<2x8x125xi32, #tpu.memory_space<vmem>> -> memref<1x1x125xi32, #tpu.memory_space<vmem>>
        %dma_wait3A_435 = tpu.memref_squeeze %dma_wait3A_434 : memref<1x1x125xi32, #tpu.memory_space<vmem>> -> memref<125xi32, #tpu.memory_space<vmem>>
        %dma_wait3A_436 = arith.constant 0 : i32
        %dma_wait3A_437 = arith.constant 0 : i32
        %dma_wait3A_438 = tpu.memref_slice %arg12[%dma_wait3A_436, %dma_wait3A_437] : memref<10000x128xf32, #tpu.memory_space<vmem_shared>> -> memref<10000x128xf32, #tpu.memory_space<vmem_shared>>
        tpu.wait_indirect_dma semaphore(%arg11 : memref<!tpu.dma_semaphore, #tpu.memory_space<semaphore_mem>>) src(%dma_wait3A_432 : memref<125x128xf32, #tpu.memory_space<vmem>>) dst(%dma_wait3A_438 : memref<10000x128xf32, #tpu.memory_space<vmem_shared>>)
      } else {
      }
      %add3A_53 = arith.constant 1 : i32
      %add3A_54 = arith.addi %scan3A_42, %add3A_53 : i32
      %lt3A = arith.constant 10 : i32
      %lt3A_55 = arith.cmpi slt, %add3A_54, %lt3A : i32
      %convert_element_type3A_56 = arith.extui %lt3A_55 : i1 to i32
      %cond3A_57 = arith.constant 0 : i32
      %cond3A_58 = arith.cmpi ne, %convert_element_type3A_56, %cond3A_57 : i32
      scf.if %cond3A_58 {
        %add3A_427 = arith.constant 1 : i32
        %add3A_428 = arith.addi %scan3A_42, %add3A_427 : i32
        "tpu.region"() ({
          %run_scoped3A_431 = tpu.sem_alloc : memref<!tpu.dma_semaphore, #tpu.memory_space<semaphore_mem>>
          %dma_start3A_432 = arith.constant 0 : i32
          %dma_start3A_433 = arith.constant 0 : i32
          %dma_start3A_434 = tpu.memref_slice %arg7[%rem3A_48, %dma_start3A_432, %dma_start3A_433] : memref<2x8x125xi32, #tpu.memory_space<vmem>> -> memref<1x8x125xi32, #tpu.memory_space<vmem>>
          %dma_start3A_435 = tpu.memref_squeeze %dma_start3A_434 : memref<1x8x125xi32, #tpu.memory_space<vmem>> -> memref<8x125xi32, #tpu.memory_space<vmem>>
          %dma_start3A_436 = arith.constant 0 : i32
          %dma_start3A_437 = arith.constant 0 : i32
          %dma_start3A_438 = tpu.memref_slice %arg3[%add3A, %add3A_428, %dma_start3A_436, %dma_start3A_437] : memref<32x10x8x125xi32, #tpu.memory_space<hbm>> -> memref<1x1x8x125xi32, #tpu.memory_space<hbm>>
          %dma_start3A_439 = tpu.memref_squeeze %dma_start3A_438 : memref<1x1x8x125xi32, #tpu.memory_space<hbm>> -> memref<8x125xi32, #tpu.memory_space<hbm>>
          %dma_start3A_440 = arith.constant 0 : i32
          %dma_start3A_441 = arith.constant 0 : i32
          %dma_start3A_442 = tpu.memref_slice %arg7[%rem3A_48, %dma_start3A_440, %dma_start3A_441] : memref<2x8x125xi32, #tpu.memory_space<vmem>> -> memref<1x8x125xi32, #tpu.memory_space<vmem>>
          %dma_start3A_443 = tpu.memref_squeeze %dma_start3A_442 : memref<1x8x125xi32, #tpu.memory_space<vmem>> -> memref<8x125xi32, #tpu.memory_space<vmem>>
          %dma_start3A_444 = arith.constant 0 : i32
          %dma_start3A_445 = arith.constant 0 : i32
          %dma_start3A_446 = tpu.memref_slice %arg3[%add3A, %add3A_428, %dma_start3A_444, %dma_start3A_445] : memref<32x10x8x125xi32, #tpu.memory_space<hbm>> -> memref<1x1x8x125xi32, #tpu.memory_space<hbm>>
          %dma_start3A_447 = tpu.memref_squeeze %dma_start3A_446 : memref<1x1x8x125xi32, #tpu.memory_space<hbm>> -> memref<8x125xi32, #tpu.memory_space<hbm>>
          tpu.enqueue_dma source(%dma_start3A_447 : memref<8x125xi32, #tpu.memory_space<hbm>>) target(%dma_start3A_443 : memref<8x125xi32, #tpu.memory_space<vmem>>) target_semaphore(%run_scoped3A_431 : memref<!tpu.dma_semaphore, #tpu.memory_space<semaphore_mem>>)
          %dma_wait3A_448 = arith.constant 0 : i32
          %dma_wait3A_449 = arith.constant 0 : i32
          %dma_wait3A_450 = tpu.memref_slice %arg7[%rem3A_48, %dma_wait3A_448, %dma_wait3A_449] : memref<2x8x125xi32, #tpu.memory_space<vmem>> -> memref<1x8x125xi32, #tpu.memory_space<vmem>>
          %dma_wait3A_451 = tpu.memref_squeeze %dma_wait3A_450 : memref<1x8x125xi32, #tpu.memory_space<vmem>> -> memref<8x125xi32, #tpu.memory_space<vmem>>
          %dma_wait3A_452 = arith.constant 0 : i32
          %dma_wait3A_453 = arith.constant 0 : i32
          %dma_wait3A_454 = tpu.memref_slice %arg3[%add3A, %add3A_428, %dma_wait3A_452, %dma_wait3A_453] : memref<32x10x8x125xi32, #tpu.memory_space<hbm>> -> memref<1x1x8x125xi32, #tpu.memory_space<hbm>>
          %dma_wait3A_455 = tpu.memref_squeeze %dma_wait3A_454 : memref<1x1x8x125xi32, #tpu.memory_space<hbm>> -> memref<8x125xi32, #tpu.memory_space<hbm>>
          %dma_wait3A_456 = arith.constant 0 : i32
          %dma_wait3A_457 = arith.constant 0 : i32
          %dma_wait3A_458 = tpu.memref_slice %arg7[%rem3A_48, %dma_wait3A_456, %dma_wait3A_457] : memref<2x8x125xi32, #tpu.memory_space<vmem>> -> memref<1x8x125xi32, #tpu.memory_space<vmem>>
          %dma_wait3A_459 = tpu.memref_squeeze %dma_wait3A_458 : memref<1x8x125xi32, #tpu.memory_space<vmem>> -> memref<8x125xi32, #tpu.memory_space<vmem>>
          %dma_wait3A_460 = arith.constant 0 : i32
          %dma_wait3A_461 = arith.constant 0 : i32
          %dma_wait3A_462 = tpu.memref_slice %arg3[%add3A, %add3A_428, %dma_wait3A_460, %dma_wait3A_461] : memref<32x10x8x125xi32, #tpu.memory_space<hbm>> -> memref<1x1x8x125xi32, #tpu.memory_space<hbm>>
          %dma_wait3A_463 = tpu.memref_squeeze %dma_wait3A_462 : memref<1x1x8x125xi32, #tpu.memory_space<hbm>> -> memref<8x125xi32, #tpu.memory_space<hbm>>
          tpu.wait_dma2 semaphore(%run_scoped3A_431 : memref<!tpu.dma_semaphore, #tpu.memory_space<semaphore_mem>>) src(%dma_wait3A_463 : memref<8x125xi32, #tpu.memory_space<hbm>>) dst(%dma_wait3A_459 : memref<8x125xi32, #tpu.memory_space<vmem>>)
          tpu.yield
        }) : () -> ()
        %add3A_429 = arith.constant 1 : i32
        %add3A_430 = arith.addi %scan3A_42, %add3A_429 : i32
        "tpu.region"() ({
          %run_scoped3A_431 = tpu.sem_alloc : memref<!tpu.dma_semaphore, #tpu.memory_space<semaphore_mem>>
          %dma_start3A_432 = arith.constant 0 : i32
          %dma_start3A_433 = arith.constant 0 : i32
          %dma_start3A_434 = tpu.memref_slice %arg8[%rem3A_48, %dma_start3A_432, %dma_start3A_433] : memref<2x8x125xi32, #tpu.memory_space<vmem>> -> memref<1x8x125xi32, #tpu.memory_space<vmem>>
          %dma_start3A_435 = tpu.memref_squeeze %dma_start3A_434 : memref<1x8x125xi32, #tpu.memory_space<vmem>> -> memref<8x125xi32, #tpu.memory_space<vmem>>
          %dma_start3A_436 = arith.constant 0 : i32
          %dma_start3A_437 = arith.constant 0 : i32
          %dma_start3A_438 = tpu.memref_slice %arg4[%add3A, %add3A_430, %dma_start3A_436, %dma_start3A_437] : memref<32x10x8x125xi32, #tpu.memory_space<hbm>> -> memref<1x1x8x125xi32, #tpu.memory_space<hbm>>
          %dma_start3A_439 = tpu.memref_squeeze %dma_start3A_438 : memref<1x1x8x125xi32, #tpu.memory_space<hbm>> -> memref<8x125xi32, #tpu.memory_space<hbm>>
          %dma_start3A_440 = arith.constant 0 : i32
          %dma_start3A_441 = arith.constant 0 : i32
          %dma_start3A_442 = tpu.memref_slice %arg8[%rem3A_48, %dma_start3A_440, %dma_start3A_441] : memref<2x8x125xi32, #tpu.memory_space<vmem>> -> memref<1x8x125xi32, #tpu.memory_space<vmem>>
          %dma_start3A_443 = tpu.memref_squeeze %dma_start3A_442 : memref<1x8x125xi32, #tpu.memory_space<vmem>> -> memref<8x125xi32, #tpu.memory_space<vmem>>
          %dma_start3A_444 = arith.constant 0 : i32
          %dma_start3A_445 = arith.constant 0 : i32
          %dma_start3A_446 = tpu.memref_slice %arg4[%add3A, %add3A_430, %dma_start3A_444, %dma_start3A_445] : memref<32x10x8x125xi32, #tpu.memory_space<hbm>> -> memref<1x1x8x125xi32, #tpu.memory_space<hbm>>
          %dma_start3A_447 = tpu.memref_squeeze %dma_start3A_446 : memref<1x1x8x125xi32, #tpu.memory_space<hbm>> -> memref<8x125xi32, #tpu.memory_space<hbm>>
          tpu.enqueue_dma source(%dma_start3A_447 : memref<8x125xi32, #tpu.memory_space<hbm>>) target(%dma_start3A_443 : memref<8x125xi32, #tpu.memory_space<vmem>>) target_semaphore(%run_scoped3A_431 : memref<!tpu.dma_semaphore, #tpu.memory_space<semaphore_mem>>)
          %dma_wait3A_448 = arith.constant 0 : i32
          %dma_wait3A_449 = arith.constant 0 : i32
          %dma_wait3A_450 = tpu.memref_slice %arg8[%rem3A_48, %dma_wait3A_448, %dma_wait3A_449] : memref<2x8x125xi32, #tpu.memory_space<vmem>> -> memref<1x8x125xi32, #tpu.memory_space<vmem>>
          %dma_wait3A_451 = tpu.memref_squeeze %dma_wait3A_450 : memref<1x8x125xi32, #tpu.memory_space<vmem>> -> memref<8x125xi32, #tpu.memory_space<vmem>>
          %dma_wait3A_452 = arith.constant 0 : i32
          %dma_wait3A_453 = arith.constant 0 : i32
          %dma_wait3A_454 = tpu.memref_slice %arg4[%add3A, %add3A_430, %dma_wait3A_452, %dma_wait3A_453] : memref<32x10x8x125xi32, #tpu.memory_space<hbm>> -> memref<1x1x8x125xi32, #tpu.memory_space<hbm>>
          %dma_wait3A_455 = tpu.memref_squeeze %dma_wait3A_454 : memref<1x1x8x125xi32, #tpu.memory_space<hbm>> -> memref<8x125xi32, #tpu.memory_space<hbm>>
          %dma_wait3A_456 = arith.constant 0 : i32
          %dma_wait3A_457 = arith.constant 0 : i32
          %dma_wait3A_458 = tpu.memref_slice %arg8[%rem3A_48, %dma_wait3A_456, %dma_wait3A_457] : memref<2x8x125xi32, #tpu.memory_space<vmem>> -> memref<1x8x125xi32, #tpu.memory_space<vmem>>
          %dma_wait3A_459 = tpu.memref_squeeze %dma_wait3A_458 : memref<1x8x125xi32, #tpu.memory_space<vmem>> -> memref<8x125xi32, #tpu.memory_space<vmem>>
          %dma_wait3A_460 = arith.constant 0 : i32
          %dma_wait3A_461 = arith.constant 0 : i32
          %dma_wait3A_462 = tpu.memref_slice %arg4[%add3A, %add3A_430, %dma_wait3A_460, %dma_wait3A_461] : memref<32x10x8x125xi32, #tpu.memory_space<hbm>> -> memref<1x1x8x125xi32, #tpu.memory_space<hbm>>
          %dma_wait3A_463 = tpu.memref_squeeze %dma_wait3A_462 : memref<1x1x8x125xi32, #tpu.memory_space<hbm>> -> memref<8x125xi32, #tpu.memory_space<hbm>>
          tpu.wait_dma2 semaphore(%run_scoped3A_431 : memref<!tpu.dma_semaphore, #tpu.memory_space<semaphore_mem>>) src(%dma_wait3A_463 : memref<8x125xi32, #tpu.memory_space<hbm>>) dst(%dma_wait3A_459 : memref<8x125xi32, #tpu.memory_space<vmem>>)
          tpu.yield
        }) : () -> ()
      } else {
      }
      %dma_wait3A_59 = arith.constant 0 : i32
      %dma_wait3A_60 = arith.constant 0 : i32
      %dma_wait3A_61 = arith.constant 0 : i32
      %dma_wait3A_62 = arith.constant 0 : i32
      %dma_wait3A_63 = tpu.memref_slice %arg9[%dma_wait3A_60, %dma_wait3A_61, %dma_wait3A_62] : memref<2x125x128xf32, #tpu.memory_space<vmem>> -> memref<1x125x128xf32, #tpu.memory_space<vmem>>
      %dma_wait3A_64 = tpu.memref_squeeze %dma_wait3A_63 : memref<1x125x128xf32, #tpu.memory_space<vmem>> -> memref<125x128xf32, #tpu.memory_space<vmem>>
      %dma_wait3A_65 = arith.constant 0 : i32
      %dma_wait3A_66 = tpu.memref_slice %arg7[%rem3A_44, %dma_wait3A_59, %dma_wait3A_65] : memref<2x8x125xi32, #tpu.memory_space<vmem>> -> memref<1x1x125xi32, #tpu.memory_space<vmem>>
      %dma_wait3A_67 = tpu.memref_squeeze %dma_wait3A_66 : memref<1x1x125xi32, #tpu.memory_space<vmem>> -> memref<125xi32, #tpu.memory_space<vmem>>
      %dma_wait3A_68 = arith.constant 0 : i32
      %dma_wait3A_69 = arith.constant 0 : i32
      %dma_wait3A_70 = tpu.memref_slice %arg2[%dma_wait3A_68, %dma_wait3A_69] : memref<170000x128xf32, #tpu.memory_space<hbm>> -> memref<170000x128xf32, #tpu.memory_space<hbm>>
      tpu.wait_indirect_dma semaphore(%arg10 : memref<!tpu.dma_semaphore, #tpu.memory_space<semaphore_mem>>) src(%dma_wait3A_70 : memref<170000x128xf32, #tpu.memory_space<hbm>>) dst(%dma_wait3A_64 : memref<125x128xf32, #tpu.memory_space<vmem>>)
      %dma_start3A_71 = arith.constant 0 : i32
      %dma_start3A_72 = arith.constant 0 : i32
      %dma_start3A_73 = arith.constant 0 : i32
      %dma_start3A_74 = arith.constant 0 : i32
      %dma_start3A_75 = tpu.memref_slice %arg9[%dma_start3A_71, %dma_start3A_73, %dma_start3A_74] : memref<2x125x128xf32, #tpu.memory_space<vmem>> -> memref<1x125x128xf32, #tpu.memory_space<vmem>>
      %dma_start3A_76 = tpu.memref_squeeze %dma_start3A_75 : memref<1x125x128xf32, #tpu.memory_space<vmem>> -> memref<125x128xf32, #tpu.memory_space<vmem>>
      %dma_start3A_77 = arith.constant 0 : i32
      %dma_start3A_78 = tpu.memref_slice %arg8[%rem3A_44, %dma_start3A_72, %dma_start3A_77] : memref<2x8x125xi32, #tpu.memory_space<vmem>> -> memref<1x1x125xi32, #tpu.memory_space<vmem>>
      %dma_start3A_79 = tpu.memref_squeeze %dma_start3A_78 : memref<1x1x125xi32, #tpu.memory_space<vmem>> -> memref<125xi32, #tpu.memory_space<vmem>>
      %dma_start3A_80 = arith.constant 0 : i32
      %dma_start3A_81 = arith.constant 0 : i32
      %dma_start3A_82 = tpu.memref_slice %arg12[%dma_start3A_80, %dma_start3A_81] : memref<10000x128xf32, #tpu.memory_space<vmem_shared>> -> memref<10000x128xf32, #tpu.memory_space<vmem_shared>>
      tpu.enqueue_indirect_dma source(%dma_start3A_76 : memref<125x128xf32, #tpu.memory_space<vmem>>) target(%dma_start3A_82 : memref<10000x128xf32, #tpu.memory_space<vmem_shared>>) offsets(%dma_start3A_79 : memref<125xi32, #tpu.memory_space<vmem>>) semaphore(%arg11 : memref<!tpu.dma_semaphore, #tpu.memory_space<semaphore_mem>>) {add = true}
      %dma_start3A_83 = arith.constant 1 : i32
      %dma_start3A_84 = arith.constant 1 : i32
      %dma_start3A_85 = arith.constant 0 : i32
      %dma_start3A_86 = arith.constant 0 : i32
      %dma_start3A_87 = tpu.memref_slice %arg9[%dma_start3A_84, %dma_start3A_85, %dma_start3A_86] : memref<2x125x128xf32, #tpu.memory_space<vmem>> -> memref<1x125x128xf32, #tpu.memory_space<vmem>>
      %dma_start3A_88 = tpu.memref_squeeze %dma_start3A_87 : memref<1x125x128xf32, #tpu.memory_space<vmem>> -> memref<125x128xf32, #tpu.memory_space<vmem>>
      %dma_start3A_89 = arith.constant 0 : i32
      %dma_start3A_90 = tpu.memref_slice %arg7[%rem3A_44, %dma_start3A_83, %dma_start3A_89] : memref<2x8x125xi32, #tpu.memory_space<vmem>> -> memref<1x1x125xi32, #tpu.memory_space<vmem>>
      %dma_start3A_91 = tpu.memref_squeeze %dma_start3A_90 : memref<1x1x125xi32, #tpu.memory_space<vmem>> -> memref<125xi32, #tpu.memory_space<vmem>>
      %dma_start3A_92 = arith.constant 0 : i32
      %dma_start3A_93 = arith.constant 0 : i32
      %dma_start3A_94 = tpu.memref_slice %arg2[%dma_start3A_92, %dma_start3A_93] : memref<170000x128xf32, #tpu.memory_space<hbm>> -> memref<170000x128xf32, #tpu.memory_space<hbm>>
      tpu.enqueue_indirect_dma source(%dma_start3A_94 : memref<170000x128xf32, #tpu.memory_space<hbm>>) target(%dma_start3A_88 : memref<125x128xf32, #tpu.memory_space<vmem>>) offsets(%dma_start3A_91 : memref<125xi32, #tpu.memory_space<vmem>>) semaphore(%arg10 : memref<!tpu.dma_semaphore, #tpu.memory_space<semaphore_mem>>)
      %dma_wait3A_95 = arith.constant 1 : i32
      %dma_wait3A_96 = arith.constant 1 : i32
      %dma_wait3A_97 = arith.constant 0 : i32
      %dma_wait3A_98 = arith.constant 0 : i32
      %dma_wait3A_99 = tpu.memref_slice %arg9[%dma_wait3A_96, %dma_wait3A_97, %dma_wait3A_98] : memref<2x125x128xf32, #tpu.memory_space<vmem>> -> memref<1x125x128xf32, #tpu.memory_space<vmem>>
      %dma_wait3A_100 = tpu.memref_squeeze %dma_wait3A_99 : memref<1x125x128xf32, #tpu.memory_space<vmem>> -> memref<125x128xf32, #tpu.memory_space<vmem>>
      %dma_wait3A_101 = arith.constant 0 : i32
      %dma_wait3A_102 = tpu.memref_slice %arg7[%rem3A_44, %dma_wait3A_95, %dma_wait3A_101] : memref<2x8x125xi32, #tpu.memory_space<vmem>> -> memref<1x1x125xi32, #tpu.memory_space<vmem>>
      %dma_wait3A_103 = tpu.memref_squeeze %dma_wait3A_102 : memref<1x1x125xi32, #tpu.memory_space<vmem>> -> memref<125xi32, #tpu.memory_space<vmem>>
      %dma_wait3A_104 = arith.constant 0 : i32
      %dma_wait3A_105 = arith.constant 0 : i32
      %dma_wait3A_106 = tpu.memref_slice %arg2[%dma_wait3A_104, %dma_wait3A_105] : memref<170000x128xf32, #tpu.memory_space<hbm>> -> memref<170000x128xf32, #tpu.memory_space<hbm>>
      tpu.wait_indirect_dma semaphore(%arg10 : memref<!tpu.dma_semaphore, #tpu.memory_space<semaphore_mem>>) src(%dma_wait3A_106 : memref<170000x128xf32, #tpu.memory_space<hbm>>) dst(%dma_wait3A_100 : memref<125x128xf32, #tpu.memory_space<vmem>>)
      %dma_wait3A_107 = arith.constant 0 : i32
      %dma_wait3A_108 = arith.constant 0 : i32
      %dma_wait3A_109 = arith.constant 0 : i32
      %dma_wait3A_110 = arith.constant 0 : i32
      %dma_wait3A_111 = tpu.memref_slice %arg9[%dma_wait3A_107, %dma_wait3A_109, %dma_wait3A_110] : memref<2x125x128xf32, #tpu.memory_space<vmem>> -> memref<1x125x128xf32, #tpu.memory_space<vmem>>
      %dma_wait3A_112 = tpu.memref_squeeze %dma_wait3A_111 : memref<1x125x128xf32, #tpu.memory_space<vmem>> -> memref<125x128xf32, #tpu.memory_space<vmem>>
      %dma_wait3A_113 = arith.constant 0 : i32
      %dma_wait3A_114 = tpu.memref_slice %arg8[%rem3A_44, %dma_wait3A_108, %dma_wait3A_113] : memref<2x8x125xi32, #tpu.memory_space<vmem>> -> memref<1x1x125xi32, #tpu.memory_space<vmem>>
      %dma_wait3A_115 = tpu.memref_squeeze %dma_wait3A_114 : memref<1x1x125xi32, #tpu.memory_space<vmem>> -> memref<125xi32, #tpu.memory_space<vmem>>
      %dma_wait3A_116 = arith.constant 0 : i32
      %dma_wait3A_117 = arith.constant 0 : i32
      %dma_wait3A_118 = tpu.memref_slice %arg12[%dma_wait3A_116, %dma_wait3A_117] : memref<10000x128xf32, #tpu.memory_space<vmem_shared>> -> memref<10000x128xf32, #tpu.memory_space<vmem_shared>>
      tpu.wait_indirect_dma semaphore(%arg11 : memref<!tpu.dma_semaphore, #tpu.memory_space<semaphore_mem>>) src(%dma_wait3A_112 : memref<125x128xf32, #tpu.memory_space<vmem>>) dst(%dma_wait3A_118 : memref<10000x128xf32, #tpu.memory_space<vmem_shared>>)
      %dma_start3A_119 = arith.constant 1 : i32
      %dma_start3A_120 = arith.constant 1 : i32
      %dma_start3A_121 = arith.constant 0 : i32
      %dma_start3A_122 = arith.constant 0 : i32
      %dma_start3A_123 = tpu.memref_slice %arg9[%dma_start3A_119, %dma_start3A_121, %dma_start3A_122] : memref<2x125x128xf32, #tpu.memory_space<vmem>> -> memref<1x125x128xf32, #tpu.memory_space<vmem>>
      %dma_start3A_124 = tpu.memref_squeeze %dma_start3A_123 : memref<1x125x128xf32, #tpu.memory_space<vmem>> -> memref<125x128xf32, #tpu.memory_space<vmem>>
      %dma_start3A_125 = arith.constant 0 : i32
      %dma_start3A_126 = tpu.memref_slice %arg8[%rem3A_44, %dma_start3A_120, %dma_start3A_125] : memref<2x8x125xi32, #tpu.memory_space<vmem>> -> memref<1x1x125xi32, #tpu.memory_space<vmem>>
      %dma_start3A_127 = tpu.memref_squeeze %dma_start3A_126 : memref<1x1x125xi32, #tpu.memory_space<vmem>> -> memref<125xi32, #tpu.memory_space<vmem>>
      %dma_start3A_128 = arith.constant 0 : i32
      %dma_start3A_129 = arith.constant 0 : i32
      %dma_start3A_130 = tpu.memref_slice %arg12[%dma_start3A_128, %dma_start3A_129] : memref<10000x128xf32, #tpu.memory_space<vmem_shared>> -> memref<10000x128xf32, #tpu.memory_space<vmem_shared>>
      tpu.enqueue_indirect_dma source(%dma_start3A_124 : memref<125x128xf32, #tpu.memory_space<vmem>>) target(%dma_start3A_130 : memref<10000x128xf32, #tpu.memory_space<vmem_shared>>) offsets(%dma_start3A_127 : memref<125xi32, #tpu.memory_space<vmem>>) semaphore(%arg11 : memref<!tpu.dma_semaphore, #tpu.memory_space<semaphore_mem>>) {add = true}
      %dma_start3A_131 = arith.constant 2 : i32
      %dma_start3A_132 = arith.constant 0 : i32
      %dma_start3A_133 = arith.constant 0 : i32
      %dma_start3A_134 = arith.constant 0 : i32
      %dma_start3A_135 = tpu.memref_slice %arg9[%dma_start3A_132, %dma_start3A_133, %dma_start3A_134] : memref<2x125x128xf32, #tpu.memory_space<vmem>> -> memref<1x125x128xf32, #tpu.memory_space<vmem>>
      %dma_start3A_136 = tpu.memref_squeeze %dma_start3A_135 : memref<1x125x128xf32, #tpu.memory_space<vmem>> -> memref<125x128xf32, #tpu.memory_space<vmem>>
      %dma_start3A_137 = arith.constant 0 : i32
      %dma_start3A_138 = tpu.memref_slice %arg7[%rem3A_44, %dma_start3A_131, %dma_start3A_137] : memref<2x8x125xi32, #tpu.memory_space<vmem>> -> memref<1x1x125xi32, #tpu.memory_space<vmem>>
      %dma_start3A_139 = tpu.memref_squeeze %dma_start3A_138 : memref<1x1x125xi32, #tpu.memory_space<vmem>> -> memref<125xi32, #tpu.memory_space<vmem>>
      %dma_start3A_140 = arith.constant 0 : i32
      %dma_start3A_141 = arith.constant 0 : i32
      %dma_start3A_142 = tpu.memref_slice %arg2[%dma_start3A_140, %dma_start3A_141] : memref<170000x128xf32, #tpu.memory_space<hbm>> -> memref<170000x128xf32, #tpu.memory_space<hbm>>
      tpu.enqueue_indirect_dma source(%dma_start3A_142 : memref<170000x128xf32, #tpu.memory_space<hbm>>) target(%dma_start3A_136 : memref<125x128xf32, #tpu.memory_space<vmem>>) offsets(%dma_start3A_139 : memref<125xi32, #tpu.memory_space<vmem>>) semaphore(%arg10 : memref<!tpu.dma_semaphore, #tpu.memory_space<semaphore_mem>>)
      %dma_wait3A_143 = arith.constant 2 : i32
      %dma_wait3A_144 = arith.constant 0 : i32
      %dma_wait3A_145 = arith.constant 0 : i32
      %dma_wait3A_146 = arith.constant 0 : i32
      %dma_wait3A_147 = tpu.memref_slice %arg9[%dma_wait3A_144, %dma_wait3A_145, %dma_wait3A_146] : memref<2x125x128xf32, #tpu.memory_space<vmem>> -> memref<1x125x128xf32, #tpu.memory_space<vmem>>
      %dma_wait3A_148 = tpu.memref_squeeze %dma_wait3A_147 : memref<1x125x128xf32, #tpu.memory_space<vmem>> -> memref<125x128xf32, #tpu.memory_space<vmem>>
      %dma_wait3A_149 = arith.constant 0 : i32
      %dma_wait3A_150 = tpu.memref_slice %arg7[%rem3A_44, %dma_wait3A_143, %dma_wait3A_149] : memref<2x8x125xi32, #tpu.memory_space<vmem>> -> memref<1x1x125xi32, #tpu.memory_space<vmem>>
      %dma_wait3A_151 = tpu.memref_squeeze %dma_wait3A_150 : memref<1x1x125xi32, #tpu.memory_space<vmem>> -> memref<125xi32, #tpu.memory_space<vmem>>
      %dma_wait3A_152 = arith.constant 0 : i32
      %dma_wait3A_153 = arith.constant 0 : i32
      %dma_wait3A_154 = tpu.memref_slice %arg2[%dma_wait3A_152, %dma_wait3A_153] : memref<170000x128xf32, #tpu.memory_space<hbm>> -> memref<170000x128xf32, #tpu.memory_space<hbm>>
      tpu.wait_indirect_dma semaphore(%arg10 : memref<!tpu.dma_semaphore, #tpu.memory_space<semaphore_mem>>) src(%dma_wait3A_154 : memref<170000x128xf32, #tpu.memory_space<hbm>>) dst(%dma_wait3A_148 : memref<125x128xf32, #tpu.memory_space<vmem>>)
      %dma_wait3A_155 = arith.constant 1 : i32
      %dma_wait3A_156 = arith.constant 1 : i32
      %dma_wait3A_157 = arith.constant 0 : i32
      %dma_wait3A_158 = arith.constant 0 : i32
      %dma_wait3A_159 = tpu.memref_slice %arg9[%dma_wait3A_155, %dma_wait3A_157, %dma_wait3A_158] : memref<2x125x128xf32, #tpu.memory_space<vmem>> -> memref<1x125x128xf32, #tpu.memory_space<vmem>>
      %dma_wait3A_160 = tpu.memref_squeeze %dma_wait3A_159 : memref<1x125x128xf32, #tpu.memory_space<vmem>> -> memref<125x128xf32, #tpu.memory_space<vmem>>
      %dma_wait3A_161 = arith.constant 0 : i32
      %dma_wait3A_162 = tpu.memref_slice %arg8[%rem3A_44, %dma_wait3A_156, %dma_wait3A_161] : memref<2x8x125xi32, #tpu.memory_space<vmem>> -> memref<1x1x125xi32, #tpu.memory_space<vmem>>
      %dma_wait3A_163 = tpu.memref_squeeze %dma_wait3A_162 : memref<1x1x125xi32, #tpu.memory_space<vmem>> -> memref<125xi32, #tpu.memory_space<vmem>>
      %dma_wait3A_164 = arith.constant 0 : i32
      %dma_wait3A_165 = arith.constant 0 : i32
      %dma_wait3A_166 = tpu.memref_slice %arg12[%dma_wait3A_164, %dma_wait3A_165] : memref<10000x128xf32, #tpu.memory_space<vmem_shared>> -> memref<10000x128xf32, #tpu.memory_space<vmem_shared>>
      tpu.wait_indirect_dma semaphore(%arg11 : memref<!tpu.dma_semaphore, #tpu.memory_space<semaphore_mem>>) src(%dma_wait3A_160 : memref<125x128xf32, #tpu.memory_space<vmem>>) dst(%dma_wait3A_166 : memref<10000x128xf32, #tpu.memory_space<vmem_shared>>)
      %dma_start3A_167 = arith.constant 0 : i32
      %dma_start3A_168 = arith.constant 2 : i32
      %dma_start3A_169 = arith.constant 0 : i32
      %dma_start3A_170 = arith.constant 0 : i32
      %dma_start3A_171 = tpu.memref_slice %arg9[%dma_start3A_167, %dma_start3A_169, %dma_start3A_170] : memref<2x125x128xf32, #tpu.memory_space<vmem>> -> memref<1x125x128xf32, #tpu.memory_space<vmem>>
      %dma_start3A_172 = tpu.memref_squeeze %dma_start3A_171 : memref<1x125x128xf32, #tpu.memory_space<vmem>> -> memref<125x128xf32, #tpu.memory_space<vmem>>
      %dma_start3A_173 = arith.constant 0 : i32
      %dma_start3A_174 = tpu.memref_slice %arg8[%rem3A_44, %dma_start3A_168, %dma_start3A_173] : memref<2x8x125xi32, #tpu.memory_space<vmem>> -> memref<1x1x125xi32, #tpu.memory_space<vmem>>
      %dma_start3A_175 = tpu.memref_squeeze %dma_start3A_174 : memref<1x1x125xi32, #tpu.memory_space<vmem>> -> memref<125xi32, #tpu.memory_space<vmem>>
      %dma_start3A_176 = arith.constant 0 : i32
      %dma_start3A_177 = arith.constant 0 : i32
      %dma_start3A_178 = tpu.memref_slice %arg12[%dma_start3A_176, %dma_start3A_177] : memref<10000x128xf32, #tpu.memory_space<vmem_shared>> -> memref<10000x128xf32, #tpu.memory_space<vmem_shared>>
      tpu.enqueue_indirect_dma source(%dma_start3A_172 : memref<125x128xf32, #tpu.memory_space<vmem>>) target(%dma_start3A_178 : memref<10000x128xf32, #tpu.memory_space<vmem_shared>>) offsets(%dma_start3A_175 : memref<125xi32, #tpu.memory_space<vmem>>) semaphore(%arg11 : memref<!tpu.dma_semaphore, #tpu.memory_space<semaphore_mem>>) {add = true}
      %dma_start3A_179 = arith.constant 3 : i32
      %dma_start3A_180 = arith.constant 1 : i32
      %dma_start3A_181 = arith.constant 0 : i32
      %dma_start3A_182 = arith.constant 0 : i32
      %dma_start3A_183 = tpu.memref_slice %arg9[%dma_start3A_180, %dma_start3A_181, %dma_start3A_182] : memref<2x125x128xf32, #tpu.memory_space<vmem>> -> memref<1x125x128xf32, #tpu.memory_space<vmem>>
      %dma_start3A_184 = tpu.memref_squeeze %dma_start3A_183 : memref<1x125x128xf32, #tpu.memory_space<vmem>> -> memref<125x128xf32, #tpu.memory_space<vmem>>
      %dma_start3A_185 = arith.constant 0 : i32
      %dma_start3A_186 = tpu.memref_slice %arg7[%rem3A_44, %dma_start3A_179, %dma_start3A_185] : memref<2x8x125xi32, #tpu.memory_space<vmem>> -> memref<1x1x125xi32, #tpu.memory_space<vmem>>
      %dma_start3A_187 = tpu.memref_squeeze %dma_start3A_186 : memref<1x1x125xi32, #tpu.memory_space<vmem>> -> memref<125xi32, #tpu.memory_space<vmem>>
      %dma_start3A_188 = arith.constant 0 : i32
      %dma_start3A_189 = arith.constant 0 : i32
      %dma_start3A_190 = tpu.memref_slice %arg2[%dma_start3A_188, %dma_start3A_189] : memref<170000x128xf32, #tpu.memory_space<hbm>> -> memref<170000x128xf32, #tpu.memory_space<hbm>>
      tpu.enqueue_indirect_dma source(%dma_start3A_190 : memref<170000x128xf32, #tpu.memory_space<hbm>>) target(%dma_start3A_184 : memref<125x128xf32, #tpu.memory_space<vmem>>) offsets(%dma_start3A_187 : memref<125xi32, #tpu.memory_space<vmem>>) semaphore(%arg10 : memref<!tpu.dma_semaphore, #tpu.memory_space<semaphore_mem>>)
      %dma_wait3A_191 = arith.constant 3 : i32
      %dma_wait3A_192 = arith.constant 1 : i32
      %dma_wait3A_193 = arith.constant 0 : i32
      %dma_wait3A_194 = arith.constant 0 : i32
      %dma_wait3A_195 = tpu.memref_slice %arg9[%dma_wait3A_192, %dma_wait3A_193, %dma_wait3A_194] : memref<2x125x128xf32, #tpu.memory_space<vmem>> -> memref<1x125x128xf32, #tpu.memory_space<vmem>>
      %dma_wait3A_196 = tpu.memref_squeeze %dma_wait3A_195 : memref<1x125x128xf32, #tpu.memory_space<vmem>> -> memref<125x128xf32, #tpu.memory_space<vmem>>
      %dma_wait3A_197 = arith.constant 0 : i32
      %dma_wait3A_198 = tpu.memref_slice %arg7[%rem3A_44, %dma_wait3A_191, %dma_wait3A_197] : memref<2x8x125xi32, #tpu.memory_space<vmem>> -> memref<1x1x125xi32, #tpu.memory_space<vmem>>
      %dma_wait3A_199 = tpu.memref_squeeze %dma_wait3A_198 : memref<1x1x125xi32, #tpu.memory_space<vmem>> -> memref<125xi32, #tpu.memory_space<vmem>>
      %dma_wait3A_200 = arith.constant 0 : i32
      %dma_wait3A_201 = arith.constant 0 : i32
      %dma_wait3A_202 = tpu.memref_slice %arg2[%dma_wait3A_200, %dma_wait3A_201] : memref<170000x128xf32, #tpu.memory_space<hbm>> -> memref<170000x128xf32, #tpu.memory_space<hbm>>
      tpu.wait_indirect_dma semaphore(%arg10 : memref<!tpu.dma_semaphore, #tpu.memory_space<semaphore_mem>>) src(%dma_wait3A_202 : memref<170000x128xf32, #tpu.memory_space<hbm>>) dst(%dma_wait3A_196 : memref<125x128xf32, #tpu.memory_space<vmem>>)
      %dma_wait3A_203 = arith.constant 0 : i32
      %dma_wait3A_204 = arith.constant 2 : i32
      %dma_wait3A_205 = arith.constant 0 : i32
      %dma_wait3A_206 = arith.constant 0 : i32
      %dma_wait3A_207 = tpu.memref_slice %arg9[%dma_wait3A_203, %dma_wait3A_205, %dma_wait3A_206] : memref<2x125x128xf32, #tpu.memory_space<vmem>> -> memref<1x125x128xf32, #tpu.memory_space<vmem>>
      %dma_wait3A_208 = tpu.memref_squeeze %dma_wait3A_207 : memref<1x125x128xf32, #tpu.memory_space<vmem>> -> memref<125x128xf32, #tpu.memory_space<vmem>>
      %dma_wait3A_209 = arith.constant 0 : i32
      %dma_wait3A_210 = tpu.memref_slice %arg8[%rem3A_44, %dma_wait3A_204, %dma_wait3A_209] : memref<2x8x125xi32, #tpu.memory_space<vmem>> -> memref<1x1x125xi32, #tpu.memory_space<vmem>>
      %dma_wait3A_211 = tpu.memref_squeeze %dma_wait3A_210 : memref<1x1x125xi32, #tpu.memory_space<vmem>> -> memref<125xi32, #tpu.memory_space<vmem>>
      %dma_wait3A_212 = arith.constant 0 : i32
      %dma_wait3A_213 = arith.constant 0 : i32
      %dma_wait3A_214 = tpu.memref_slice %arg12[%dma_wait3A_212, %dma_wait3A_213] : memref<10000x128xf32, #tpu.memory_space<vmem_shared>> -> memref<10000x128xf32, #tpu.memory_space<vmem_shared>>
      tpu.wait_indirect_dma semaphore(%arg11 : memref<!tpu.dma_semaphore, #tpu.memory_space<semaphore_mem>>) src(%dma_wait3A_208 : memref<125x128xf32, #tpu.memory_space<vmem>>) dst(%dma_wait3A_214 : memref<10000x128xf32, #tpu.memory_space<vmem_shared>>)
      %dma_start3A_215 = arith.constant 1 : i32
      %dma_start3A_216 = arith.constant 3 : i32
      %dma_start3A_217 = arith.constant 0 : i32
      %dma_start3A_218 = arith.constant 0 : i32
      %dma_start3A_219 = tpu.memref_slice %arg9[%dma_start3A_215, %dma_start3A_217, %dma_start3A_218] : memref<2x125x128xf32, #tpu.memory_space<vmem>> -> memref<1x125x128xf32, #tpu.memory_space<vmem>>
      %dma_start3A_220 = tpu.memref_squeeze %dma_start3A_219 : memref<1x125x128xf32, #tpu.memory_space<vmem>> -> memref<125x128xf32, #tpu.memory_space<vmem>>
      %dma_start3A_221 = arith.constant 0 : i32
      %dma_start3A_222 = tpu.memref_slice %arg8[%rem3A_44, %dma_start3A_216, %dma_start3A_221] : memref<2x8x125xi32, #tpu.memory_space<vmem>> -> memref<1x1x125xi32, #tpu.memory_space<vmem>>
      %dma_start3A_223 = tpu.memref_squeeze %dma_start3A_222 : memref<1x1x125xi32, #tpu.memory_space<vmem>> -> memref<125xi32, #tpu.memory_space<vmem>>
      %dma_start3A_224 = arith.constant 0 : i32
      %dma_start3A_225 = arith.constant 0 : i32
      %dma_start3A_226 = tpu.memref_slice %arg12[%dma_start3A_224, %dma_start3A_225] : memref<10000x128xf32, #tpu.memory_space<vmem_shared>> -> memref<10000x128xf32, #tpu.memory_space<vmem_shared>>
      tpu.enqueue_indirect_dma source(%dma_start3A_220 : memref<125x128xf32, #tpu.memory_space<vmem>>) target(%dma_start3A_226 : memref<10000x128xf32, #tpu.memory_space<vmem_shared>>) offsets(%dma_start3A_223 : memref<125xi32, #tpu.memory_space<vmem>>) semaphore(%arg11 : memref<!tpu.dma_semaphore, #tpu.memory_space<semaphore_mem>>) {add = true}
      %dma_start3A_227 = arith.constant 4 : i32
      %dma_start3A_228 = arith.constant 0 : i32
      %dma_start3A_229 = arith.constant 0 : i32
      %dma_start3A_230 = arith.constant 0 : i32
      %dma_start3A_231 = tpu.memref_slice %arg9[%dma_start3A_228, %dma_start3A_229, %dma_start3A_230] : memref<2x125x128xf32, #tpu.memory_space<vmem>> -> memref<1x125x128xf32, #tpu.memory_space<vmem>>
      %dma_start3A_232 = tpu.memref_squeeze %dma_start3A_231 : memref<1x125x128xf32, #tpu.memory_space<vmem>> -> memref<125x128xf32, #tpu.memory_space<vmem>>
      %dma_start3A_233 = arith.constant 0 : i32
      %dma_start3A_234 = tpu.memref_slice %arg7[%rem3A_44, %dma_start3A_227, %dma_start3A_233] : memref<2x8x125xi32, #tpu.memory_space<vmem>> -> memref<1x1x125xi32, #tpu.memory_space<vmem>>
      %dma_start3A_235 = tpu.memref_squeeze %dma_start3A_234 : memref<1x1x125xi32, #tpu.memory_space<vmem>> -> memref<125xi32, #tpu.memory_space<vmem>>
      %dma_start3A_236 = arith.constant 0 : i32
      %dma_start3A_237 = arith.constant 0 : i32
      %dma_start3A_238 = tpu.memref_slice %arg2[%dma_start3A_236, %dma_start3A_237] : memref<170000x128xf32, #tpu.memory_space<hbm>> -> memref<170000x128xf32, #tpu.memory_space<hbm>>
      tpu.enqueue_indirect_dma source(%dma_start3A_238 : memref<170000x128xf32, #tpu.memory_space<hbm>>) target(%dma_start3A_232 : memref<125x128xf32, #tpu.memory_space<vmem>>) offsets(%dma_start3A_235 : memref<125xi32, #tpu.memory_space<vmem>>) semaphore(%arg10 : memref<!tpu.dma_semaphore, #tpu.memory_space<semaphore_mem>>)
      %dma_wait3A_239 = arith.constant 4 : i32
      %dma_wait3A_240 = arith.constant 0 : i32
      %dma_wait3A_241 = arith.constant 0 : i32
      %dma_wait3A_242 = arith.constant 0 : i32
      %dma_wait3A_243 = tpu.memref_slice %arg9[%dma_wait3A_240, %dma_wait3A_241, %dma_wait3A_242] : memref<2x125x128xf32, #tpu.memory_space<vmem>> -> memref<1x125x128xf32, #tpu.memory_space<vmem>>
      %dma_wait3A_244 = tpu.memref_squeeze %dma_wait3A_243 : memref<1x125x128xf32, #tpu.memory_space<vmem>> -> memref<125x128xf32, #tpu.memory_space<vmem>>
      %dma_wait3A_245 = arith.constant 0 : i32
      %dma_wait3A_246 = tpu.memref_slice %arg7[%rem3A_44, %dma_wait3A_239, %dma_wait3A_245] : memref<2x8x125xi32, #tpu.memory_space<vmem>> -> memref<1x1x125xi32, #tpu.memory_space<vmem>>
      %dma_wait3A_247 = tpu.memref_squeeze %dma_wait3A_246 : memref<1x1x125xi32, #tpu.memory_space<vmem>> -> memref<125xi32, #tpu.memory_space<vmem>>
      %dma_wait3A_248 = arith.constant 0 : i32
      %dma_wait3A_249 = arith.constant 0 : i32
      %dma_wait3A_250 = tpu.memref_slice %arg2[%dma_wait3A_248, %dma_wait3A_249] : memref<170000x128xf32, #tpu.memory_space<hbm>> -> memref<170000x128xf32, #tpu.memory_space<hbm>>
      tpu.wait_indirect_dma semaphore(%arg10 : memref<!tpu.dma_semaphore, #tpu.memory_space<semaphore_mem>>) src(%dma_wait3A_250 : memref<170000x128xf32, #tpu.memory_space<hbm>>) dst(%dma_wait3A_244 : memref<125x128xf32, #tpu.memory_space<vmem>>)
      %dma_wait3A_251 = arith.constant 1 : i32
      %dma_wait3A_252 = arith.constant 3 : i32
      %dma_wait3A_253 = arith.constant 0 : i32
      %dma_wait3A_254 = arith.constant 0 : i32
      %dma_wait3A_255 = tpu.memref_slice %arg9[%dma_wait3A_251, %dma_wait3A_253, %dma_wait3A_254] : memref<2x125x128xf32, #tpu.memory_space<vmem>> -> memref<1x125x128xf32, #tpu.memory_space<vmem>>
      %dma_wait3A_256 = tpu.memref_squeeze %dma_wait3A_255 : memref<1x125x128xf32, #tpu.memory_space<vmem>> -> memref<125x128xf32, #tpu.memory_space<vmem>>
      %dma_wait3A_257 = arith.constant 0 : i32
      %dma_wait3A_258 = tpu.memref_slice %arg8[%rem3A_44, %dma_wait3A_252, %dma_wait3A_257] : memref<2x8x125xi32, #tpu.memory_space<vmem>> -> memref<1x1x125xi32, #tpu.memory_space<vmem>>
      %dma_wait3A_259 = tpu.memref_squeeze %dma_wait3A_258 : memref<1x1x125xi32, #tpu.memory_space<vmem>> -> memref<125xi32, #tpu.memory_space<vmem>>
      %dma_wait3A_260 = arith.constant 0 : i32
      %dma_wait3A_261 = arith.constant 0 : i32
      %dma_wait3A_262 = tpu.memref_slice %arg12[%dma_wait3A_260, %dma_wait3A_261] : memref<10000x128xf32, #tpu.memory_space<vmem_shared>> -> memref<10000x128xf32, #tpu.memory_space<vmem_shared>>
      tpu.wait_indirect_dma semaphore(%arg11 : memref<!tpu.dma_semaphore, #tpu.memory_space<semaphore_mem>>) src(%dma_wait3A_256 : memref<125x128xf32, #tpu.memory_space<vmem>>) dst(%dma_wait3A_262 : memref<10000x128xf32, #tpu.memory_space<vmem_shared>>)
      %dma_start3A_263 = arith.constant 0 : i32
      %dma_start3A_264 = arith.constant 4 : i32
      %dma_start3A_265 = arith.constant 0 : i32
      %dma_start3A_266 = arith.constant 0 : i32
      %dma_start3A_267 = tpu.memref_slice %arg9[%dma_start3A_263, %dma_start3A_265, %dma_start3A_266] : memref<2x125x128xf32, #tpu.memory_space<vmem>> -> memref<1x125x128xf32, #tpu.memory_space<vmem>>
      %dma_start3A_268 = tpu.memref_squeeze %dma_start3A_267 : memref<1x125x128xf32, #tpu.memory_space<vmem>> -> memref<125x128xf32, #tpu.memory_space<vmem>>
      %dma_start3A_269 = arith.constant 0 : i32
      %dma_start3A_270 = tpu.memref_slice %arg8[%rem3A_44, %dma_start3A_264, %dma_start3A_269] : memref<2x8x125xi32, #tpu.memory_space<vmem>> -> memref<1x1x125xi32, #tpu.memory_space<vmem>>
      %dma_start3A_271 = tpu.memref_squeeze %dma_start3A_270 : memref<1x1x125xi32, #tpu.memory_space<vmem>> -> memref<125xi32, #tpu.memory_space<vmem>>
      %dma_start3A_272 = arith.constant 0 : i32
      %dma_start3A_273 = arith.constant 0 : i32
      %dma_start3A_274 = tpu.memref_slice %arg12[%dma_start3A_272, %dma_start3A_273] : memref<10000x128xf32, #tpu.memory_space<vmem_shared>> -> memref<10000x128xf32, #tpu.memory_space<vmem_shared>>
      tpu.enqueue_indirect_dma source(%dma_start3A_268 : memref<125x128xf32, #tpu.memory_space<vmem>>) target(%dma_start3A_274 : memref<10000x128xf32, #tpu.memory_space<vmem_shared>>) offsets(%dma_start3A_271 : memref<125xi32, #tpu.memory_space<vmem>>) semaphore(%arg11 : memref<!tpu.dma_semaphore, #tpu.memory_space<semaphore_mem>>) {add = true}
      %dma_start3A_275 = arith.constant 5 : i32
      %dma_start3A_276 = arith.constant 1 : i32
      %dma_start3A_277 = arith.constant 0 : i32
      %dma_start3A_278 = arith.constant 0 : i32
      %dma_start3A_279 = tpu.memref_slice %arg9[%dma_start3A_276, %dma_start3A_277, %dma_start3A_278] : memref<2x125x128xf32, #tpu.memory_space<vmem>> -> memref<1x125x128xf32, #tpu.memory_space<vmem>>
      %dma_start3A_280 = tpu.memref_squeeze %dma_start3A_279 : memref<1x125x128xf32, #tpu.memory_space<vmem>> -> memref<125x128xf32, #tpu.memory_space<vmem>>
      %dma_start3A_281 = arith.constant 0 : i32
      %dma_start3A_282 = tpu.memref_slice %arg7[%rem3A_44, %dma_start3A_275, %dma_start3A_281] : memref<2x8x125xi32, #tpu.memory_space<vmem>> -> memref<1x1x125xi32, #tpu.memory_space<vmem>>
      %dma_start3A_283 = tpu.memref_squeeze %dma_start3A_282 : memref<1x1x125xi32, #tpu.memory_space<vmem>> -> memref<125xi32, #tpu.memory_space<vmem>>
      %dma_start3A_284 = arith.constant 0 : i32
      %dma_start3A_285 = arith.constant 0 : i32
      %dma_start3A_286 = tpu.memref_slice %arg2[%dma_start3A_284, %dma_start3A_285] : memref<170000x128xf32, #tpu.memory_space<hbm>> -> memref<170000x128xf32, #tpu.memory_space<hbm>>
      tpu.enqueue_indirect_dma source(%dma_start3A_286 : memref<170000x128xf32, #tpu.memory_space<hbm>>) target(%dma_start3A_280 : memref<125x128xf32, #tpu.memory_space<vmem>>) offsets(%dma_start3A_283 : memref<125xi32, #tpu.memory_space<vmem>>) semaphore(%arg10 : memref<!tpu.dma_semaphore, #tpu.memory_space<semaphore_mem>>)
      %dma_wait3A_287 = arith.constant 5 : i32
      %dma_wait3A_288 = arith.constant 1 : i32
      %dma_wait3A_289 = arith.constant 0 : i32
      %dma_wait3A_290 = arith.constant 0 : i32
      %dma_wait3A_291 = tpu.memref_slice %arg9[%dma_wait3A_288, %dma_wait3A_289, %dma_wait3A_290] : memref<2x125x128xf32, #tpu.memory_space<vmem>> -> memref<1x125x128xf32, #tpu.memory_space<vmem>>
      %dma_wait3A_292 = tpu.memref_squeeze %dma_wait3A_291 : memref<1x125x128xf32, #tpu.memory_space<vmem>> -> memref<125x128xf32, #tpu.memory_space<vmem>>
      %dma_wait3A_293 = arith.constant 0 : i32
      %dma_wait3A_294 = tpu.memref_slice %arg7[%rem3A_44, %dma_wait3A_287, %dma_wait3A_293] : memref<2x8x125xi32, #tpu.memory_space<vmem>> -> memref<1x1x125xi32, #tpu.memory_space<vmem>>
      %dma_wait3A_295 = tpu.memref_squeeze %dma_wait3A_294 : memref<1x1x125xi32, #tpu.memory_space<vmem>> -> memref<125xi32, #tpu.memory_space<vmem>>
      %dma_wait3A_296 = arith.constant 0 : i32
      %dma_wait3A_297 = arith.constant 0 : i32
      %dma_wait3A_298 = tpu.memref_slice %arg2[%dma_wait3A_296, %dma_wait3A_297] : memref<170000x128xf32, #tpu.memory_space<hbm>> -> memref<170000x128xf32, #tpu.memory_space<hbm>>
      tpu.wait_indirect_dma semaphore(%arg10 : memref<!tpu.dma_semaphore, #tpu.memory_space<semaphore_mem>>) src(%dma_wait3A_298 : memref<170000x128xf32, #tpu.memory_space<hbm>>) dst(%dma_wait3A_292 : memref<125x128xf32, #tpu.memory_space<vmem>>)
      %dma_wait3A_299 = arith.constant 0 : i32
      %dma_wait3A_300 = arith.constant 4 : i32
      %dma_wait3A_301 = arith.constant 0 : i32
      %dma_wait3A_302 = arith.constant 0 : i32
      %dma_wait3A_303 = tpu.memref_slice %arg9[%dma_wait3A_299, %dma_wait3A_301, %dma_wait3A_302] : memref<2x125x128xf32, #tpu.memory_space<vmem>> -> memref<1x125x128xf32, #tpu.memory_space<vmem>>
      %dma_wait3A_304 = tpu.memref_squeeze %dma_wait3A_303 : memref<1x125x128xf32, #tpu.memory_space<vmem>> -> memref<125x128xf32, #tpu.memory_space<vmem>>
      %dma_wait3A_305 = arith.constant 0 : i32
      %dma_wait3A_306 = tpu.memref_slice %arg8[%rem3A_44, %dma_wait3A_300, %dma_wait3A_305] : memref<2x8x125xi32, #tpu.memory_space<vmem>> -> memref<1x1x125xi32, #tpu.memory_space<vmem>>
      %dma_wait3A_307 = tpu.memref_squeeze %dma_wait3A_306 : memref<1x1x125xi32, #tpu.memory_space<vmem>> -> memref<125xi32, #tpu.memory_space<vmem>>
      %dma_wait3A_308 = arith.constant 0 : i32
      %dma_wait3A_309 = arith.constant 0 : i32
      %dma_wait3A_310 = tpu.memref_slice %arg12[%dma_wait3A_308, %dma_wait3A_309] : memref<10000x128xf32, #tpu.memory_space<vmem_shared>> -> memref<10000x128xf32, #tpu.memory_space<vmem_shared>>
      tpu.wait_indirect_dma semaphore(%arg11 : memref<!tpu.dma_semaphore, #tpu.memory_space<semaphore_mem>>) src(%dma_wait3A_304 : memref<125x128xf32, #tpu.memory_space<vmem>>) dst(%dma_wait3A_310 : memref<10000x128xf32, #tpu.memory_space<vmem_shared>>)
      %dma_start3A_311 = arith.constant 1 : i32
      %dma_start3A_312 = arith.constant 5 : i32
      %dma_start3A_313 = arith.constant 0 : i32
      %dma_start3A_314 = arith.constant 0 : i32
      %dma_start3A_315 = tpu.memref_slice %arg9[%dma_start3A_311, %dma_start3A_313, %dma_start3A_314] : memref<2x125x128xf32, #tpu.memory_space<vmem>> -> memref<1x125x128xf32, #tpu.memory_space<vmem>>
      %dma_start3A_316 = tpu.memref_squeeze %dma_start3A_315 : memref<1x125x128xf32, #tpu.memory_space<vmem>> -> memref<125x128xf32, #tpu.memory_space<vmem>>
      %dma_start3A_317 = arith.constant 0 : i32
      %dma_start3A_318 = tpu.memref_slice %arg8[%rem3A_44, %dma_start3A_312, %dma_start3A_317] : memref<2x8x125xi32, #tpu.memory_space<vmem>> -> memref<1x1x125xi32, #tpu.memory_space<vmem>>
      %dma_start3A_319 = tpu.memref_squeeze %dma_start3A_318 : memref<1x1x125xi32, #tpu.memory_space<vmem>> -> memref<125xi32, #tpu.memory_space<vmem>>
      %dma_start3A_320 = arith.constant 0 : i32
      %dma_start3A_321 = arith.constant 0 : i32
      %dma_start3A_322 = tpu.memref_slice %arg12[%dma_start3A_320, %dma_start3A_321] : memref<10000x128xf32, #tpu.memory_space<vmem_shared>> -> memref<10000x128xf32, #tpu.memory_space<vmem_shared>>
      tpu.enqueue_indirect_dma source(%dma_start3A_316 : memref<125x128xf32, #tpu.memory_space<vmem>>) target(%dma_start3A_322 : memref<10000x128xf32, #tpu.memory_space<vmem_shared>>) offsets(%dma_start3A_319 : memref<125xi32, #tpu.memory_space<vmem>>) semaphore(%arg11 : memref<!tpu.dma_semaphore, #tpu.memory_space<semaphore_mem>>) {add = true}
      %dma_start3A_323 = arith.constant 6 : i32
      %dma_start3A_324 = arith.constant 0 : i32
      %dma_start3A_325 = arith.constant 0 : i32
      %dma_start3A_326 = arith.constant 0 : i32
      %dma_start3A_327 = tpu.memref_slice %arg9[%dma_start3A_324, %dma_start3A_325, %dma_start3A_326] : memref<2x125x128xf32, #tpu.memory_space<vmem>> -> memref<1x125x128xf32, #tpu.memory_space<vmem>>
      %dma_start3A_328 = tpu.memref_squeeze %dma_start3A_327 : memref<1x125x128xf32, #tpu.memory_space<vmem>> -> memref<125x128xf32, #tpu.memory_space<vmem>>
      %dma_start3A_329 = arith.constant 0 : i32
      %dma_start3A_330 = tpu.memref_slice %arg7[%rem3A_44, %dma_start3A_323, %dma_start3A_329] : memref<2x8x125xi32, #tpu.memory_space<vmem>> -> memref<1x1x125xi32, #tpu.memory_space<vmem>>
      %dma_start3A_331 = tpu.memref_squeeze %dma_start3A_330 : memref<1x1x125xi32, #tpu.memory_space<vmem>> -> memref<125xi32, #tpu.memory_space<vmem>>
      %dma_start3A_332 = arith.constant 0 : i32
      %dma_start3A_333 = arith.constant 0 : i32
      %dma_start3A_334 = tpu.memref_slice %arg2[%dma_start3A_332, %dma_start3A_333] : memref<170000x128xf32, #tpu.memory_space<hbm>> -> memref<170000x128xf32, #tpu.memory_space<hbm>>
      tpu.enqueue_indirect_dma source(%dma_start3A_334 : memref<170000x128xf32, #tpu.memory_space<hbm>>) target(%dma_start3A_328 : memref<125x128xf32, #tpu.memory_space<vmem>>) offsets(%dma_start3A_331 : memref<125xi32, #tpu.memory_space<vmem>>) semaphore(%arg10 : memref<!tpu.dma_semaphore, #tpu.memory_space<semaphore_mem>>)
      %dma_wait3A_335 = arith.constant 6 : i32
      %dma_wait3A_336 = arith.constant 0 : i32
      %dma_wait3A_337 = arith.constant 0 : i32
      %dma_wait3A_338 = arith.constant 0 : i32
      %dma_wait3A_339 = tpu.memref_slice %arg9[%dma_wait3A_336, %dma_wait3A_337, %dma_wait3A_338] : memref<2x125x128xf32, #tpu.memory_space<vmem>> -> memref<1x125x128xf32, #tpu.memory_space<vmem>>
      %dma_wait3A_340 = tpu.memref_squeeze %dma_wait3A_339 : memref<1x125x128xf32, #tpu.memory_space<vmem>> -> memref<125x128xf32, #tpu.memory_space<vmem>>
      %dma_wait3A_341 = arith.constant 0 : i32
      %dma_wait3A_342 = tpu.memref_slice %arg7[%rem3A_44, %dma_wait3A_335, %dma_wait3A_341] : memref<2x8x125xi32, #tpu.memory_space<vmem>> -> memref<1x1x125xi32, #tpu.memory_space<vmem>>
      %dma_wait3A_343 = tpu.memref_squeeze %dma_wait3A_342 : memref<1x1x125xi32, #tpu.memory_space<vmem>> -> memref<125xi32, #tpu.memory_space<vmem>>
      %dma_wait3A_344 = arith.constant 0 : i32
      %dma_wait3A_345 = arith.constant 0 : i32
      %dma_wait3A_346 = tpu.memref_slice %arg2[%dma_wait3A_344, %dma_wait3A_345] : memref<170000x128xf32, #tpu.memory_space<hbm>> -> memref<170000x128xf32, #tpu.memory_space<hbm>>
      tpu.wait_indirect_dma semaphore(%arg10 : memref<!tpu.dma_semaphore, #tpu.memory_space<semaphore_mem>>) src(%dma_wait3A_346 : memref<170000x128xf32, #tpu.memory_space<hbm>>) dst(%dma_wait3A_340 : memref<125x128xf32, #tpu.memory_space<vmem>>)
      %dma_wait3A_347 = arith.constant 1 : i32
      %dma_wait3A_348 = arith.constant 5 : i32
      %dma_wait3A_349 = arith.constant 0 : i32
      %dma_wait3A_350 = arith.constant 0 : i32
      %dma_wait3A_351 = tpu.memref_slice %arg9[%dma_wait3A_347, %dma_wait3A_349, %dma_wait3A_350] : memref<2x125x128xf32, #tpu.memory_space<vmem>> -> memref<1x125x128xf32, #tpu.memory_space<vmem>>
      %dma_wait3A_352 = tpu.memref_squeeze %dma_wait3A_351 : memref<1x125x128xf32, #tpu.memory_space<vmem>> -> memref<125x128xf32, #tpu.memory_space<vmem>>
      %dma_wait3A_353 = arith.constant 0 : i32
      %dma_wait3A_354 = tpu.memref_slice %arg8[%rem3A_44, %dma_wait3A_348, %dma_wait3A_353] : memref<2x8x125xi32, #tpu.memory_space<vmem>> -> memref<1x1x125xi32, #tpu.memory_space<vmem>>
      %dma_wait3A_355 = tpu.memref_squeeze %dma_wait3A_354 : memref<1x1x125xi32, #tpu.memory_space<vmem>> -> memref<125xi32, #tpu.memory_space<vmem>>
      %dma_wait3A_356 = arith.constant 0 : i32
      %dma_wait3A_357 = arith.constant 0 : i32
      %dma_wait3A_358 = tpu.memref_slice %arg12[%dma_wait3A_356, %dma_wait3A_357] : memref<10000x128xf32, #tpu.memory_space<vmem_shared>> -> memref<10000x128xf32, #tpu.memory_space<vmem_shared>>
      tpu.wait_indirect_dma semaphore(%arg11 : memref<!tpu.dma_semaphore, #tpu.memory_space<semaphore_mem>>) src(%dma_wait3A_352 : memref<125x128xf32, #tpu.memory_space<vmem>>) dst(%dma_wait3A_358 : memref<10000x128xf32, #tpu.memory_space<vmem_shared>>)
      %dma_start3A_359 = arith.constant 0 : i32
      %dma_start3A_360 = arith.constant 6 : i32
      %dma_start3A_361 = arith.constant 0 : i32
      %dma_start3A_362 = arith.constant 0 : i32
      %dma_start3A_363 = tpu.memref_slice %arg9[%dma_start3A_359, %dma_start3A_361, %dma_start3A_362] : memref<2x125x128xf32, #tpu.memory_space<vmem>> -> memref<1x125x128xf32, #tpu.memory_space<vmem>>
      %dma_start3A_364 = tpu.memref_squeeze %dma_start3A_363 : memref<1x125x128xf32, #tpu.memory_space<vmem>> -> memref<125x128xf32, #tpu.memory_space<vmem>>
      %dma_start3A_365 = arith.constant 0 : i32
      %dma_start3A_366 = tpu.memref_slice %arg8[%rem3A_44, %dma_start3A_360, %dma_start3A_365] : memref<2x8x125xi32, #tpu.memory_space<vmem>> -> memref<1x1x125xi32, #tpu.memory_space<vmem>>
      %dma_start3A_367 = tpu.memref_squeeze %dma_start3A_366 : memref<1x1x125xi32, #tpu.memory_space<vmem>> -> memref<125xi32, #tpu.memory_space<vmem>>
      %dma_start3A_368 = arith.constant 0 : i32
      %dma_start3A_369 = arith.constant 0 : i32
      %dma_start3A_370 = tpu.memref_slice %arg12[%dma_start3A_368, %dma_start3A_369] : memref<10000x128xf32, #tpu.memory_space<vmem_shared>> -> memref<10000x128xf32, #tpu.memory_space<vmem_shared>>
      tpu.enqueue_indirect_dma source(%dma_start3A_364 : memref<125x128xf32, #tpu.memory_space<vmem>>) target(%dma_start3A_370 : memref<10000x128xf32, #tpu.memory_space<vmem_shared>>) offsets(%dma_start3A_367 : memref<125xi32, #tpu.memory_space<vmem>>) semaphore(%arg11 : memref<!tpu.dma_semaphore, #tpu.memory_space<semaphore_mem>>) {add = true}
      %dma_start3A_371 = arith.constant 7 : i32
      %dma_start3A_372 = arith.constant 1 : i32
      %dma_start3A_373 = arith.constant 0 : i32
      %dma_start3A_374 = arith.constant 0 : i32
      %dma_start3A_375 = tpu.memref_slice %arg9[%dma_start3A_372, %dma_start3A_373, %dma_start3A_374] : memref<2x125x128xf32, #tpu.memory_space<vmem>> -> memref<1x125x128xf32, #tpu.memory_space<vmem>>
      %dma_start3A_376 = tpu.memref_squeeze %dma_start3A_375 : memref<1x125x128xf32, #tpu.memory_space<vmem>> -> memref<125x128xf32, #tpu.memory_space<vmem>>
      %dma_start3A_377 = arith.constant 0 : i32
      %dma_start3A_378 = tpu.memref_slice %arg7[%rem3A_44, %dma_start3A_371, %dma_start3A_377] : memref<2x8x125xi32, #tpu.memory_space<vmem>> -> memref<1x1x125xi32, #tpu.memory_space<vmem>>
      %dma_start3A_379 = tpu.memref_squeeze %dma_start3A_378 : memref<1x1x125xi32, #tpu.memory_space<vmem>> -> memref<125xi32, #tpu.memory_space<vmem>>
      %dma_start3A_380 = arith.constant 0 : i32
      %dma_start3A_381 = arith.constant 0 : i32
      %dma_start3A_382 = tpu.memref_slice %arg2[%dma_start3A_380, %dma_start3A_381] : memref<170000x128xf32, #tpu.memory_space<hbm>> -> memref<170000x128xf32, #tpu.memory_space<hbm>>
      tpu.enqueue_indirect_dma source(%dma_start3A_382 : memref<170000x128xf32, #tpu.memory_space<hbm>>) target(%dma_start3A_376 : memref<125x128xf32, #tpu.memory_space<vmem>>) offsets(%dma_start3A_379 : memref<125xi32, #tpu.memory_space<vmem>>) semaphore(%arg10 : memref<!tpu.dma_semaphore, #tpu.memory_space<semaphore_mem>>)
      %dma_wait3A_383 = arith.constant 7 : i32
      %dma_wait3A_384 = arith.constant 1 : i32
      %dma_wait3A_385 = arith.constant 0 : i32
      %dma_wait3A_386 = arith.constant 0 : i32
      %dma_wait3A_387 = tpu.memref_slice %arg9[%dma_wait3A_384, %dma_wait3A_385, %dma_wait3A_386] : memref<2x125x128xf32, #tpu.memory_space<vmem>> -> memref<1x125x128xf32, #tpu.memory_space<vmem>>
      %dma_wait3A_388 = tpu.memref_squeeze %dma_wait3A_387 : memref<1x125x128xf32, #tpu.memory_space<vmem>> -> memref<125x128xf32, #tpu.memory_space<vmem>>
      %dma_wait3A_389 = arith.constant 0 : i32
      %dma_wait3A_390 = tpu.memref_slice %arg7[%rem3A_44, %dma_wait3A_383, %dma_wait3A_389] : memref<2x8x125xi32, #tpu.memory_space<vmem>> -> memref<1x1x125xi32, #tpu.memory_space<vmem>>
      %dma_wait3A_391 = tpu.memref_squeeze %dma_wait3A_390 : memref<1x1x125xi32, #tpu.memory_space<vmem>> -> memref<125xi32, #tpu.memory_space<vmem>>
      %dma_wait3A_392 = arith.constant 0 : i32
      %dma_wait3A_393 = arith.constant 0 : i32
      %dma_wait3A_394 = tpu.memref_slice %arg2[%dma_wait3A_392, %dma_wait3A_393] : memref<170000x128xf32, #tpu.memory_space<hbm>> -> memref<170000x128xf32, #tpu.memory_space<hbm>>
      tpu.wait_indirect_dma semaphore(%arg10 : memref<!tpu.dma_semaphore, #tpu.memory_space<semaphore_mem>>) src(%dma_wait3A_394 : memref<170000x128xf32, #tpu.memory_space<hbm>>) dst(%dma_wait3A_388 : memref<125x128xf32, #tpu.memory_space<vmem>>)
      %dma_wait3A_395 = arith.constant 0 : i32
      %dma_wait3A_396 = arith.constant 6 : i32
      %dma_wait3A_397 = arith.constant 0 : i32
      %dma_wait3A_398 = arith.constant 0 : i32
      %dma_wait3A_399 = tpu.memref_slice %arg9[%dma_wait3A_395, %dma_wait3A_397, %dma_wait3A_398] : memref<2x125x128xf32, #tpu.memory_space<vmem>> -> memref<1x125x128xf32, #tpu.memory_space<vmem>>
      %dma_wait3A_400 = tpu.memref_squeeze %dma_wait3A_399 : memref<1x125x128xf32, #tpu.memory_space<vmem>> -> memref<125x128xf32, #tpu.memory_space<vmem>>
      %dma_wait3A_401 = arith.constant 0 : i32
      %dma_wait3A_402 = tpu.memref_slice %arg8[%rem3A_44, %dma_wait3A_396, %dma_wait3A_401] : memref<2x8x125xi32, #tpu.memory_space<vmem>> -> memref<1x1x125xi32, #tpu.memory_space<vmem>>
      %dma_wait3A_403 = tpu.memref_squeeze %dma_wait3A_402 : memref<1x1x125xi32, #tpu.memory_space<vmem>> -> memref<125xi32, #tpu.memory_space<vmem>>
      %dma_wait3A_404 = arith.constant 0 : i32
      %dma_wait3A_405 = arith.constant 0 : i32
      %dma_wait3A_406 = tpu.memref_slice %arg12[%dma_wait3A_404, %dma_wait3A_405] : memref<10000x128xf32, #tpu.memory_space<vmem_shared>> -> memref<10000x128xf32, #tpu.memory_space<vmem_shared>>
      tpu.wait_indirect_dma semaphore(%arg11 : memref<!tpu.dma_semaphore, #tpu.memory_space<semaphore_mem>>) src(%dma_wait3A_400 : memref<125x128xf32, #tpu.memory_space<vmem>>) dst(%dma_wait3A_406 : memref<10000x128xf32, #tpu.memory_space<vmem_shared>>)
      %dma_start3A_407 = arith.constant 1 : i32
      %dma_start3A_408 = arith.constant 7 : i32
      %dma_start3A_409 = arith.constant 0 : i32
      %dma_start3A_410 = arith.constant 0 : i32
      %dma_start3A_411 = tpu.memref_slice %arg9[%dma_start3A_407, %dma_start3A_409, %dma_start3A_410] : memref<2x125x128xf32, #tpu.memory_space<vmem>> -> memref<1x125x128xf32, #tpu.memory_space<vmem>>
      %dma_start3A_412 = tpu.memref_squeeze %dma_start3A_411 : memref<1x125x128xf32, #tpu.memory_space<vmem>> -> memref<125x128xf32, #tpu.memory_space<vmem>>
      %dma_start3A_413 = arith.constant 0 : i32
      %dma_start3A_414 = tpu.memref_slice %arg8[%rem3A_44, %dma_start3A_408, %dma_start3A_413] : memref<2x8x125xi32, #tpu.memory_space<vmem>> -> memref<1x1x125xi32, #tpu.memory_space<vmem>>
      %dma_start3A_415 = tpu.memref_squeeze %dma_start3A_414 : memref<1x1x125xi32, #tpu.memory_space<vmem>> -> memref<125xi32, #tpu.memory_space<vmem>>
      %dma_start3A_416 = arith.constant 0 : i32
      %dma_start3A_417 = arith.constant 0 : i32
      %dma_start3A_418 = tpu.memref_slice %arg12[%dma_start3A_416, %dma_start3A_417] : memref<10000x128xf32, #tpu.memory_space<vmem_shared>> -> memref<10000x128xf32, #tpu.memory_space<vmem_shared>>
      tpu.enqueue_indirect_dma source(%dma_start3A_412 : memref<125x128xf32, #tpu.memory_space<vmem>>) target(%dma_start3A_418 : memref<10000x128xf32, #tpu.memory_space<vmem_shared>>) offsets(%dma_start3A_415 : memref<125xi32, #tpu.memory_space<vmem>>) semaphore(%arg11 : memref<!tpu.dma_semaphore, #tpu.memory_space<semaphore_mem>>) {add = true}
      %add3A_419 = arith.constant 1 : i32
      %add3A_420 = arith.addi %scan3A_42, %add3A_419 : i32
      %lt3A_421 = arith.constant 10 : i32
      %lt3A_422 = arith.cmpi slt, %add3A_420, %lt3A_421 : i32
      %convert_element_type3A_423 = arith.extui %lt3A_422 : i1 to i32
      %cond3A_424 = arith.constant 0 : i32
      %cond3A_425 = arith.cmpi ne, %convert_element_type3A_423, %cond3A_424 : i32
      scf.if %cond3A_425 {
        %dma_start3A_427 = arith.constant 0 : i32
        %dma_start3A_428 = arith.constant 0 : i32
        %dma_start3A_429 = arith.constant 0 : i32
        %dma_start3A_430 = arith.constant 0 : i32
        %dma_start3A_431 = tpu.memref_slice %arg9[%dma_start3A_428, %dma_start3A_429, %dma_start3A_430] : memref<2x125x128xf32, #tpu.memory_space<vmem>> -> memref<1x125x128xf32, #tpu.memory_space<vmem>>
        %dma_start3A_432 = tpu.memref_squeeze %dma_start3A_431 : memref<1x125x128xf32, #tpu.memory_space<vmem>> -> memref<125x128xf32, #tpu.memory_space<vmem>>
        %dma_start3A_433 = arith.constant 0 : i32
        %dma_start3A_434 = tpu.memref_slice %arg7[%rem3A_48, %dma_start3A_427, %dma_start3A_433] : memref<2x8x125xi32, #tpu.memory_space<vmem>> -> memref<1x1x125xi32, #tpu.memory_space<vmem>>
        %dma_start3A_435 = tpu.memref_squeeze %dma_start3A_434 : memref<1x1x125xi32, #tpu.memory_space<vmem>> -> memref<125xi32, #tpu.memory_space<vmem>>
        %dma_start3A_436 = arith.constant 0 : i32
        %dma_start3A_437 = arith.constant 0 : i32
        %dma_start3A_438 = tpu.memref_slice %arg2[%dma_start3A_436, %dma_start3A_437] : memref<170000x128xf32, #tpu.memory_space<hbm>> -> memref<170000x128xf32, #tpu.memory_space<hbm>>
        tpu.enqueue_indirect_dma source(%dma_start3A_438 : memref<170000x128xf32, #tpu.memory_space<hbm>>) target(%dma_start3A_432 : memref<125x128xf32, #tpu.memory_space<vmem>>) offsets(%dma_start3A_435 : memref<125xi32, #tpu.memory_space<vmem>>) semaphore(%arg10 : memref<!tpu.dma_semaphore, #tpu.memory_space<semaphore_mem>>)
      } else {
      }
      %scan3A_426 = arith.constant 0 : i32
      scf.yield %scan3A_426 : i32
    }
    %scan3A_23 = arith.constant 10 : i32
    %dma_wait3A = arith.constant 1 : i32
    %dma_wait3A_24 = arith.constant 1 : i32
    %dma_wait3A_25 = arith.constant 7 : i32
    %dma_wait3A_26 = arith.constant 0 : i32
    %dma_wait3A_27 = arith.constant 0 : i32
    %dma_wait3A_28 = tpu.memref_slice %arg9[%dma_wait3A, %dma_wait3A_26, %dma_wait3A_27] : memref<2x125x128xf32, #tpu.memory_space<vmem>> -> memref<1x125x128xf32, #tpu.memory_space<vmem>>
    %dma_wait3A_29 = tpu.memref_squeeze %dma_wait3A_28 : memref<1x125x128xf32, #tpu.memory_space<vmem>> -> memref<125x128xf32, #tpu.memory_space<vmem>>
    %dma_wait3A_30 = arith.constant 0 : i32
    %dma_wait3A_31 = tpu.memref_slice %arg8[%dma_wait3A_24, %dma_wait3A_25, %dma_wait3A_30] : memref<2x8x125xi32, #tpu.memory_space<vmem>> -> memref<1x1x125xi32, #tpu.memory_space<vmem>>
    %dma_wait3A_32 = tpu.memref_squeeze %dma_wait3A_31 : memref<1x1x125xi32, #tpu.memory_space<vmem>> -> memref<125xi32, #tpu.memory_space<vmem>>
    %dma_wait3A_33 = arith.constant 0 : i32
    %dma_wait3A_34 = arith.constant 0 : i32
    %dma_wait3A_35 = tpu.memref_slice %arg12[%dma_wait3A_33, %dma_wait3A_34] : memref<10000x128xf32, #tpu.memory_space<vmem_shared>> -> memref<10000x128xf32, #tpu.memory_space<vmem_shared>>
    tpu.wait_indirect_dma semaphore(%arg11 : memref<!tpu.dma_semaphore, #tpu.memory_space<semaphore_mem>>) src(%dma_wait3A_29 : memref<125x128xf32, #tpu.memory_space<vmem>>) dst(%dma_wait3A_35 : memref<10000x128xf32, #tpu.memory_space<vmem_shared>>)
    %barrier3A_36 = arith.constant 0 : index
    tpu.barrier barrier_id(%barrier3A_36)
    %eq3A_37 = arith.constant 0 : i32
    %eq3A_38 = arith.cmpi eq, %arg1, %eq3A_37 : i32
    %convert_element_type3A_39 = arith.extui %eq3A_38 : i1 to i32
    %cond3A_40 = arith.constant 0 : i32
    %cond3A_41 = arith.cmpi ne, %convert_element_type3A_39, %cond3A_40 : i32
    scf.if %cond3A_41 {
      "tpu.region"() ({
        %run_scoped3A_42 = tpu.sem_alloc : memref<!tpu.dma_semaphore, #tpu.memory_space<semaphore_mem>>
        %dma_start3A_43 = arith.constant 0 : i32
        %dma_start3A_44 = arith.constant 0 : i32
        %dma_start3A_45 = tpu.memref_slice %arg6[%arg0, %dma_start3A_43, %dma_start3A_44] : memref<2x10000x128xf32, #tpu.memory_space<hbm>> -> memref<1x10000x128xf32, #tpu.memory_space<hbm>>
        %dma_start3A_46 = tpu.memref_squeeze %dma_start3A_45 : memref<1x10000x128xf32, #tpu.memory_space<hbm>> -> memref<10000x128xf32, #tpu.memory_space<hbm>>
        %dma_start3A_47 = arith.constant 0 : i32
        %dma_start3A_48 = arith.constant 0 : i32
        %dma_start3A_49 = tpu.memref_slice %arg12[%dma_start3A_47, %dma_start3A_48] : memref<10000x128xf32, #tpu.memory_space<vmem_shared>> -> memref<10000x128xf32, #tpu.memory_space<vmem_shared>>
        tpu.enqueue_dma source(%dma_start3A_49 : memref<10000x128xf32, #tpu.memory_space<vmem_shared>>) target(%dma_start3A_46 : memref<10000x128xf32, #tpu.memory_space<hbm>>) target_semaphore(%run_scoped3A_42 : memref<!tpu.dma_semaphore, #tpu.memory_space<semaphore_mem>>)
        %dma_wait3A_50 = arith.constant 0 : i32
        %dma_wait3A_51 = arith.constant 0 : i32
        %dma_wait3A_52 = tpu.memref_slice %arg6[%arg0, %dma_wait3A_50, %dma_wait3A_51] : memref<2x10000x128xf32, #tpu.memory_space<hbm>> -> memref<1x10000x128xf32, #tpu.memory_space<hbm>>
        %dma_wait3A_53 = tpu.memref_squeeze %dma_wait3A_52 : memref<1x10000x128xf32, #tpu.memory_space<hbm>> -> memref<10000x128xf32, #tpu.memory_space<hbm>>
        %dma_wait3A_54 = arith.constant 0 : i32
        %dma_wait3A_55 = arith.constant 0 : i32
        %dma_wait3A_56 = tpu.memref_slice %arg12[%dma_wait3A_54, %dma_wait3A_55] : memref<10000x128xf32, #tpu.memory_space<vmem_shared>> -> memref<10000x128xf32, #tpu.memory_space<vmem_shared>>
        tpu.wait_dma2 semaphore(%run_scoped3A_42 : memref<!tpu.dma_semaphore, #tpu.memory_space<semaphore_mem>>) src(%dma_wait3A_56 : memref<10000x128xf32, #tpu.memory_space<vmem_shared>>) dst(%dma_wait3A_53 : memref<10000x128xf32, #tpu.memory_space<hbm>>)
        tpu.yield
      }) : () -> ()
    } else {
    }
    return
  }
}

#map = affine_map<(d0, d1) -> (0, 0, 0, 0)>
#map1 = affine_map<(d0, d1) -> (0, 0)>
#map2 = affine_map<(d0, d1) -> (0, 0, 0)>
module attributes {stable_mosaic.version = 14 : i64} {
  func.func @body(%arg0: i32, %arg1: i32, %arg2: memref<32x10x8x125xi32, #tpu.memory_space<hbm>>, %arg3: memref<10000x128xf32, #tpu.memory_space<hbm>>, %arg4: memref<125x128xf32, #tpu.memory_space<hbm>>, %arg5: memref<2x10000x128xf32, #tpu.memory_space<hbm>>, %arg6: memref<2x8x125xi32, #tpu.memory_space<vmem>>, %arg7: memref<125x128xf32, #tpu.memory_space<vmem>>, %arg8: memref<!tpu.dma_semaphore, #tpu.memory_space<semaphore_mem>>, %arg9: memref<10000x128xf32, #tpu.memory_space<vmem_shared>>) attributes {dimension_semantics = [#tpu.dimension_semantics<core_parallel>, #tpu.dimension_semantics<subcore_parallel>], iteration_bounds = array<i64: 2, 16>, scalar_prefetch = 0 : i64, scratch_operands = 4 : i64, tpu.core_type = #tpu.core_type<sc_vector_subcore>, window_params = [{transform_indices = #map}, {transform_indices = #map1}, {transform_indices = #map1}, {transform_indices = #map2}]} {
    %mul3A = arith.constant 16 : i32
    %mul3A_0 = arith.muli %arg0, %mul3A : i32
    %add3A = arith.addi %mul3A_0, %arg1 : i32
    %eq3A = arith.constant 0 : i32
    %eq3A_1 = arith.cmpi eq, %arg1, %eq3A : i32
    %convert_element_type3A = arith.extui %eq3A_1 : i1 to i32
    %cond3A = arith.constant 0 : i32
    %cond3A_2 = arith.cmpi ne, %convert_element_type3A, %cond3A : i32
    scf.if %cond3A_2 {
      "tpu.region"() ({
        %run_scoped3A_79 = tpu.sem_alloc : memref<!tpu.dma_semaphore, #tpu.memory_space<semaphore_mem>>
        tpu.enqueue_dma source(%arg3 : memref<10000x128xf32, #tpu.memory_space<hbm>>) target(%arg9 : memref<10000x128xf32, #tpu.memory_space<vmem_shared>>) target_semaphore(%run_scoped3A_79 : memref<!tpu.dma_semaphore, #tpu.memory_space<semaphore_mem>>)
        tpu.wait_dma2 semaphore(%run_scoped3A_79 : memref<!tpu.dma_semaphore, #tpu.memory_space<semaphore_mem>>) src(%arg3 : memref<10000x128xf32, #tpu.memory_space<hbm>>) dst(%arg9 : memref<10000x128xf32, #tpu.memory_space<vmem_shared>>)
        tpu.yield
      }) : () -> ()
    } else {
    }
    "tpu.region"() ({
      %run_scoped3A_79 = tpu.sem_alloc : memref<!tpu.dma_semaphore, #tpu.memory_space<semaphore_mem>>
      tpu.enqueue_dma source(%arg4 : memref<125x128xf32, #tpu.memory_space<hbm>>) target(%arg7 : memref<125x128xf32, #tpu.memory_space<vmem>>) target_semaphore(%run_scoped3A_79 : memref<!tpu.dma_semaphore, #tpu.memory_space<semaphore_mem>>)
      tpu.wait_dma2 semaphore(%run_scoped3A_79 : memref<!tpu.dma_semaphore, #tpu.memory_space<semaphore_mem>>) src(%arg4 : memref<125x128xf32, #tpu.memory_space<hbm>>) dst(%arg7 : memref<125x128xf32, #tpu.memory_space<vmem>>)
      tpu.yield
    }) : () -> ()
    %barrier3A = arith.constant 0 : index
    tpu.barrier barrier_id(%barrier3A)
    %run_scoped3A = arith.constant 0 : i32
    %run_scoped3A_3 = arith.constant 0 : i32
    "tpu.region"() ({
      %run_scoped3A_79 = tpu.sem_alloc : memref<!tpu.dma_semaphore, #tpu.memory_space<semaphore_mem>>
      %dma_start3A = arith.constant 0 : i32
      %dma_start3A_80 = arith.constant 0 : i32
      %dma_start3A_81 = tpu.memref_slice %arg6[%run_scoped3A_3, %dma_start3A, %dma_start3A_80] : memref<2x8x125xi32, #tpu.memory_space<vmem>> -> memref<1x8x125xi32, #tpu.memory_space<vmem>>
      %dma_start3A_82 = tpu.memref_squeeze %dma_start3A_81 : memref<1x8x125xi32, #tpu.memory_space<vmem>> -> memref<8x125xi32, #tpu.memory_space<vmem>>
      %dma_start3A_83 = arith.constant 0 : i32
      %dma_start3A_84 = arith.constant 0 : i32
      %dma_start3A_85 = tpu.memref_slice %arg2[%add3A, %run_scoped3A, %dma_start3A_83, %dma_start3A_84] : memref<32x10x8x125xi32, #tpu.memory_space<hbm>> -> memref<1x1x8x125xi32, #tpu.memory_space<hbm>>
      %dma_start3A_86 = tpu.memref_squeeze %dma_start3A_85 : memref<1x1x8x125xi32, #tpu.memory_space<hbm>> -> memref<8x125xi32, #tpu.memory_space<hbm>>
      %dma_start3A_87 = arith.constant 0 : i32
      %dma_start3A_88 = arith.constant 0 : i32
      %dma_start3A_89 = tpu.memref_slice %arg6[%run_scoped3A_3, %dma_start3A_87, %dma_start3A_88] : memref<2x8x125xi32, #tpu.memory_space<vmem>> -> memref<1x8x125xi32, #tpu.memory_space<vmem>>
      %dma_start3A_90 = tpu.memref_squeeze %dma_start3A_89 : memref<1x8x125xi32, #tpu.memory_space<vmem>> -> memref<8x125xi32, #tpu.memory_space<vmem>>
      %dma_start3A_91 = arith.constant 0 : i32
      %dma_start3A_92 = arith.constant 0 : i32
      %dma_start3A_93 = tpu.memref_slice %arg2[%add3A, %run_scoped3A, %dma_start3A_91, %dma_start3A_92] : memref<32x10x8x125xi32, #tpu.memory_space<hbm>> -> memref<1x1x8x125xi32, #tpu.memory_space<hbm>>
      %dma_start3A_94 = tpu.memref_squeeze %dma_start3A_93 : memref<1x1x8x125xi32, #tpu.memory_space<hbm>> -> memref<8x125xi32, #tpu.memory_space<hbm>>
      tpu.enqueue_dma source(%dma_start3A_94 : memref<8x125xi32, #tpu.memory_space<hbm>>) target(%dma_start3A_90 : memref<8x125xi32, #tpu.memory_space<vmem>>) target_semaphore(%run_scoped3A_79 : memref<!tpu.dma_semaphore, #tpu.memory_space<semaphore_mem>>)
      %dma_wait3A_95 = arith.constant 0 : i32
      %dma_wait3A_96 = arith.constant 0 : i32
      %dma_wait3A_97 = tpu.memref_slice %arg6[%run_scoped3A_3, %dma_wait3A_95, %dma_wait3A_96] : memref<2x8x125xi32, #tpu.memory_space<vmem>> -> memref<1x8x125xi32, #tpu.memory_space<vmem>>
      %dma_wait3A_98 = tpu.memref_squeeze %dma_wait3A_97 : memref<1x8x125xi32, #tpu.memory_space<vmem>> -> memref<8x125xi32, #tpu.memory_space<vmem>>
      %dma_wait3A_99 = arith.constant 0 : i32
      %dma_wait3A_100 = arith.constant 0 : i32
      %dma_wait3A_101 = tpu.memref_slice %arg2[%add3A, %run_scoped3A, %dma_wait3A_99, %dma_wait3A_100] : memref<32x10x8x125xi32, #tpu.memory_space<hbm>> -> memref<1x1x8x125xi32, #tpu.memory_space<hbm>>
      %dma_wait3A_102 = tpu.memref_squeeze %dma_wait3A_101 : memref<1x1x8x125xi32, #tpu.memory_space<hbm>> -> memref<8x125xi32, #tpu.memory_space<hbm>>
      %dma_wait3A_103 = arith.constant 0 : i32
      %dma_wait3A_104 = arith.constant 0 : i32
      %dma_wait3A_105 = tpu.memref_slice %arg6[%run_scoped3A_3, %dma_wait3A_103, %dma_wait3A_104] : memref<2x8x125xi32, #tpu.memory_space<vmem>> -> memref<1x8x125xi32, #tpu.memory_space<vmem>>
      %dma_wait3A_106 = tpu.memref_squeeze %dma_wait3A_105 : memref<1x8x125xi32, #tpu.memory_space<vmem>> -> memref<8x125xi32, #tpu.memory_space<vmem>>
      %dma_wait3A_107 = arith.constant 0 : i32
      %dma_wait3A_108 = arith.constant 0 : i32
      %dma_wait3A_109 = tpu.memref_slice %arg2[%add3A, %run_scoped3A, %dma_wait3A_107, %dma_wait3A_108] : memref<32x10x8x125xi32, #tpu.memory_space<hbm>> -> memref<1x1x8x125xi32, #tpu.memory_space<hbm>>
      %dma_wait3A_110 = tpu.memref_squeeze %dma_wait3A_109 : memref<1x1x8x125xi32, #tpu.memory_space<hbm>> -> memref<8x125xi32, #tpu.memory_space<hbm>>
      tpu.wait_dma2 semaphore(%run_scoped3A_79 : memref<!tpu.dma_semaphore, #tpu.memory_space<semaphore_mem>>) src(%dma_wait3A_110 : memref<8x125xi32, #tpu.memory_space<hbm>>) dst(%dma_wait3A_106 : memref<8x125xi32, #tpu.memory_space<vmem>>)
      tpu.yield
    }) : () -> ()
    %scan3A = arith.constant 0 : i32
    %scan3A_4 = arith.constant 0 : i32
    %scan3A_5 = arith.constant 10 : i32
    %scan3A_6 = arith.addi %scan3A_4, %scan3A_5 : i32
    %scan3A_7 = arith.constant 1 : i32
    %scan3A_8 = scf.for %scan3A_79 = %scan3A_4 to %scan3A_6 step %scan3A_7 iter_args(%scan3A_80 = %scan3A) -> (i32)  : i32 {
      %rem3A = arith.constant 2 : i32
      %rem3A_81 = arith.remsi %scan3A_79, %rem3A : i32
      %add3A_82 = arith.constant 1 : i32
      %add3A_83 = arith.addi %scan3A_79, %add3A_82 : i32
      %rem3A_84 = arith.constant 2 : i32
      %rem3A_85 = arith.remsi %add3A_83, %rem3A_84 : i32
      %gt3A = arith.constant 0 : i32
      %gt3A_86 = arith.cmpi sgt, %scan3A_79, %gt3A : i32
      %convert_element_type3A_87 = arith.extui %gt3A_86 : i1 to i32
      %cond3A_88 = arith.constant 0 : i32
      %cond3A_89 = arith.cmpi ne, %convert_element_type3A_87, %cond3A_88 : i32
      scf.if %cond3A_89 {
        %dma_wait3A_152 = arith.constant 0 : i32
        %dma_wait3A_153 = arith.constant 0 : i32
        %dma_wait3A_154 = tpu.memref_slice %arg6[%rem3A_85, %dma_wait3A_152, %dma_wait3A_153] : memref<2x8x125xi32, #tpu.memory_space<vmem>> -> memref<1x1x125xi32, #tpu.memory_space<vmem>>
        %dma_wait3A_155 = tpu.memref_squeeze %dma_wait3A_154 : memref<1x1x125xi32, #tpu.memory_space<vmem>> -> memref<125xi32, #tpu.memory_space<vmem>>
        %dma_wait3A_156 = arith.constant 0 : i32
        %dma_wait3A_157 = arith.constant 0 : i32
        %dma_wait3A_158 = tpu.memref_slice %arg9[%dma_wait3A_156, %dma_wait3A_157] : memref<10000x128xf32, #tpu.memory_space<vmem_shared>> -> memref<10000x128xf32, #tpu.memory_space<vmem_shared>>
        tpu.wait_indirect_dma semaphore(%arg8 : memref<!tpu.dma_semaphore, #tpu.memory_space<semaphore_mem>>) src(%arg7 : memref<125x128xf32, #tpu.memory_space<vmem>>) dst(%dma_wait3A_158 : memref<10000x128xf32, #tpu.memory_space<vmem_shared>>)
        %dma_wait3A_159 = arith.constant 1 : i32
        %dma_wait3A_160 = arith.constant 0 : i32
        %dma_wait3A_161 = tpu.memref_slice %arg6[%rem3A_85, %dma_wait3A_159, %dma_wait3A_160] : memref<2x8x125xi32, #tpu.memory_space<vmem>> -> memref<1x1x125xi32, #tpu.memory_space<vmem>>
        %dma_wait3A_162 = tpu.memref_squeeze %dma_wait3A_161 : memref<1x1x125xi32, #tpu.memory_space<vmem>> -> memref<125xi32, #tpu.memory_space<vmem>>
        %dma_wait3A_163 = arith.constant 0 : i32
        %dma_wait3A_164 = arith.constant 0 : i32
        %dma_wait3A_165 = tpu.memref_slice %arg9[%dma_wait3A_163, %dma_wait3A_164] : memref<10000x128xf32, #tpu.memory_space<vmem_shared>> -> memref<10000x128xf32, #tpu.memory_space<vmem_shared>>
        tpu.wait_indirect_dma semaphore(%arg8 : memref<!tpu.dma_semaphore, #tpu.memory_space<semaphore_mem>>) src(%arg7 : memref<125x128xf32, #tpu.memory_space<vmem>>) dst(%dma_wait3A_165 : memref<10000x128xf32, #tpu.memory_space<vmem_shared>>)
        %dma_wait3A_166 = arith.constant 2 : i32
        %dma_wait3A_167 = arith.constant 0 : i32
        %dma_wait3A_168 = tpu.memref_slice %arg6[%rem3A_85, %dma_wait3A_166, %dma_wait3A_167] : memref<2x8x125xi32, #tpu.memory_space<vmem>> -> memref<1x1x125xi32, #tpu.memory_space<vmem>>
        %dma_wait3A_169 = tpu.memref_squeeze %dma_wait3A_168 : memref<1x1x125xi32, #tpu.memory_space<vmem>> -> memref<125xi32, #tpu.memory_space<vmem>>
        %dma_wait3A_170 = arith.constant 0 : i32
        %dma_wait3A_171 = arith.constant 0 : i32
        %dma_wait3A_172 = tpu.memref_slice %arg9[%dma_wait3A_170, %dma_wait3A_171] : memref<10000x128xf32, #tpu.memory_space<vmem_shared>> -> memref<10000x128xf32, #tpu.memory_space<vmem_shared>>
        tpu.wait_indirect_dma semaphore(%arg8 : memref<!tpu.dma_semaphore, #tpu.memory_space<semaphore_mem>>) src(%arg7 : memref<125x128xf32, #tpu.memory_space<vmem>>) dst(%dma_wait3A_172 : memref<10000x128xf32, #tpu.memory_space<vmem_shared>>)
        %dma_wait3A_173 = arith.constant 3 : i32
        %dma_wait3A_174 = arith.constant 0 : i32
        %dma_wait3A_175 = tpu.memref_slice %arg6[%rem3A_85, %dma_wait3A_173, %dma_wait3A_174] : memref<2x8x125xi32, #tpu.memory_space<vmem>> -> memref<1x1x125xi32, #tpu.memory_space<vmem>>
        %dma_wait3A_176 = tpu.memref_squeeze %dma_wait3A_175 : memref<1x1x125xi32, #tpu.memory_space<vmem>> -> memref<125xi32, #tpu.memory_space<vmem>>
        %dma_wait3A_177 = arith.constant 0 : i32
        %dma_wait3A_178 = arith.constant 0 : i32
        %dma_wait3A_179 = tpu.memref_slice %arg9[%dma_wait3A_177, %dma_wait3A_178] : memref<10000x128xf32, #tpu.memory_space<vmem_shared>> -> memref<10000x128xf32, #tpu.memory_space<vmem_shared>>
        tpu.wait_indirect_dma semaphore(%arg8 : memref<!tpu.dma_semaphore, #tpu.memory_space<semaphore_mem>>) src(%arg7 : memref<125x128xf32, #tpu.memory_space<vmem>>) dst(%dma_wait3A_179 : memref<10000x128xf32, #tpu.memory_space<vmem_shared>>)
        %dma_wait3A_180 = arith.constant 4 : i32
        %dma_wait3A_181 = arith.constant 0 : i32
        %dma_wait3A_182 = tpu.memref_slice %arg6[%rem3A_85, %dma_wait3A_180, %dma_wait3A_181] : memref<2x8x125xi32, #tpu.memory_space<vmem>> -> memref<1x1x125xi32, #tpu.memory_space<vmem>>
        %dma_wait3A_183 = tpu.memref_squeeze %dma_wait3A_182 : memref<1x1x125xi32, #tpu.memory_space<vmem>> -> memref<125xi32, #tpu.memory_space<vmem>>
        %dma_wait3A_184 = arith.constant 0 : i32
        %dma_wait3A_185 = arith.constant 0 : i32
        %dma_wait3A_186 = tpu.memref_slice %arg9[%dma_wait3A_184, %dma_wait3A_185] : memref<10000x128xf32, #tpu.memory_space<vmem_shared>> -> memref<10000x128xf32, #tpu.memory_space<vmem_shared>>
        tpu.wait_indirect_dma semaphore(%arg8 : memref<!tpu.dma_semaphore, #tpu.memory_space<semaphore_mem>>) src(%arg7 : memref<125x128xf32, #tpu.memory_space<vmem>>) dst(%dma_wait3A_186 : memref<10000x128xf32, #tpu.memory_space<vmem_shared>>)
        %dma_wait3A_187 = arith.constant 5 : i32
        %dma_wait3A_188 = arith.constant 0 : i32
        %dma_wait3A_189 = tpu.memref_slice %arg6[%rem3A_85, %dma_wait3A_187, %dma_wait3A_188] : memref<2x8x125xi32, #tpu.memory_space<vmem>> -> memref<1x1x125xi32, #tpu.memory_space<vmem>>
        %dma_wait3A_190 = tpu.memref_squeeze %dma_wait3A_189 : memref<1x1x125xi32, #tpu.memory_space<vmem>> -> memref<125xi32, #tpu.memory_space<vmem>>
        %dma_wait3A_191 = arith.constant 0 : i32
        %dma_wait3A_192 = arith.constant 0 : i32
        %dma_wait3A_193 = tpu.memref_slice %arg9[%dma_wait3A_191, %dma_wait3A_192] : memref<10000x128xf32, #tpu.memory_space<vmem_shared>> -> memref<10000x128xf32, #tpu.memory_space<vmem_shared>>
        tpu.wait_indirect_dma semaphore(%arg8 : memref<!tpu.dma_semaphore, #tpu.memory_space<semaphore_mem>>) src(%arg7 : memref<125x128xf32, #tpu.memory_space<vmem>>) dst(%dma_wait3A_193 : memref<10000x128xf32, #tpu.memory_space<vmem_shared>>)
        %dma_wait3A_194 = arith.constant 6 : i32
        %dma_wait3A_195 = arith.constant 0 : i32
        %dma_wait3A_196 = tpu.memref_slice %arg6[%rem3A_85, %dma_wait3A_194, %dma_wait3A_195] : memref<2x8x125xi32, #tpu.memory_space<vmem>> -> memref<1x1x125xi32, #tpu.memory_space<vmem>>
        %dma_wait3A_197 = tpu.memref_squeeze %dma_wait3A_196 : memref<1x1x125xi32, #tpu.memory_space<vmem>> -> memref<125xi32, #tpu.memory_space<vmem>>
        %dma_wait3A_198 = arith.constant 0 : i32
        %dma_wait3A_199 = arith.constant 0 : i32
        %dma_wait3A_200 = tpu.memref_slice %arg9[%dma_wait3A_198, %dma_wait3A_199] : memref<10000x128xf32, #tpu.memory_space<vmem_shared>> -> memref<10000x128xf32, #tpu.memory_space<vmem_shared>>
        tpu.wait_indirect_dma semaphore(%arg8 : memref<!tpu.dma_semaphore, #tpu.memory_space<semaphore_mem>>) src(%arg7 : memref<125x128xf32, #tpu.memory_space<vmem>>) dst(%dma_wait3A_200 : memref<10000x128xf32, #tpu.memory_space<vmem_shared>>)
        %dma_wait3A_201 = arith.constant 7 : i32
        %dma_wait3A_202 = arith.constant 0 : i32
        %dma_wait3A_203 = tpu.memref_slice %arg6[%rem3A_85, %dma_wait3A_201, %dma_wait3A_202] : memref<2x8x125xi32, #tpu.memory_space<vmem>> -> memref<1x1x125xi32, #tpu.memory_space<vmem>>
        %dma_wait3A_204 = tpu.memref_squeeze %dma_wait3A_203 : memref<1x1x125xi32, #tpu.memory_space<vmem>> -> memref<125xi32, #tpu.memory_space<vmem>>
        %dma_wait3A_205 = arith.constant 0 : i32
        %dma_wait3A_206 = arith.constant 0 : i32
        %dma_wait3A_207 = tpu.memref_slice %arg9[%dma_wait3A_205, %dma_wait3A_206] : memref<10000x128xf32, #tpu.memory_space<vmem_shared>> -> memref<10000x128xf32, #tpu.memory_space<vmem_shared>>
        tpu.wait_indirect_dma semaphore(%arg8 : memref<!tpu.dma_semaphore, #tpu.memory_space<semaphore_mem>>) src(%arg7 : memref<125x128xf32, #tpu.memory_space<vmem>>) dst(%dma_wait3A_207 : memref<10000x128xf32, #tpu.memory_space<vmem_shared>>)
      } else {
      }
      %add3A_90 = arith.constant 1 : i32
      %add3A_91 = arith.addi %scan3A_79, %add3A_90 : i32
      %lt3A = arith.constant 10 : i32
      %lt3A_92 = arith.cmpi slt, %add3A_91, %lt3A : i32
      %convert_element_type3A_93 = arith.extui %lt3A_92 : i1 to i32
      %cond3A_94 = arith.constant 0 : i32
      %cond3A_95 = arith.cmpi ne, %convert_element_type3A_93, %cond3A_94 : i32
      scf.if %cond3A_95 {
        %add3A_152 = arith.constant 1 : i32
        %add3A_153 = arith.addi %scan3A_79, %add3A_152 : i32
        "tpu.region"() ({
          %run_scoped3A_154 = tpu.sem_alloc : memref<!tpu.dma_semaphore, #tpu.memory_space<semaphore_mem>>
          %dma_start3A_155 = arith.constant 0 : i32
          %dma_start3A_156 = arith.constant 0 : i32
          %dma_start3A_157 = tpu.memref_slice %arg6[%rem3A_85, %dma_start3A_155, %dma_start3A_156] : memref<2x8x125xi32, #tpu.memory_space<vmem>> -> memref<1x8x125xi32, #tpu.memory_space<vmem>>
          %dma_start3A_158 = tpu.memref_squeeze %dma_start3A_157 : memref<1x8x125xi32, #tpu.memory_space<vmem>> -> memref<8x125xi32, #tpu.memory_space<vmem>>
          %dma_start3A_159 = arith.constant 0 : i32
          %dma_start3A_160 = arith.constant 0 : i32
          %dma_start3A_161 = tpu.memref_slice %arg2[%add3A, %add3A_153, %dma_start3A_159, %dma_start3A_160] : memref<32x10x8x125xi32, #tpu.memory_space<hbm>> -> memref<1x1x8x125xi32, #tpu.memory_space<hbm>>
          %dma_start3A_162 = tpu.memref_squeeze %dma_start3A_161 : memref<1x1x8x125xi32, #tpu.memory_space<hbm>> -> memref<8x125xi32, #tpu.memory_space<hbm>>
          %dma_start3A_163 = arith.constant 0 : i32
          %dma_start3A_164 = arith.constant 0 : i32
          %dma_start3A_165 = tpu.memref_slice %arg6[%rem3A_85, %dma_start3A_163, %dma_start3A_164] : memref<2x8x125xi32, #tpu.memory_space<vmem>> -> memref<1x8x125xi32, #tpu.memory_space<vmem>>
          %dma_start3A_166 = tpu.memref_squeeze %dma_start3A_165 : memref<1x8x125xi32, #tpu.memory_space<vmem>> -> memref<8x125xi32, #tpu.memory_space<vmem>>
          %dma_start3A_167 = arith.constant 0 : i32
          %dma_start3A_168 = arith.constant 0 : i32
          %dma_start3A_169 = tpu.memref_slice %arg2[%add3A, %add3A_153, %dma_start3A_167, %dma_start3A_168] : memref<32x10x8x125xi32, #tpu.memory_space<hbm>> -> memref<1x1x8x125xi32, #tpu.memory_space<hbm>>
          %dma_start3A_170 = tpu.memref_squeeze %dma_start3A_169 : memref<1x1x8x125xi32, #tpu.memory_space<hbm>> -> memref<8x125xi32, #tpu.memory_space<hbm>>
          tpu.enqueue_dma source(%dma_start3A_170 : memref<8x125xi32, #tpu.memory_space<hbm>>) target(%dma_start3A_166 : memref<8x125xi32, #tpu.memory_space<vmem>>) target_semaphore(%run_scoped3A_154 : memref<!tpu.dma_semaphore, #tpu.memory_space<semaphore_mem>>)
          %dma_wait3A_171 = arith.constant 0 : i32
          %dma_wait3A_172 = arith.constant 0 : i32
          %dma_wait3A_173 = tpu.memref_slice %arg6[%rem3A_85, %dma_wait3A_171, %dma_wait3A_172] : memref<2x8x125xi32, #tpu.memory_space<vmem>> -> memref<1x8x125xi32, #tpu.memory_space<vmem>>
          %dma_wait3A_174 = tpu.memref_squeeze %dma_wait3A_173 : memref<1x8x125xi32, #tpu.memory_space<vmem>> -> memref<8x125xi32, #tpu.memory_space<vmem>>
          %dma_wait3A_175 = arith.constant 0 : i32
          %dma_wait3A_176 = arith.constant 0 : i32
          %dma_wait3A_177 = tpu.memref_slice %arg2[%add3A, %add3A_153, %dma_wait3A_175, %dma_wait3A_176] : memref<32x10x8x125xi32, #tpu.memory_space<hbm>> -> memref<1x1x8x125xi32, #tpu.memory_space<hbm>>
          %dma_wait3A_178 = tpu.memref_squeeze %dma_wait3A_177 : memref<1x1x8x125xi32, #tpu.memory_space<hbm>> -> memref<8x125xi32, #tpu.memory_space<hbm>>
          %dma_wait3A_179 = arith.constant 0 : i32
          %dma_wait3A_180 = arith.constant 0 : i32
          %dma_wait3A_181 = tpu.memref_slice %arg6[%rem3A_85, %dma_wait3A_179, %dma_wait3A_180] : memref<2x8x125xi32, #tpu.memory_space<vmem>> -> memref<1x8x125xi32, #tpu.memory_space<vmem>>
          %dma_wait3A_182 = tpu.memref_squeeze %dma_wait3A_181 : memref<1x8x125xi32, #tpu.memory_space<vmem>> -> memref<8x125xi32, #tpu.memory_space<vmem>>
          %dma_wait3A_183 = arith.constant 0 : i32
          %dma_wait3A_184 = arith.constant 0 : i32
          %dma_wait3A_185 = tpu.memref_slice %arg2[%add3A, %add3A_153, %dma_wait3A_183, %dma_wait3A_184] : memref<32x10x8x125xi32, #tpu.memory_space<hbm>> -> memref<1x1x8x125xi32, #tpu.memory_space<hbm>>
          %dma_wait3A_186 = tpu.memref_squeeze %dma_wait3A_185 : memref<1x1x8x125xi32, #tpu.memory_space<hbm>> -> memref<8x125xi32, #tpu.memory_space<hbm>>
          tpu.wait_dma2 semaphore(%run_scoped3A_154 : memref<!tpu.dma_semaphore, #tpu.memory_space<semaphore_mem>>) src(%dma_wait3A_186 : memref<8x125xi32, #tpu.memory_space<hbm>>) dst(%dma_wait3A_182 : memref<8x125xi32, #tpu.memory_space<vmem>>)
          tpu.yield
        }) : () -> ()
      } else {
      }
      %dma_start3A = arith.constant 0 : i32
      %dma_start3A_96 = arith.constant 0 : i32
      %dma_start3A_97 = tpu.memref_slice %arg6[%rem3A_81, %dma_start3A, %dma_start3A_96] : memref<2x8x125xi32, #tpu.memory_space<vmem>> -> memref<1x1x125xi32, #tpu.memory_space<vmem>>
      %dma_start3A_98 = tpu.memref_squeeze %dma_start3A_97 : memref<1x1x125xi32, #tpu.memory_space<vmem>> -> memref<125xi32, #tpu.memory_space<vmem>>
      %dma_start3A_99 = arith.constant 0 : i32
      %dma_start3A_100 = arith.constant 0 : i32
      %dma_start3A_101 = tpu.memref_slice %arg9[%dma_start3A_99, %dma_start3A_100] : memref<10000x128xf32, #tpu.memory_space<vmem_shared>> -> memref<10000x128xf32, #tpu.memory_space<vmem_shared>>
      tpu.enqueue_indirect_dma source(%arg7 : memref<125x128xf32, #tpu.memory_space<vmem>>) target(%dma_start3A_101 : memref<10000x128xf32, #tpu.memory_space<vmem_shared>>) offsets(%dma_start3A_98 : memref<125xi32, #tpu.memory_space<vmem>>) semaphore(%arg8 : memref<!tpu.dma_semaphore, #tpu.memory_space<semaphore_mem>>) {add = true}
      %dma_start3A_102 = arith.constant 1 : i32
      %dma_start3A_103 = arith.constant 0 : i32
      %dma_start3A_104 = tpu.memref_slice %arg6[%rem3A_81, %dma_start3A_102, %dma_start3A_103] : memref<2x8x125xi32, #tpu.memory_space<vmem>> -> memref<1x1x125xi32, #tpu.memory_space<vmem>>
      %dma_start3A_105 = tpu.memref_squeeze %dma_start3A_104 : memref<1x1x125xi32, #tpu.memory_space<vmem>> -> memref<125xi32, #tpu.memory_space<vmem>>
      %dma_start3A_106 = arith.constant 0 : i32
      %dma_start3A_107 = arith.constant 0 : i32
      %dma_start3A_108 = tpu.memref_slice %arg9[%dma_start3A_106, %dma_start3A_107] : memref<10000x128xf32, #tpu.memory_space<vmem_shared>> -> memref<10000x128xf32, #tpu.memory_space<vmem_shared>>
      tpu.enqueue_indirect_dma source(%arg7 : memref<125x128xf32, #tpu.memory_space<vmem>>) target(%dma_start3A_108 : memref<10000x128xf32, #tpu.memory_space<vmem_shared>>) offsets(%dma_start3A_105 : memref<125xi32, #tpu.memory_space<vmem>>) semaphore(%arg8 : memref<!tpu.dma_semaphore, #tpu.memory_space<semaphore_mem>>) {add = true}
      %dma_start3A_109 = arith.constant 2 : i32
      %dma_start3A_110 = arith.constant 0 : i32
      %dma_start3A_111 = tpu.memref_slice %arg6[%rem3A_81, %dma_start3A_109, %dma_start3A_110] : memref<2x8x125xi32, #tpu.memory_space<vmem>> -> memref<1x1x125xi32, #tpu.memory_space<vmem>>
      %dma_start3A_112 = tpu.memref_squeeze %dma_start3A_111 : memref<1x1x125xi32, #tpu.memory_space<vmem>> -> memref<125xi32, #tpu.memory_space<vmem>>
      %dma_start3A_113 = arith.constant 0 : i32
      %dma_start3A_114 = arith.constant 0 : i32
      %dma_start3A_115 = tpu.memref_slice %arg9[%dma_start3A_113, %dma_start3A_114] : memref<10000x128xf32, #tpu.memory_space<vmem_shared>> -> memref<10000x128xf32, #tpu.memory_space<vmem_shared>>
      tpu.enqueue_indirect_dma source(%arg7 : memref<125x128xf32, #tpu.memory_space<vmem>>) target(%dma_start3A_115 : memref<10000x128xf32, #tpu.memory_space<vmem_shared>>) offsets(%dma_start3A_112 : memref<125xi32, #tpu.memory_space<vmem>>) semaphore(%arg8 : memref<!tpu.dma_semaphore, #tpu.memory_space<semaphore_mem>>) {add = true}
      %dma_start3A_116 = arith.constant 3 : i32
      %dma_start3A_117 = arith.constant 0 : i32
      %dma_start3A_118 = tpu.memref_slice %arg6[%rem3A_81, %dma_start3A_116, %dma_start3A_117] : memref<2x8x125xi32, #tpu.memory_space<vmem>> -> memref<1x1x125xi32, #tpu.memory_space<vmem>>
      %dma_start3A_119 = tpu.memref_squeeze %dma_start3A_118 : memref<1x1x125xi32, #tpu.memory_space<vmem>> -> memref<125xi32, #tpu.memory_space<vmem>>
      %dma_start3A_120 = arith.constant 0 : i32
      %dma_start3A_121 = arith.constant 0 : i32
      %dma_start3A_122 = tpu.memref_slice %arg9[%dma_start3A_120, %dma_start3A_121] : memref<10000x128xf32, #tpu.memory_space<vmem_shared>> -> memref<10000x128xf32, #tpu.memory_space<vmem_shared>>
      tpu.enqueue_indirect_dma source(%arg7 : memref<125x128xf32, #tpu.memory_space<vmem>>) target(%dma_start3A_122 : memref<10000x128xf32, #tpu.memory_space<vmem_shared>>) offsets(%dma_start3A_119 : memref<125xi32, #tpu.memory_space<vmem>>) semaphore(%arg8 : memref<!tpu.dma_semaphore, #tpu.memory_space<semaphore_mem>>) {add = true}
      %dma_start3A_123 = arith.constant 4 : i32
      %dma_start3A_124 = arith.constant 0 : i32
      %dma_start3A_125 = tpu.memref_slice %arg6[%rem3A_81, %dma_start3A_123, %dma_start3A_124] : memref<2x8x125xi32, #tpu.memory_space<vmem>> -> memref<1x1x125xi32, #tpu.memory_space<vmem>>
      %dma_start3A_126 = tpu.memref_squeeze %dma_start3A_125 : memref<1x1x125xi32, #tpu.memory_space<vmem>> -> memref<125xi32, #tpu.memory_space<vmem>>
      %dma_start3A_127 = arith.constant 0 : i32
      %dma_start3A_128 = arith.constant 0 : i32
      %dma_start3A_129 = tpu.memref_slice %arg9[%dma_start3A_127, %dma_start3A_128] : memref<10000x128xf32, #tpu.memory_space<vmem_shared>> -> memref<10000x128xf32, #tpu.memory_space<vmem_shared>>
      tpu.enqueue_indirect_dma source(%arg7 : memref<125x128xf32, #tpu.memory_space<vmem>>) target(%dma_start3A_129 : memref<10000x128xf32, #tpu.memory_space<vmem_shared>>) offsets(%dma_start3A_126 : memref<125xi32, #tpu.memory_space<vmem>>) semaphore(%arg8 : memref<!tpu.dma_semaphore, #tpu.memory_space<semaphore_mem>>) {add = true}
      %dma_start3A_130 = arith.constant 5 : i32
      %dma_start3A_131 = arith.constant 0 : i32
      %dma_start3A_132 = tpu.memref_slice %arg6[%rem3A_81, %dma_start3A_130, %dma_start3A_131] : memref<2x8x125xi32, #tpu.memory_space<vmem>> -> memref<1x1x125xi32, #tpu.memory_space<vmem>>
      %dma_start3A_133 = tpu.memref_squeeze %dma_start3A_132 : memref<1x1x125xi32, #tpu.memory_space<vmem>> -> memref<125xi32, #tpu.memory_space<vmem>>
      %dma_start3A_134 = arith.constant 0 : i32
      %dma_start3A_135 = arith.constant 0 : i32
      %dma_start3A_136 = tpu.memref_slice %arg9[%dma_start3A_134, %dma_start3A_135] : memref<10000x128xf32, #tpu.memory_space<vmem_shared>> -> memref<10000x128xf32, #tpu.memory_space<vmem_shared>>
      tpu.enqueue_indirect_dma source(%arg7 : memref<125x128xf32, #tpu.memory_space<vmem>>) target(%dma_start3A_136 : memref<10000x128xf32, #tpu.memory_space<vmem_shared>>) offsets(%dma_start3A_133 : memref<125xi32, #tpu.memory_space<vmem>>) semaphore(%arg8 : memref<!tpu.dma_semaphore, #tpu.memory_space<semaphore_mem>>) {add = true}
      %dma_start3A_137 = arith.constant 6 : i32
      %dma_start3A_138 = arith.constant 0 : i32
      %dma_start3A_139 = tpu.memref_slice %arg6[%rem3A_81, %dma_start3A_137, %dma_start3A_138] : memref<2x8x125xi32, #tpu.memory_space<vmem>> -> memref<1x1x125xi32, #tpu.memory_space<vmem>>
      %dma_start3A_140 = tpu.memref_squeeze %dma_start3A_139 : memref<1x1x125xi32, #tpu.memory_space<vmem>> -> memref<125xi32, #tpu.memory_space<vmem>>
      %dma_start3A_141 = arith.constant 0 : i32
      %dma_start3A_142 = arith.constant 0 : i32
      %dma_start3A_143 = tpu.memref_slice %arg9[%dma_start3A_141, %dma_start3A_142] : memref<10000x128xf32, #tpu.memory_space<vmem_shared>> -> memref<10000x128xf32, #tpu.memory_space<vmem_shared>>
      tpu.enqueue_indirect_dma source(%arg7 : memref<125x128xf32, #tpu.memory_space<vmem>>) target(%dma_start3A_143 : memref<10000x128xf32, #tpu.memory_space<vmem_shared>>) offsets(%dma_start3A_140 : memref<125xi32, #tpu.memory_space<vmem>>) semaphore(%arg8 : memref<!tpu.dma_semaphore, #tpu.memory_space<semaphore_mem>>) {add = true}
      %dma_start3A_144 = arith.constant 7 : i32
      %dma_start3A_145 = arith.constant 0 : i32
      %dma_start3A_146 = tpu.memref_slice %arg6[%rem3A_81, %dma_start3A_144, %dma_start3A_145] : memref<2x8x125xi32, #tpu.memory_space<vmem>> -> memref<1x1x125xi32, #tpu.memory_space<vmem>>
      %dma_start3A_147 = tpu.memref_squeeze %dma_start3A_146 : memref<1x1x125xi32, #tpu.memory_space<vmem>> -> memref<125xi32, #tpu.memory_space<vmem>>
      %dma_start3A_148 = arith.constant 0 : i32
      %dma_start3A_149 = arith.constant 0 : i32
      %dma_start3A_150 = tpu.memref_slice %arg9[%dma_start3A_148, %dma_start3A_149] : memref<10000x128xf32, #tpu.memory_space<vmem_shared>> -> memref<10000x128xf32, #tpu.memory_space<vmem_shared>>
      tpu.enqueue_indirect_dma source(%arg7 : memref<125x128xf32, #tpu.memory_space<vmem>>) target(%dma_start3A_150 : memref<10000x128xf32, #tpu.memory_space<vmem_shared>>) offsets(%dma_start3A_147 : memref<125xi32, #tpu.memory_space<vmem>>) semaphore(%arg8 : memref<!tpu.dma_semaphore, #tpu.memory_space<semaphore_mem>>) {add = true}
      %scan3A_151 = arith.constant 0 : i32
      scf.yield %scan3A_151 : i32
    }
    %scan3A_9 = arith.constant 10 : i32
    %dma_wait3A = arith.constant 1 : i32
    %dma_wait3A_10 = arith.constant 0 : i32
    %dma_wait3A_11 = arith.constant 0 : i32
    %dma_wait3A_12 = tpu.memref_slice %arg6[%dma_wait3A, %dma_wait3A_10, %dma_wait3A_11] : memref<2x8x125xi32, #tpu.memory_space<vmem>> -> memref<1x1x125xi32, #tpu.memory_space<vmem>>
    %dma_wait3A_13 = tpu.memref_squeeze %dma_wait3A_12 : memref<1x1x125xi32, #tpu.memory_space<vmem>> -> memref<125xi32, #tpu.memory_space<vmem>>
    %dma_wait3A_14 = arith.constant 0 : i32
    %dma_wait3A_15 = arith.constant 0 : i32
    %dma_wait3A_16 = tpu.memref_slice %arg9[%dma_wait3A_14, %dma_wait3A_15] : memref<10000x128xf32, #tpu.memory_space<vmem_shared>> -> memref<10000x128xf32, #tpu.memory_space<vmem_shared>>
    tpu.wait_indirect_dma semaphore(%arg8 : memref<!tpu.dma_semaphore, #tpu.memory_space<semaphore_mem>>) src(%arg7 : memref<125x128xf32, #tpu.memory_space<vmem>>) dst(%dma_wait3A_16 : memref<10000x128xf32, #tpu.memory_space<vmem_shared>>)
    %dma_wait3A_17 = arith.constant 1 : i32
    %dma_wait3A_18 = arith.constant 1 : i32
    %dma_wait3A_19 = arith.constant 0 : i32
    %dma_wait3A_20 = tpu.memref_slice %arg6[%dma_wait3A_17, %dma_wait3A_18, %dma_wait3A_19] : memref<2x8x125xi32, #tpu.memory_space<vmem>> -> memref<1x1x125xi32, #tpu.memory_space<vmem>>
    %dma_wait3A_21 = tpu.memref_squeeze %dma_wait3A_20 : memref<1x1x125xi32, #tpu.memory_space<vmem>> -> memref<125xi32, #tpu.memory_space<vmem>>
    %dma_wait3A_22 = arith.constant 0 : i32
    %dma_wait3A_23 = arith.constant 0 : i32
    %dma_wait3A_24 = tpu.memref_slice %arg9[%dma_wait3A_22, %dma_wait3A_23] : memref<10000x128xf32, #tpu.memory_space<vmem_shared>> -> memref<10000x128xf32, #tpu.memory_space<vmem_shared>>
    tpu.wait_indirect_dma semaphore(%arg8 : memref<!tpu.dma_semaphore, #tpu.memory_space<semaphore_mem>>) src(%arg7 : memref<125x128xf32, #tpu.memory_space<vmem>>) dst(%dma_wait3A_24 : memref<10000x128xf32, #tpu.memory_space<vmem_shared>>)
    %dma_wait3A_25 = arith.constant 1 : i32
    %dma_wait3A_26 = arith.constant 2 : i32
    %dma_wait3A_27 = arith.constant 0 : i32
    %dma_wait3A_28 = tpu.memref_slice %arg6[%dma_wait3A_25, %dma_wait3A_26, %dma_wait3A_27] : memref<2x8x125xi32, #tpu.memory_space<vmem>> -> memref<1x1x125xi32, #tpu.memory_space<vmem>>
    %dma_wait3A_29 = tpu.memref_squeeze %dma_wait3A_28 : memref<1x1x125xi32, #tpu.memory_space<vmem>> -> memref<125xi32, #tpu.memory_space<vmem>>
    %dma_wait3A_30 = arith.constant 0 : i32
    %dma_wait3A_31 = arith.constant 0 : i32
    %dma_wait3A_32 = tpu.memref_slice %arg9[%dma_wait3A_30, %dma_wait3A_31] : memref<10000x128xf32, #tpu.memory_space<vmem_shared>> -> memref<10000x128xf32, #tpu.memory_space<vmem_shared>>
    tpu.wait_indirect_dma semaphore(%arg8 : memref<!tpu.dma_semaphore, #tpu.memory_space<semaphore_mem>>) src(%arg7 : memref<125x128xf32, #tpu.memory_space<vmem>>) dst(%dma_wait3A_32 : memref<10000x128xf32, #tpu.memory_space<vmem_shared>>)
    %dma_wait3A_33 = arith.constant 1 : i32
    %dma_wait3A_34 = arith.constant 3 : i32
    %dma_wait3A_35 = arith.constant 0 : i32
    %dma_wait3A_36 = tpu.memref_slice %arg6[%dma_wait3A_33, %dma_wait3A_34, %dma_wait3A_35] : memref<2x8x125xi32, #tpu.memory_space<vmem>> -> memref<1x1x125xi32, #tpu.memory_space<vmem>>
    %dma_wait3A_37 = tpu.memref_squeeze %dma_wait3A_36 : memref<1x1x125xi32, #tpu.memory_space<vmem>> -> memref<125xi32, #tpu.memory_space<vmem>>
    %dma_wait3A_38 = arith.constant 0 : i32
    %dma_wait3A_39 = arith.constant 0 : i32
    %dma_wait3A_40 = tpu.memref_slice %arg9[%dma_wait3A_38, %dma_wait3A_39] : memref<10000x128xf32, #tpu.memory_space<vmem_shared>> -> memref<10000x128xf32, #tpu.memory_space<vmem_shared>>
    tpu.wait_indirect_dma semaphore(%arg8 : memref<!tpu.dma_semaphore, #tpu.memory_space<semaphore_mem>>) src(%arg7 : memref<125x128xf32, #tpu.memory_space<vmem>>) dst(%dma_wait3A_40 : memref<10000x128xf32, #tpu.memory_space<vmem_shared>>)
    %dma_wait3A_41 = arith.constant 1 : i32
    %dma_wait3A_42 = arith.constant 4 : i32
    %dma_wait3A_43 = arith.constant 0 : i32
    %dma_wait3A_44 = tpu.memref_slice %arg6[%dma_wait3A_41, %dma_wait3A_42, %dma_wait3A_43] : memref<2x8x125xi32, #tpu.memory_space<vmem>> -> memref<1x1x125xi32, #tpu.memory_space<vmem>>
    %dma_wait3A_45 = tpu.memref_squeeze %dma_wait3A_44 : memref<1x1x125xi32, #tpu.memory_space<vmem>> -> memref<125xi32, #tpu.memory_space<vmem>>
    %dma_wait3A_46 = arith.constant 0 : i32
    %dma_wait3A_47 = arith.constant 0 : i32
    %dma_wait3A_48 = tpu.memref_slice %arg9[%dma_wait3A_46, %dma_wait3A_47] : memref<10000x128xf32, #tpu.memory_space<vmem_shared>> -> memref<10000x128xf32, #tpu.memory_space<vmem_shared>>
    tpu.wait_indirect_dma semaphore(%arg8 : memref<!tpu.dma_semaphore, #tpu.memory_space<semaphore_mem>>) src(%arg7 : memref<125x128xf32, #tpu.memory_space<vmem>>) dst(%dma_wait3A_48 : memref<10000x128xf32, #tpu.memory_space<vmem_shared>>)
    %dma_wait3A_49 = arith.constant 1 : i32
    %dma_wait3A_50 = arith.constant 5 : i32
    %dma_wait3A_51 = arith.constant 0 : i32
    %dma_wait3A_52 = tpu.memref_slice %arg6[%dma_wait3A_49, %dma_wait3A_50, %dma_wait3A_51] : memref<2x8x125xi32, #tpu.memory_space<vmem>> -> memref<1x1x125xi32, #tpu.memory_space<vmem>>
    %dma_wait3A_53 = tpu.memref_squeeze %dma_wait3A_52 : memref<1x1x125xi32, #tpu.memory_space<vmem>> -> memref<125xi32, #tpu.memory_space<vmem>>
    %dma_wait3A_54 = arith.constant 0 : i32
    %dma_wait3A_55 = arith.constant 0 : i32
    %dma_wait3A_56 = tpu.memref_slice %arg9[%dma_wait3A_54, %dma_wait3A_55] : memref<10000x128xf32, #tpu.memory_space<vmem_shared>> -> memref<10000x128xf32, #tpu.memory_space<vmem_shared>>
    tpu.wait_indirect_dma semaphore(%arg8 : memref<!tpu.dma_semaphore, #tpu.memory_space<semaphore_mem>>) src(%arg7 : memref<125x128xf32, #tpu.memory_space<vmem>>) dst(%dma_wait3A_56 : memref<10000x128xf32, #tpu.memory_space<vmem_shared>>)
    %dma_wait3A_57 = arith.constant 1 : i32
    %dma_wait3A_58 = arith.constant 6 : i32
    %dma_wait3A_59 = arith.constant 0 : i32
    %dma_wait3A_60 = tpu.memref_slice %arg6[%dma_wait3A_57, %dma_wait3A_58, %dma_wait3A_59] : memref<2x8x125xi32, #tpu.memory_space<vmem>> -> memref<1x1x125xi32, #tpu.memory_space<vmem>>
    %dma_wait3A_61 = tpu.memref_squeeze %dma_wait3A_60 : memref<1x1x125xi32, #tpu.memory_space<vmem>> -> memref<125xi32, #tpu.memory_space<vmem>>
    %dma_wait3A_62 = arith.constant 0 : i32
    %dma_wait3A_63 = arith.constant 0 : i32
    %dma_wait3A_64 = tpu.memref_slice %arg9[%dma_wait3A_62, %dma_wait3A_63] : memref<10000x128xf32, #tpu.memory_space<vmem_shared>> -> memref<10000x128xf32, #tpu.memory_space<vmem_shared>>
    tpu.wait_indirect_dma semaphore(%arg8 : memref<!tpu.dma_semaphore, #tpu.memory_space<semaphore_mem>>) src(%arg7 : memref<125x128xf32, #tpu.memory_space<vmem>>) dst(%dma_wait3A_64 : memref<10000x128xf32, #tpu.memory_space<vmem_shared>>)
    %dma_wait3A_65 = arith.constant 1 : i32
    %dma_wait3A_66 = arith.constant 7 : i32
    %dma_wait3A_67 = arith.constant 0 : i32
    %dma_wait3A_68 = tpu.memref_slice %arg6[%dma_wait3A_65, %dma_wait3A_66, %dma_wait3A_67] : memref<2x8x125xi32, #tpu.memory_space<vmem>> -> memref<1x1x125xi32, #tpu.memory_space<vmem>>
    %dma_wait3A_69 = tpu.memref_squeeze %dma_wait3A_68 : memref<1x1x125xi32, #tpu.memory_space<vmem>> -> memref<125xi32, #tpu.memory_space<vmem>>
    %dma_wait3A_70 = arith.constant 0 : i32
    %dma_wait3A_71 = arith.constant 0 : i32
    %dma_wait3A_72 = tpu.memref_slice %arg9[%dma_wait3A_70, %dma_wait3A_71] : memref<10000x128xf32, #tpu.memory_space<vmem_shared>> -> memref<10000x128xf32, #tpu.memory_space<vmem_shared>>
    tpu.wait_indirect_dma semaphore(%arg8 : memref<!tpu.dma_semaphore, #tpu.memory_space<semaphore_mem>>) src(%arg7 : memref<125x128xf32, #tpu.memory_space<vmem>>) dst(%dma_wait3A_72 : memref<10000x128xf32, #tpu.memory_space<vmem_shared>>)
    %barrier3A_73 = arith.constant 0 : index
    tpu.barrier barrier_id(%barrier3A_73)
    %eq3A_74 = arith.constant 0 : i32
    %eq3A_75 = arith.cmpi eq, %arg1, %eq3A_74 : i32
    %convert_element_type3A_76 = arith.extui %eq3A_75 : i1 to i32
    %cond3A_77 = arith.constant 0 : i32
    %cond3A_78 = arith.cmpi ne, %convert_element_type3A_76, %cond3A_77 : i32
    scf.if %cond3A_78 {
      "tpu.region"() ({
        %run_scoped3A_79 = tpu.sem_alloc : memref<!tpu.dma_semaphore, #tpu.memory_space<semaphore_mem>>
        %dma_start3A = arith.constant 0 : i32
        %dma_start3A_80 = arith.constant 0 : i32
        %dma_start3A_81 = tpu.memref_slice %arg5[%arg0, %dma_start3A, %dma_start3A_80] : memref<2x10000x128xf32, #tpu.memory_space<hbm>> -> memref<1x10000x128xf32, #tpu.memory_space<hbm>>
        %dma_start3A_82 = tpu.memref_squeeze %dma_start3A_81 : memref<1x10000x128xf32, #tpu.memory_space<hbm>> -> memref<10000x128xf32, #tpu.memory_space<hbm>>
        tpu.enqueue_dma source(%arg9 : memref<10000x128xf32, #tpu.memory_space<vmem_shared>>) target(%dma_start3A_82 : memref<10000x128xf32, #tpu.memory_space<hbm>>) target_semaphore(%run_scoped3A_79 : memref<!tpu.dma_semaphore, #tpu.memory_space<semaphore_mem>>)
        %dma_wait3A_83 = arith.constant 0 : i32
        %dma_wait3A_84 = arith.constant 0 : i32
        %dma_wait3A_85 = tpu.memref_slice %arg5[%arg0, %dma_wait3A_83, %dma_wait3A_84] : memref<2x10000x128xf32, #tpu.memory_space<hbm>> -> memref<1x10000x128xf32, #tpu.memory_space<hbm>>
        %dma_wait3A_86 = tpu.memref_squeeze %dma_wait3A_85 : memref<1x10000x128xf32, #tpu.memory_space<hbm>> -> memref<10000x128xf32, #tpu.memory_space<hbm>>
        tpu.wait_dma2 semaphore(%run_scoped3A_79 : memref<!tpu.dma_semaphore, #tpu.memory_space<semaphore_mem>>) src(%arg9 : memref<10000x128xf32, #tpu.memory_space<vmem_shared>>) dst(%dma_wait3A_86 : memref<10000x128xf32, #tpu.memory_space<hbm>>)
        tpu.yield
      }) : () -> ()
    } else {
    }
    return
  }
}

module attributes {stable_mosaic.version = 14 : i64} {
  func.func @_mm_body(%arg0: i32, %arg1: i32, %arg2: memref<10000x128xf32, #tpu.memory_space<vmem>>, %arg3: memref<1x128x128xf32, #tpu.memory_space<vmem>>, %arg4: memref<1x10000x128xf32, #tpu.memory_space<vmem>>) attributes {dimension_semantics = [#tpu.dimension_semantics<arbitrary>, #tpu.dimension_semantics<arbitrary>], iteration_bounds = array<i64: 1, 17>, scalar_prefetch = 0 : i64, scratch_operands = 0 : i64, tpu.core_type = #tpu.core_type<tc>, window_params = [{transform_indices = @transform_0, window_bounds = array<i64: 10000, 128>}, {transform_indices = @transform_1, window_bounds = array<i64: 1, 128, 128>}, {transform_indices = @transform_2, window_bounds = array<i64: 1, 10000, 128>}]} {
    %get3A = arith.constant 0 : index
    %get3A_0 = arith.constant 0 : index
    %get3A_1 = vector.load %arg2[%get3A, %get3A_0] : memref<10000x128xf32, #tpu.memory_space<vmem>>, vector<10000x128xf32>
    %get3A_2 = arith.constant 0 : index
    %get3A_3 = arith.constant 0 : index
    %get3A_4 = arith.constant 0 : index
    %get3A_5 = vector.load %arg3[%get3A_2, %get3A_3, %get3A_4] : memref<1x128x128xf32, #tpu.memory_space<vmem>>, vector<1x128x128xf32>
    %get3A_6 = vector.shape_cast %get3A_5 : vector<1x128x128xf32> to vector<128x128xf32>
    %dot_general3A = arith.constant dense<0.000000e+00> : vector<10000x128xf32>
    %dot_general3A_7 = tpu.matmul %get3A_1, %get3A_6, %dot_general3A {dimension_numbers = #tpu.dot_dimension_numbers<[1], [0], [0], [1], [0, 0, 1, 1], [], []>, transpose_lhs_hint = false} : vector<10000x128xf32>, vector<128x128xf32>, vector<10000x128xf32> -> vector<10000x128xf32>
    %swap3A = arith.constant 0 : index
    %swap3A_8 = arith.constant 0 : index
    %swap3A_9 = arith.constant 0 : index
    %swap3A_10 = vector.load %arg4[%swap3A, %swap3A_8, %swap3A_9] : memref<1x10000x128xf32, #tpu.memory_space<vmem>>, vector<1x10000x128xf32>
    %swap3A_11 = vector.shape_cast %swap3A_10 : vector<1x10000x128xf32> to vector<10000x128xf32>
    %swap3A_12 = vector.shape_cast %dot_general3A_7 : vector<10000x128xf32> to vector<1x10000x128xf32>
    tpu.vector_store %arg4[%swap3A, %swap3A_8, %swap3A_9], %swap3A_12 {strides = array<i32>} : memref<1x10000x128xf32, #tpu.memory_space<vmem>>, vector<1x10000x128xf32>,
    return
  }
  func.func @transform_0(%arg0: i32, %arg1: i32) -> (i32, i32) {
    %c0_i32 = arith.constant 0 : i32
    %c0_i32_0 = arith.constant 0 : i32
    return %arg0, %c0_i32 : i32, i32
  }
  func.func @transform_1(%arg0: i32, %arg1: i32) -> (i32, i32, i32) {
    %c0_i32 = arith.constant 0 : i32
    %c0_i32_0 = arith.constant 0 : i32
    %c0_i32_1 = arith.constant 0 : i32
    return %arg1, %c0_i32, %c0_i32_0 : i32, i32, i32
  }
  func.func @transform_2(%arg0: i32, %arg1: i32) -> (i32, i32, i32) {
    %c0_i32 = arith.constant 0 : i32
    %c0_i32_0 = arith.constant 0 : i32
    return %arg1, %arg0, %c0_i32 : i32, i32, i32
  }
}

module attributes {stable_mosaic.version = 14 : i64} {
  func.func @_comb_body(%arg0: i32, %arg1: memref<1000x128xf32, #tpu.memory_space<vmem>>, %arg2: memref<2x1000x128xf32, #tpu.memory_space<vmem>>, %arg3: memref<2x1000x128xf32, #tpu.memory_space<vmem>>, %arg4: memref<1x128xf32, #tpu.memory_space<vmem>>, %arg5: memref<1x128xf32, #tpu.memory_space<vmem>>, %arg6: memref<1x128xf32, #tpu.memory_space<vmem>>, %arg7: memref<1000x128xf32, #tpu.memory_space<vmem>>) attributes {dimension_semantics = [#tpu.dimension_semantics<arbitrary>], iteration_bounds = array<i64: 10>, scalar_prefetch = 0 : i64, scratch_operands = 0 : i64, tpu.core_type = #tpu.core_type<tc>, window_params = [{transform_indices = @transform_0, window_bounds = array<i64: 1000, 128>}, {transform_indices = @transform_1, window_bounds = array<i64: 2, 1000, 128>}, {transform_indices = @transform_2, window_bounds = array<i64: 2, 1000, 128>}, {pipeline_mode = #tpu.pipeline_mode<synchronous>, transform_indices = @transform_3, window_bounds = array<i64: 1, 128>}, {pipeline_mode = #tpu.pipeline_mode<synchronous>, transform_indices = @transform_4, window_bounds = array<i64: 1, 128>}, {pipeline_mode = #tpu.pipeline_mode<synchronous>, transform_indices = @transform_5, window_bounds = array<i64: 1, 128>}, {transform_indices = @transform_6, window_bounds = array<i64: 1000, 128>}]} {
    %get3A = arith.constant 0 : index
    %get3A_0 = arith.constant 0 : index
    %get3A_1 = arith.constant 0 : index
    %get3A_2 = vector.load %arg2[%get3A, %get3A_0, %get3A_1] : memref<2x1000x128xf32, #tpu.memory_space<vmem>>, vector<1x1000x128xf32>
    %get3A_3 = vector.shape_cast %get3A_2 : vector<1x1000x128xf32> to vector<1000x128xf32>
    %get3A_4 = arith.constant 1 : index
    %get3A_5 = arith.constant 0 : index
    %get3A_6 = arith.constant 0 : index
    %get3A_7 = vector.load %arg2[%get3A_4, %get3A_5, %get3A_6] : memref<2x1000x128xf32, #tpu.memory_space<vmem>>, vector<1x1000x128xf32>
    %get3A_8 = vector.shape_cast %get3A_7 : vector<1x1000x128xf32> to vector<1000x128xf32>
    %add3A = arith.addf %get3A_3, %get3A_8 : vector<1000x128xf32>
    %get3A_9 = arith.constant 0 : index
    %get3A_10 = arith.constant 0 : index
    %get3A_11 = arith.constant 0 : index
    %get3A_12 = vector.load %arg3[%get3A_9, %get3A_10, %get3A_11] : memref<2x1000x128xf32, #tpu.memory_space<vmem>>, vector<1x1000x1xf32>
    %get3A_13 = vector.shape_cast %get3A_12 : vector<1x1000x1xf32> to vector<1000xf32>
    %get3A_14 = arith.constant 1 : index
    %get3A_15 = arith.constant 0 : index
    %get3A_16 = arith.constant 0 : index
    %get3A_17 = vector.load %arg3[%get3A_14, %get3A_15, %get3A_16] : memref<2x1000x128xf32, #tpu.memory_space<vmem>>, vector<1x1000x1xf32>
    %get3A_18 = vector.shape_cast %get3A_17 : vector<1x1000x1xf32> to vector<1000xf32>
    %add3A_19 = arith.addf %get3A_13, %get3A_18 : vector<1000xf32>
    %max3A = arith.constant 1.000000e+00 : f32
    %max3A_20 = vector.broadcast %max3A : f32 to vector<1000xf32>
    %max3A_21 = arith.maximumf %add3A_19, %max3A_20 : vector<1000xf32>
    %div3A = arith.constant 1.000000e+00 : f32
    %div3A_22 = vector.broadcast %div3A : f32 to vector<1000xf32>
    %div3A_23 = arith.divf %div3A_22, %max3A_21 : vector<1000xf32>
    %get3A_24 = arith.constant 0 : index
    %get3A_25 = arith.constant 0 : index
    %get3A_26 = vector.load %arg1[%get3A_24, %get3A_25] : memref<1000x128xf32, #tpu.memory_space<vmem>>, vector<1000x128xf32>
    %broadcast_in_dim3A = vector.shape_cast %div3A_23 : vector<1000xf32> to vector<1000x1xf32>
    %mul3A = vector.broadcast %broadcast_in_dim3A : vector<1000x1xf32> to vector<1000x128xf32>
    %mul3A_27 = arith.mulf %add3A, %mul3A : vector<1000x128xf32>
    %add3A_28 = arith.addf %get3A_26, %mul3A_27 : vector<1000x128xf32>
    %get3A_29 = arith.constant 0 : index
    %get3A_30 = arith.constant 0 : index
    %get3A_31 = vector.load %arg4[%get3A_29, %get3A_30] : memref<1x128xf32, #tpu.memory_space<vmem>>, vector<1x128xf32>
    %get3A_32 = vector.shape_cast %get3A_31 : vector<1x128xf32> to vector<128xf32>
    %broadcast_in_dim3A_33 = vector.shape_cast %get3A_32 : vector<128xf32> to vector<1x128xf32>
    %add3A_34 = vector.broadcast %broadcast_in_dim3A_33 : vector<1x128xf32> to vector<1000x128xf32>
    %add3A_35 = arith.addf %add3A_28, %add3A_34 : vector<1000x128xf32>
    %max3A_36 = arith.constant 0.000000e+00 : f32
    %max3A_37 = vector.broadcast %max3A_36 : f32 to vector<1000x128xf32>
    %max3A_38 = arith.maximumf %add3A_35, %max3A_37 : vector<1000x128xf32>
    %reduce_sum3A = arith.constant dense<0.000000e+00> : vector<1000xf32>
    %reduce_sum3A_39 = vector.multi_reduction <add>, %max3A_38, %reduce_sum3A [1] : vector<1000x128xf32> to vector<1000xf32>
    %broadcast_in_dim3A_40 = vector.shape_cast %reduce_sum3A_39 : vector<1000xf32> to vector<1000x1xf32>
    %div3A_41 = arith.constant 1.280000e+02 : f32
    %div3A_42 = vector.broadcast %div3A_41 : f32 to vector<1000x1xf32>
    %div3A_43 = arith.divf %broadcast_in_dim3A_40, %div3A_42 : vector<1000x1xf32>
    %sub3A = vector.broadcast %div3A_43 : vector<1000x1xf32> to vector<1000x128xf32>
    %sub3A_44 = arith.subf %max3A_38, %sub3A : vector<1000x128xf32>
    %integer_pow3A = arith.mulf %sub3A_44, %sub3A_44 : vector<1000x128xf32>
    %reduce_sum3A_45 = arith.constant dense<0.000000e+00> : vector<1000xf32>
    %reduce_sum3A_46 = vector.multi_reduction <add>, %integer_pow3A, %reduce_sum3A_45 [1] : vector<1000x128xf32> to vector<1000xf32>
    %broadcast_in_dim3A_47 = vector.shape_cast %reduce_sum3A_46 : vector<1000xf32> to vector<1000x1xf32>
    %div3A_48 = arith.constant 1.280000e+02 : f32
    %div3A_49 = vector.broadcast %div3A_48 : f32 to vector<1000x1xf32>
    %div3A_50 = arith.divf %broadcast_in_dim3A_47, %div3A_49 : vector<1000x1xf32>
    %sub3A_51 = vector.broadcast %div3A_43 : vector<1000x1xf32> to vector<1000x128xf32>
    %sub3A_52 = arith.subf %max3A_38, %sub3A_51 : vector<1000x128xf32>
    %add3A_53 = arith.constant 9.99999974E-6 : f32
    %add3A_54 = vector.broadcast %add3A_53 : f32 to vector<1000x1xf32>
    %add3A_55 = arith.addf %div3A_50, %add3A_54 : vector<1000x1xf32>
    %sqrt3A = math.sqrt %add3A_55 : vector<1000x1xf32>
    %div3A_56 = vector.broadcast %sqrt3A : vector<1000x1xf32> to vector<1000x128xf32>
    %div3A_57 = arith.divf %sub3A_52, %div3A_56 : vector<1000x128xf32>
    %get3A_58 = arith.constant 0 : index
    %get3A_59 = arith.constant 0 : index
    %get3A_60 = vector.load %arg5[%get3A_58, %get3A_59] : memref<1x128xf32, #tpu.memory_space<vmem>>, vector<1x128xf32>
    %get3A_61 = vector.shape_cast %get3A_60 : vector<1x128xf32> to vector<128xf32>
    %broadcast_in_dim3A_62 = vector.shape_cast %get3A_61 : vector<128xf32> to vector<1x128xf32>
    %mul3A_63 = vector.broadcast %broadcast_in_dim3A_62 : vector<1x128xf32> to vector<1000x128xf32>
    %mul3A_64 = arith.mulf %div3A_57, %mul3A_63 : vector<1000x128xf32>
    %get3A_65 = arith.constant 0 : index
    %get3A_66 = arith.constant 0 : index
    %get3A_67 = vector.load %arg6[%get3A_65, %get3A_66] : memref<1x128xf32, #tpu.memory_space<vmem>>, vector<1x128xf32>
    %get3A_68 = vector.shape_cast %get3A_67 : vector<1x128xf32> to vector<128xf32>
    %broadcast_in_dim3A_69 = vector.shape_cast %get3A_68 : vector<128xf32> to vector<1x128xf32>
    %add3A_70 = vector.broadcast %broadcast_in_dim3A_69 : vector<1x128xf32> to vector<1000x128xf32>
    %add3A_71 = arith.addf %mul3A_64, %add3A_70 : vector<1000x128xf32>
    %swap3A = arith.constant 0 : index
    %swap3A_72 = arith.constant 0 : index
    %swap3A_73 = vector.load %arg7[%swap3A, %swap3A_72] : memref<1000x128xf32, #tpu.memory_space<vmem>>, vector<1000x128xf32>
    tpu.vector_store %arg7[%swap3A, %swap3A_72], %add3A_71 {strides = array<i32>} : memref<1000x128xf32, #tpu.memory_space<vmem>>, vector<1000x128xf32>,
    return
  }
  func.func @transform_0(%arg0: i32) -> (i32, i32) {
    %c0_i32 = arith.constant 0 : i32
    %c0_i32_0 = arith.constant 0 : i32
    return %arg0, %c0_i32 : i32, i32
  }
  func.func @transform_1(%arg0: i32) -> (i32, i32, i32) {
    %c0_i32 = arith.constant 0 : i32
    %c0_i32_0 = arith.constant 0 : i32
    %c0_i32_1 = arith.constant 0 : i32
    return %c0_i32, %arg0, %c0_i32_0 : i32, i32, i32
  }
  func.func @transform_2(%arg0: i32) -> (i32, i32, i32) {
    %c0_i32 = arith.constant 0 : i32
    %c0_i32_0 = arith.constant 0 : i32
    %c0_i32_1 = arith.constant 0 : i32
    return %c0_i32, %arg0, %c0_i32_0 : i32, i32, i32
  }
  func.func @transform_3(%arg0: i32) -> (i32, i32) {
    %c0_i32 = arith.constant 0 : i32
    %c0_i32_0 = arith.constant 0 : i32
    %c0_i32_1 = arith.constant 0 : i32
    return %c0_i32, %c0_i32_0 : i32, i32
  }
  func.func @transform_4(%arg0: i32) -> (i32, i32) {
    %c0_i32 = arith.constant 0 : i32
    %c0_i32_0 = arith.constant 0 : i32
    %c0_i32_1 = arith.constant 0 : i32
    return %c0_i32, %c0_i32_0 : i32, i32
  }
  func.func @transform_5(%arg0: i32) -> (i32, i32) {
    %c0_i32 = arith.constant 0 : i32
    %c0_i32_0 = arith.constant 0 : i32
    %c0_i32_1 = arith.constant 0 : i32
    return %c0_i32, %c0_i32_0 : i32, i32
  }
  func.func @transform_6(%arg0: i32) -> (i32, i32) {
    %c0_i32 = arith.constant 0 : i32
    %c0_i32_0 = arith.constant 0 : i32
    return %arg0, %c0_i32 : i32, i32
  }
}

module attributes {stable_mosaic.version = 14 : i64} {
  func.func @_comb_body(%arg0: i32, %arg1: memref<1000x128xf32, #tpu.memory_space<vmem>>, %arg2: memref<2x1000x128xf32, #tpu.memory_space<vmem>>, %arg3: memref<2x1000x128xf32, #tpu.memory_space<vmem>>, %arg4: memref<1x128xf32, #tpu.memory_space<vmem>>, %arg5: memref<1x128xf32, #tpu.memory_space<vmem>>, %arg6: memref<1x128xf32, #tpu.memory_space<vmem>>, %arg7: memref<1000x128xf32, #tpu.memory_space<vmem>>) attributes {dimension_semantics = [#tpu.dimension_semantics<arbitrary>], iteration_bounds = array<i64: 10>, scalar_prefetch = 0 : i64, scratch_operands = 0 : i64, tpu.core_type = #tpu.core_type<tc>, window_params = [{transform_indices = @transform_0, window_bounds = array<i64: 1000, 128>}, {transform_indices = @transform_1, window_bounds = array<i64: 2, 1000, 128>}, {transform_indices = @transform_2, window_bounds = array<i64: 2, 1000, 128>}, {pipeline_mode = #tpu.pipeline_mode<synchronous>, transform_indices = @transform_3, window_bounds = array<i64: 1, 128>}, {pipeline_mode = #tpu.pipeline_mode<synchronous>, transform_indices = @transform_4, window_bounds = array<i64: 1, 128>}, {pipeline_mode = #tpu.pipeline_mode<synchronous>, transform_indices = @transform_5, window_bounds = array<i64: 1, 128>}, {transform_indices = @transform_6, window_bounds = array<i64: 1000, 128>}]} {
    %get3A = arith.constant 0 : index
    %get3A_0 = arith.constant 0 : index
    %get3A_1 = arith.constant 0 : index
    %get3A_2 = vector.load %arg2[%get3A, %get3A_0, %get3A_1] : memref<2x1000x128xf32, #tpu.memory_space<vmem>>, vector<1x1000x128xf32>
    %get3A_3 = vector.shape_cast %get3A_2 : vector<1x1000x128xf32> to vector<1000x128xf32>
    %get3A_4 = arith.constant 1 : index
    %get3A_5 = arith.constant 0 : index
    %get3A_6 = arith.constant 0 : index
    %get3A_7 = vector.load %arg2[%get3A_4, %get3A_5, %get3A_6] : memref<2x1000x128xf32, #tpu.memory_space<vmem>>, vector<1x1000x128xf32>
    %get3A_8 = vector.shape_cast %get3A_7 : vector<1x1000x128xf32> to vector<1000x128xf32>
    %add3A = arith.addf %get3A_3, %get3A_8 : vector<1000x128xf32>
    %get3A_9 = arith.constant 0 : index
    %get3A_10 = arith.constant 0 : index
    %get3A_11 = arith.constant 0 : index
    %get3A_12 = vector.load %arg3[%get3A_9, %get3A_10, %get3A_11] : memref<2x1000x128xf32, #tpu.memory_space<vmem>>, vector<1x1000x1xf32>
    %get3A_13 = vector.shape_cast %get3A_12 : vector<1x1000x1xf32> to vector<1000xf32>
    %get3A_14 = arith.constant 1 : index
    %get3A_15 = arith.constant 0 : index
    %get3A_16 = arith.constant 0 : index
    %get3A_17 = vector.load %arg3[%get3A_14, %get3A_15, %get3A_16] : memref<2x1000x128xf32, #tpu.memory_space<vmem>>, vector<1x1000x1xf32>
    %get3A_18 = vector.shape_cast %get3A_17 : vector<1x1000x1xf32> to vector<1000xf32>
    %add3A_19 = arith.addf %get3A_13, %get3A_18 : vector<1000xf32>
    %max3A = arith.constant 1.000000e+00 : f32
    %max3A_20 = vector.broadcast %max3A : f32 to vector<1000xf32>
    %max3A_21 = arith.maximumf %add3A_19, %max3A_20 : vector<1000xf32>
    %div3A = arith.constant 1.000000e+00 : f32
    %div3A_22 = vector.broadcast %div3A : f32 to vector<1000xf32>
    %div3A_23 = arith.divf %div3A_22, %max3A_21 : vector<1000xf32>
    %get3A_24 = arith.constant 0 : index
    %get3A_25 = arith.constant 0 : index
    %get3A_26 = vector.load %arg1[%get3A_24, %get3A_25] : memref<1000x128xf32, #tpu.memory_space<vmem>>, vector<1000x128xf32>
    %broadcast_in_dim3A = vector.shape_cast %div3A_23 : vector<1000xf32> to vector<1000x1xf32>
    %mul3A = vector.broadcast %broadcast_in_dim3A : vector<1000x1xf32> to vector<1000x128xf32>
    %mul3A_27 = arith.mulf %add3A, %mul3A : vector<1000x128xf32>
    %add3A_28 = arith.addf %get3A_26, %mul3A_27 : vector<1000x128xf32>
    %get3A_29 = arith.constant 0 : index
    %get3A_30 = arith.constant 0 : index
    %get3A_31 = vector.load %arg4[%get3A_29, %get3A_30] : memref<1x128xf32, #tpu.memory_space<vmem>>, vector<1x128xf32>
    %get3A_32 = vector.shape_cast %get3A_31 : vector<1x128xf32> to vector<128xf32>
    %broadcast_in_dim3A_33 = vector.shape_cast %get3A_32 : vector<128xf32> to vector<1x128xf32>
    %add3A_34 = vector.broadcast %broadcast_in_dim3A_33 : vector<1x128xf32> to vector<1000x128xf32>
    %add3A_35 = arith.addf %add3A_28, %add3A_34 : vector<1000x128xf32>
    %max3A_36 = arith.constant 0.000000e+00 : f32
    %max3A_37 = vector.broadcast %max3A_36 : f32 to vector<1000x128xf32>
    %max3A_38 = arith.maximumf %add3A_35, %max3A_37 : vector<1000x128xf32>
    %reduce_sum3A = arith.constant dense<0.000000e+00> : vector<1000xf32>
    %reduce_sum3A_39 = vector.multi_reduction <add>, %max3A_38, %reduce_sum3A [1] : vector<1000x128xf32> to vector<1000xf32>
    %broadcast_in_dim3A_40 = vector.shape_cast %reduce_sum3A_39 : vector<1000xf32> to vector<1000x1xf32>
    %div3A_41 = arith.constant 1.280000e+02 : f32
    %div3A_42 = vector.broadcast %div3A_41 : f32 to vector<1000x1xf32>
    %div3A_43 = arith.divf %broadcast_in_dim3A_40, %div3A_42 : vector<1000x1xf32>
    %sub3A = vector.broadcast %div3A_43 : vector<1000x1xf32> to vector<1000x128xf32>
    %sub3A_44 = arith.subf %max3A_38, %sub3A : vector<1000x128xf32>
    %integer_pow3A = arith.mulf %sub3A_44, %sub3A_44 : vector<1000x128xf32>
    %reduce_sum3A_45 = arith.constant dense<0.000000e+00> : vector<1000xf32>
    %reduce_sum3A_46 = vector.multi_reduction <add>, %integer_pow3A, %reduce_sum3A_45 [1] : vector<1000x128xf32> to vector<1000xf32>
    %broadcast_in_dim3A_47 = vector.shape_cast %reduce_sum3A_46 : vector<1000xf32> to vector<1000x1xf32>
    %div3A_48 = arith.constant 1.280000e+02 : f32
    %div3A_49 = vector.broadcast %div3A_48 : f32 to vector<1000x1xf32>
    %div3A_50 = arith.divf %broadcast_in_dim3A_47, %div3A_49 : vector<1000x1xf32>
    %sub3A_51 = vector.broadcast %div3A_43 : vector<1000x1xf32> to vector<1000x128xf32>
    %sub3A_52 = arith.subf %max3A_38, %sub3A_51 : vector<1000x128xf32>
    %add3A_53 = arith.constant 9.99999974E-6 : f32
    %add3A_54 = vector.broadcast %add3A_53 : f32 to vector<1000x1xf32>
    %add3A_55 = arith.addf %div3A_50, %add3A_54 : vector<1000x1xf32>
    %sqrt3A = math.sqrt %add3A_55 : vector<1000x1xf32>
    %div3A_56 = vector.broadcast %sqrt3A : vector<1000x1xf32> to vector<1000x128xf32>
    %div3A_57 = arith.divf %sub3A_52, %div3A_56 : vector<1000x128xf32>
    %get3A_58 = arith.constant 0 : index
    %get3A_59 = arith.constant 0 : index
    %get3A_60 = vector.load %arg5[%get3A_58, %get3A_59] : memref<1x128xf32, #tpu.memory_space<vmem>>, vector<1x128xf32>
    %get3A_61 = vector.shape_cast %get3A_60 : vector<1x128xf32> to vector<128xf32>
    %broadcast_in_dim3A_62 = vector.shape_cast %get3A_61 : vector<128xf32> to vector<1x128xf32>
    %mul3A_63 = vector.broadcast %broadcast_in_dim3A_62 : vector<1x128xf32> to vector<1000x128xf32>
    %mul3A_64 = arith.mulf %div3A_57, %mul3A_63 : vector<1000x128xf32>
    %get3A_65 = arith.constant 0 : index
    %get3A_66 = arith.constant 0 : index
    %get3A_67 = vector.load %arg6[%get3A_65, %get3A_66] : memref<1x128xf32, #tpu.memory_space<vmem>>, vector<1x128xf32>
    %get3A_68 = vector.shape_cast %get3A_67 : vector<1x128xf32> to vector<128xf32>
    %broadcast_in_dim3A_69 = vector.shape_cast %get3A_68 : vector<128xf32> to vector<1x128xf32>
    %add3A_70 = vector.broadcast %broadcast_in_dim3A_69 : vector<1x128xf32> to vector<1000x128xf32>
    %add3A_71 = arith.addf %mul3A_64, %add3A_70 : vector<1000x128xf32>
    %swap3A = arith.constant 0 : index
    %swap3A_72 = arith.constant 0 : index
    %swap3A_73 = vector.load %arg7[%swap3A, %swap3A_72] : memref<1000x128xf32, #tpu.memory_space<vmem>>, vector<1000x128xf32>
    tpu.vector_store %arg7[%swap3A, %swap3A_72], %add3A_71 {strides = array<i32>} : memref<1000x128xf32, #tpu.memory_space<vmem>>, vector<1000x128xf32>,
    return
  }
  func.func @transform_0(%arg0: i32) -> (i32, i32) {
    %c0_i32 = arith.constant 0 : i32
    %c0_i32_0 = arith.constant 0 : i32
    return %arg0, %c0_i32 : i32, i32
  }
  func.func @transform_1(%arg0: i32) -> (i32, i32, i32) {
    %c0_i32 = arith.constant 0 : i32
    %c0_i32_0 = arith.constant 0 : i32
    %c0_i32_1 = arith.constant 0 : i32
    return %c0_i32, %arg0, %c0_i32_0 : i32, i32, i32
  }
  func.func @transform_2(%arg0: i32) -> (i32, i32, i32) {
    %c0_i32 = arith.constant 0 : i32
    %c0_i32_0 = arith.constant 0 : i32
    %c0_i32_1 = arith.constant 0 : i32
    return %c0_i32, %arg0, %c0_i32_0 : i32, i32, i32
  }
  func.func @transform_3(%arg0: i32) -> (i32, i32) {
    %c0_i32 = arith.constant 0 : i32
    %c0_i32_0 = arith.constant 0 : i32
    %c0_i32_1 = arith.constant 0 : i32
    return %c0_i32, %c0_i32_0 : i32, i32
  }
  func.func @transform_4(%arg0: i32) -> (i32, i32) {
    %c0_i32 = arith.constant 0 : i32
    %c0_i32_0 = arith.constant 0 : i32
    %c0_i32_1 = arith.constant 0 : i32
    return %c0_i32, %c0_i32_0 : i32, i32
  }
  func.func @transform_5(%arg0: i32) -> (i32, i32) {
    %c0_i32 = arith.constant 0 : i32
    %c0_i32_0 = arith.constant 0 : i32
    %c0_i32_1 = arith.constant 0 : i32
    return %c0_i32, %c0_i32_0 : i32, i32
  }
  func.func @transform_6(%arg0: i32) -> (i32, i32) {
    %c0_i32 = arith.constant 0 : i32
    %c0_i32_0 = arith.constant 0 : i32
    return %arg0, %c0_i32 : i32, i32
  }
}

</mosaic_0001>

<sc_bundles>
// kernel: kernel.12.cloned.1.call-start
scs
__scs_entry_jumppad:
0x0: {  	(pc) =	sbr.rel $0x88, $3  }
0x1: {  	(tag) =	ssettag $0x0;
	lr =	simm.s32 $0x1  }
0x2: {  	[smem:$0x3F94] =	sst lr;
	_ =	strace $0xD0000000  }
0x3: {  	_ = 	snop  }
0x4: {  	_ = 	snop  }
0x5: {  	_ = 	snop  }
0x6: {  	_ = 	snop  }
0x7: {  	_ = 	snop  }
__scs_overlays_trampoline_lowered:
0x8: {  	[smem:$0x3FA3] =	sst s0  }
0x9: {  	[smem:$0x3FA4] =	sst s1  }
0xa: {  	[smem:$0x3FA5] =	sst s2  }
0xb: {  	[smem:$0x3FA6] =	sst s3  }
0xc: {  	[smem:$0x3FA7] =	sst s4  }
0xd: {  	[smem:$0x3FA8] =	sst s5  }
0xe: {  	[smem:$0x3FA9] =	sst s6  }
0xf: {  	[smem:$0x3FAA] =	sst s7  }
0x10: {  	[smem:$0x3FAB] =	sst s8  }
0x11: {  	[smem:$0x3FAC] =	sst s9;
	s0 =	simm.s32 @!p0 $0x0  }
0x12: {  	s1 =	sld [smem:$0x3F92];
	s0 =	simm.s32 @p0 $0x1  }
0x13: {  	[smem:$0x3FAD] =	sst s0;
	s0 =	simm.s32 @!p1 $0x0  }
0x14: {  	s2 =	sld [smem:$0x3F91];
	s0 =	simm.s32 @p1 $0x1  }
0x15: {  	[smem:$0x3FAE] =	sst s0;
	s0 =	simm.s32 @!p2 $0x0  }
0x16: {  	s3 =	sld [smem:$0x3FDB];
	s0 =	simm.s32 @p2 $0x1  }
0x17: {  	s4 =	simm.s32 $0x1BF5;
	[smem:$0x3FB0] =	sst s0  }
0x18: {  	s0 =	sld [smem:$0x3F93];
	_ =	swait.ge [sflag:s4], $0x0  }
0x19: {  	s7 =	sld [smem:$0x3F94]  }
0x1a: {  	s8 =	sadd.s32 $0xFFFFE003, lr  }
0x1b: {  	s9 =	sadd.s32 $0xFFFFFEF7, lr;
	s5 =	simm.s32 $0xFFFFFFFF;
	p2 =	slt.u32 s8, $0xFFFFF086  }
0x1c: {  	p1 =	slt.u32 s9, $0xF7A;
	s5 =	simm.s32 @!p2 $0x0  }
0x1d: {  	s5 =	simm.s32 @p1 $0x1;
	p0 =	seq.s32 s7, s2  }
0x1e: {  	s7 =	smul.u32 @!p0 $0xF7A, s2;
	p2 =	seq.s32 @!p0 s5, $0x0  }
0x1f: {  	s9 =	smul.u32 $0xF7A, s1;
	s8 =	simm.s32 @!p0 $0x1BF5;
	p2 =	por !p2, p0  }
0x20: {  	[sflag:s8] =	ssyncset.s32 @!p0 $0xFFFFF086;
	s6 =	sadd.s32 @!p0 s3, s7;
	s7 =	simm.s32 @!p0 $0x108  }
0x21: {  	s3 =	sadd.s32 s3, s9;
	s6 =	sadd.s32 @!p0 $0x88, s6;
	s7 =	simm.s32 @p2 $0x1082  }
0x22: {  	[simem:s7], [sflag:s8] =	dma.local @!p0 [hbm:s6], $0xF7A  }
0x23: {  	s9 =	sor.u32 $0xD0000000, s2;
	s6 =	simm.s32 $0x108;
	_ =	swait.ge @!p0 [sflag:s8], $0x0  }
0x24: {  	s3 =	sadd.s32 $0x88, s3;
	s6 =	simm.s32 @!p1 $0x1082;
	[sflag:s4] =	ssyncset.s32 $0xFFFFF086  }
0x25: {  	[simem:s6], [sflag:s4] =	dma.local [hbm:s3], $0xF7A  }
0x26: {  	[smem:$0x3F94] =	sst s1;
	(tag) =	ssettag s2;
	_ =	strace s9  }
0x27: {  	s1 =	sld [smem:$0x3FA4]  }
0x28: {  	s2 =	sld [smem:$0x3FA5]  }
0x29: {  	s4 =	sld [smem:$0x3FA7]  }
0x2a: {  	p0 =	seq.s32 s5, $0x0;
	s5 =	sld [smem:$0x3FA8]  }
0x2b: {  	s6 =	sld [smem:$0x3FA9]  }
0x2c: {  	s7 =	sld [smem:$0x3FAA]  }
0x2d: {  	s3 =	simm.s32 $0x108;
	s8 =	sld [smem:$0x3FAB]  }
0x2e: {  	s3 =	simm.s32 @!p0 $0x1082;
	s9 =	sld [smem:$0x3FAC]  }
0x2f: {  	lr =	sadd.s32 s0, s3;
	s0 =	sld [smem:$0x3FA3]  }
0x30: {  	s3 =	sld [smem:$0x3FA6]  }
0x31: {  	[smem:$0x3FAF] =	sst s10  }
0x32: {  	s10 =	sld [smem:$0x3FAD];
	_ =	sdelay $0x3  }
0x33: {  	p0 =	seq.s32 s10, $0x1;
	s10 =	sld [smem:$0x3FAF];
	_ =	sdelay $0x3  }
0x34: {  	[smem:$0x3FAF] =	sst s10  }
0x35: {  	s10 =	sld [smem:$0x3FAE];
	_ =	sdelay $0x3  }
0x36: {  	p1 =	seq.s32 s10, $0x1;
	s10 =	sld [smem:$0x3FAF];
	_ =	sdelay $0x3  }
0x37: {  	[smem:$0x3FAF] =	sst s10  }
0x38: {  	s10 =	sld [smem:$0x3FB0]  }
0x39: {  	_ = 	snop;
	(pc) =	sbr.ind lr, $3  }
0x3a: {  	_ = 	snop  }
0x3b: {  	_ = 	snop  }
0x3c: {  	p2 =	seq.s32 s10, $0x1;
	s10 =	sld [smem:$0x3FAF]  }
0x3d: {  	_ =	shalt  }
0x3e: {  	_ =	shalt  }
0x3f: {  	_ =	shalt  }
0x40: {  	_ =	shalt  }
0x41: {  	_ =	shalt  }
0x42: {  	_ =	shalt  }
0x43: {  	_ =	shalt  }
0x44: {  	_ =	shalt  }
0x45: {  	_ =	shalt  }
0x46: {  	_ =	shalt  }
0x47: {  	_ =	shalt  }
0x48: {  	_ =	shalt  }
0x49: {  	_ =	shalt  }
0x4a: {  	_ =	shalt  }
0x4b: {  	_ =	shalt  }
0x4c: {  	_ =	shalt  }
0x4d: {  	_ =	shalt  }
0x4e: {  	_ =	shalt  }
0x4f: {  	_ =	shalt  }
0x50: {  	_ =	shalt  }
0x51: {  	_ =	shalt  }
0x52: {  	_ =	shalt  }
0x53: {  	_ =	shalt  }
0x54: {  	_ =	shalt  }
0x55: {  	_ =	shalt  }
0x56: {  	_ =	shalt  }
0x57: {  	_ =	shalt  }
0x58: {  	_ =	shalt  }
0x59: {  	_ =	shalt  }
0x5a: {  	_ =	shalt  }
0x5b: {  	_ =	shalt  }
0x5c: {  	_ =	shalt  }
0x5d: {  	_ =	shalt  }
0x5e: {  	_ =	shalt  }
0x5f: {  	_ =	shalt  }
0x60: {  	_ =	shalt  }
0x61: {  	_ =	shalt  }
0x62: {  	_ =	shalt  }
0x63: {  	_ =	shalt  }
0x64: {  	_ =	shalt  }
0x65: {  	_ =	shalt  }
0x66: {  	_ =	shalt  }
0x67: {  	_ =	shalt  }
0x68: {  	_ =	shalt  }
0x69: {  	_ =	shalt  }
0x6a: {  	_ =	shalt  }
0x6b: {  	_ =	shalt  }
0x6c: {  	_ =	shalt  }
0x6d: {  	_ =	shalt  }
0x6e: {  	_ =	shalt  }
0x6f: {  	_ =	shalt  }
0x70: {  	_ =	shalt  }
0x71: {  	_ =	shalt  }
0x72: {  	_ =	shalt  }
0x73: {  	_ =	shalt  }
0x74: {  	_ =	shalt  }
0x75: {  	_ =	shalt  }
0x76: {  	_ =	shalt  }
0x77: {  	_ =	shalt  }
0x78: {  	_ =	shalt  }
0x79: {  	_ =	shalt  }
0x7a: {  	_ =	shalt  }
0x7b: {  	_ =	shalt  }
0x7c: {  	_ =	shalt  }
0x7d: {  	_ =	shalt  }
0x7e: {  	_ =	shalt  }
0x7f: {  	_ =	shalt  }
0x80: {  	_ =	shalt  }
0x81: {  	_ =	shalt  }
0x82: {  	_ =	shalt  }
0x83: {  	_ =	shalt  }
0x84: {  	_ =	shalt  }
0x85: {  	_ =	shalt  }
0x86: {  	_ =	shalt  }
0x87: {  	_ =	shalt  }
.Lfunc_end0:
.L_simem_size_0:
called_computation.1_lowered:
.L_overlay_start_0:
0x88: {  	s2 =	sld [smem:$0x3FD9]  }
0x89: {  	s3 =	sld [smem:$0x3FFE];
	_ =	sdelay $0x1  }
0x8a: {  	s1 =	srdreg.scid  }
0x8b: {  	s0 =	sand.u32 $0x1, s1  }
0x8c: {  	s17 =	sshll.u32 s0, $0xA;
	s2 =	sadd.s32 s3, s2  }
0x8d: {  	s2 =	sadd.s32 s2, s17  }
0x8e: {  	[smem:$0x3FBB] =	sst s2  }
0x8f: {  	_ = 	snop  }
0x90: {  	s2 =	sld [smem:$0x3FD0];
	(tm) =	ssettm $0x1  }
0x91: {  	s18 =	sld [smem:$0x3FFB];
	_ =	sdelay $0x3  }
0x92: {  	_ =	strace s18  }
0x93: {  	s3 =	sld [smem:$0x3FFC];
	_ =	sdelay $0x3  }
0x94: {  	_ =	strace s3  }
0x95: {  	s3 =	sld [smem:$0x3FFD];
	_ =	sdelay $0x3  }
0x96: {  	_ =	strace s3  }
0x97: {  	_ =	strace $0x8FFFFFFF  }
0x98: {  	s19 =	sld [smem:$0x3FDB];
	_ =	sdelay $0x1  }
0x99: {  	s4 =	simm.s32 $_scs_section_size  }
0x9a: {  	s5 =	simm.s32 $_size__tile_overlayer_lowered;
	s6 =	simm.s32 $_tile_overlayer_lowered  }
0x9b: {  	s22 =	simm.s32 $0x1BFF;
	s21 =	sshll.u32 s6, $0x1;
	s3 =	sadd.s32 s4, s19  }
0x9c: {  	s7 =	simm.s32 $0x0;
	s20 =	sshll.u32 s5, $0x1;
	s5 =	sadd.s32 s21, s3  }
0x9d: {  	[timem:s7], [sflag:s22] =	dma.local [hbm:s5], s20  }
0x9e: {  	_ =	swait.ge [sflag:s22], s20  }
0x9f: {  	s4 =	ssub.s32 $0x0, s20;
	[sflag:s22] =	ssyncset.done $0x0  }
0xa0: {  	[sflag:s22] =	ssyncadd.s32 s4;
	_ =	sdelay $0x1  }
0xa1: {  	s23 =	simm.s32 $0x1B8B  }
0xa2: {  	_ =	swait.ge [sflag:s23], $0x1  }
0xa3: {  	[sflag:s23] =	ssyncset.done $0x0  }
0xa4: {  	s25 =	simm.s32 $0x1B8E;
	s24 =	sld [smem:$0x3FFE];
	[sflag:s23] =	ssyncadd.s32 $0xFFFFFFFF  }
0xa5: {  	s26 =	simm.s32 $execute0_lowered;
	[smem:$0x3FD2] =	sst s25  }
0xa6: {  	s5 =	sshll.u32 s26, $0x1;
	_ =	strace $0x80000046;
	[dreg:$0x1] =	wrdreg $0xFFFFFFFF  }
0xa7: {  	s28 =	simm.s32 $_size_execute0_lowered;
	s3 =	sadd.s32 s3, s5;
	[dreg:$0x0] =	wrdreg $0x0  }
0xa8: {  	s5 =	sshll.u32 s28, $0x1;
	[dreg:$0x2] =	wrdreg s3  }
0xa9: {  	[dreg:$0x3] =	wrdreg s5  }
0xaa: {  	[dreg:$0x4] =	wrdreg $0xC0  }
0xab: {  	_ =	task [dreg:s7], $0x5FFFF  }
0xac: {  	[dreg:$0x1] =	wrdreg $0xFFFFFFFF  }
0xad: {  	[dreg:$0x0] =	wrdreg $0x60  }
0xae: {  	[dreg:$0x2] =	wrdreg s24  }
0xaf: {  	[dreg:$0x3] =	wrdreg s2  }
0xb0: {  	[dreg:$0x4] =	wrdreg $0x90000  }
0xb1: {  	[dreg:$0x5] =	wrdreg $0xA  }
0xb2: {  	_ =	task.clear_ibuf [dreg:s7], $0x6FFFF;
	_ =	strace $0x90000046  }
0xb3: {  	s29 =	simm.s32 $0xA;
	_ =	strace $0x80000048  }
0xb4: {  	_ =	swait.ge [sflag:s29], $0x1  }
0xb5: {  	[sflag:s29] =	ssyncadd.s32 $0xFFFFFFFF  }
0xb6: {  	_ =	strace $0x90000048  }
0xb7: {  	_ =	sfence  }
0xb8: {  	s30 =	sld [smem:$0x0];
	_ =	sdelay $0x2  }
0xb9: {  	s31 =	sshll.u32 s1, $0xD;
	s1 =	sshrl.u32 s1, $0x2  }
0xba: {  	s3 =	sand.u32 $0x4000, s31;
	s1 =	sadd.s32 s1, s30  }
0xbb: {  	s0 =	sor.u32 s3, s0;
	s1 =	sshll.u32 s1, $0x11  }
0xbc: {  	s0 =	sor.u32 s1, s0  }
0xbd: {  	s0 =	sadd.s32 $0x8F2B, s0  }
0xbe: {  	[sflag:s0] =	ssyncadd.remote.s32 $0x1  }
0xbf: {  	_ =	sfence.sel $0xFFFF  }
0xc0: {  	[dreg:$0x0] =	wrdreg $0xFFFFFFFF;
	(pc) =	sbr.abs _section_cstart, $3  }
0xc1: {  	[dreg:$0x1] =	wrdreg $0xFFFFFFFF  }
0xc2: {  	_ =	task.clear_ibuf [dreg:s7], $0x2FFFF;
	_ =	strace $0x9FFFFFFF  }
0xc3: {  	(tm) =	ssettm $0x7FFFFFFF  }
tec
execute0_lowered:
.L_overlay_start_1:
0x0: {  	(tag) =	ssettag $0x1  }
0x1: {  	s5 =	rddreg [dreg:$0x0]  }
0x2: {  	s1 =	rddreg [dreg:$0x1]  }
0x3: {  	s0 =	srdreg.scid;
	s2 =	rddreg [dreg:$0x2]  }
0x4: {  	s11 =	stileid.u32;
	s3 =	simm.s32 $0x0;
	s15 =	simm.s32 $0x1000  }
0x5: {  	s16 =	simm.s32 $0x1;
	s17 =	simm.s32 $0x5000;
	s18 =	simm.s32 $0x2  }
0x6: {  	s19 =	simm.s32 $0x0;
	s6 =	sand.u32 $0x1, s0;
	s0 =	rddreg [dreg:$0x3]  }
0x7: {  	[smem:$0x7FF] =	sst s3;
	s10 =	sadd.s32 $0xC600, s5;
	s12 =	smul.u32 $0x2800, s11  }
0x8: {  	s13 =	sadd.s32 $0x2600, s5;
	p0 =	sne.s32 s11, $0x0;
	s7 =	smul.u32 $0x27100, s6  }
0x9: {  	s4 =	sshll.u32 s6, $0x4;
	s9 =	smul.u32 $0x28000, s6;
	s6 =	ssub.s32 $0x2, s6  }
0xa: {  	_ =	strace $0x80000047;
	s4 =	sor.u32 s11, s4;
	s28 =	sshrl.u32 s6, $0x1  }
0xb: {  	s11 =	sshrl.u32 @!p0 s2, $0x3;
	s8 =	smul.u32 $0x2800, s4;
	s4 =	sadd.s32 $0x16600, s5  }
0xc: {  	s7 =	sadd.s32 s7, s5;
	s14 =	ssub.s32 s6, s28;
	s30 =	sadd.s32 s12, s9  }
0xd: {  	s12 =	simm.s32 $0x3;
	s9 =	sor.u32 $0x400, s30;
	s7 =	sadd.s32 $0x2AE800, s7  }
0xe: {  	s29 =	sshrl.u32 s8, $0x3;
	s8 =	smax.u32 s14, $0x1;
	s31 =	sshrl.u32 s9, $0x3  }
0xf: {  	s14 =	simm.s32 $0x7D;
	s5 =	sadd.s32 s10, s29;
	s6 =	sadd.s32 s13, s29  }
0x10: {  	s9 =	sadd.s32 s31, s13;
	s10 =	sadd.s32 s31, s10;
	s13 =	simm.s32 $0x800  }
.LBB2_1:
0x11: {  	s20 =	simm.s32 @!p0 $0x1C03  }
0x12: {  	[spmem:s11], [sflag:s20] =	dma.local @!p0 [hbm:s1], $0x27100  }
0x13: {  	s20 =	simm.s32 @!p0 $0x3  }
0x14: {  	_ =	swait.ge @!p0 [sflag:s20], $0x27100  }
0x15: {  	[sflag:s20] =	ssyncset.done @!p0 $0x0  }
0x16: {  	[sflag:s20] =	ssyncadd.s32 @!p0 $0xFFFD8F00  }
0x17: {  	[bflag:$0x0] =	sbarrier.arrive $0xFFFF  }
0x18: {  	[tilespmem:s3], [sflag:$0x3] =	stream.linear.gather [hbm4b:s5+s3], $0x400, $0x38;
	[tilespmem:$0x1C880] =	vst v63  }
0x19: {  	_ =	swait.ge [sflag:s12], $0x400  }
0x1a: {  	[sflag:s12] =	ssyncset.done $0x0  }
0x1b: {  	[sflag:s12] =	ssyncadd.s32 $0xFFFFFC00  }
0x1c: {  	[tilespmem:s13], [sflag:$0x3] =	stream.linear.gather [hbm4b:s6+s3], $0x400, $0x38;
	[tilespmem:$0x1C880] =	vst v63  }
0x1d: {  	_ =	swait.ge [sflag:s12], $0x400  }
0x1e: {  	s21 =	simm.s32 $0x1;
	[sflag:s12] =	ssyncset.done $0x0  }
0x1f: {  	s22 =	simm.s32 $0x0;
	s20 =	simm.s32 $0x0;
	[sflag:s12] =	ssyncadd.s32 $0xFFFFFC00  }
0x20: {  	[tilespmem:s15], [sflag:$0x1] =	stream.indirect.gather [hbm4b:s4+s14], $0x80, s3, s14, $0xb8;
	[tilespmem:$0x1C880] =	vst v63  }
.LBB2_2:
0x21: {  	p1 =	seq.s32 s22, $0x0  }
0x22: {  	s24 =	simm.s32 @!p1 $0x2  }
0x23: {  	p2 =	seq.s32 @!p1 s22, $0x480;
	_ =	swait.ge @!p1 [sflag:s24], $0x3E80  }
0x24: {  	s23 =	sand.u32 $0x1, s21;
	p2 =	por p1, !p2;
	[sflag:s24] =	ssyncset.done @!p1 $0x0  }
0x25: {  	s25 =	sadd.s32 @p2 s22, s10;
	[sflag:s24] =	ssyncadd.s32 @!p1 $0xFFFFC180;
	s24 =	sshll.u32 @p2 s23, $0xA  }
0x26: {  	[tilespmem:s24], [sflag:$0x3] =	stream.linear.gather @p2 [hbm4b:s25+s3], $0x400, $0x38;
	[tilespmem:$0x1C880] =	vst v63  }
0x27: {  	_ =	swait.ge @p2 [sflag:s12], $0x400  }
0x28: {  	[sflag:s12] =	ssyncset.done @p2 $0x0  }
0x29: {  	s24 =	sor.u32 @p2 $0x800, s24;
	s25 =	sadd.s32 @p2 s22, s9;
	[sflag:s12] =	ssyncadd.s32 @p2 $0xFFFFFC00  }
0x2a: {  	[tilespmem:s24], [sflag:$0x3] =	stream.linear.gather @p2 [hbm4b:s25+s3], $0x400, $0x38;
	[tilespmem:$0x1C880] =	vst v63  }
0x2b: {  	_ =	swait.ge @p2 [sflag:s12], $0x400  }
0x2c: {  	[sflag:s12] =	ssyncset.done @p2 $0x0  }
0x2d: {  	[sflag:s12] =	ssyncadd.s32 @p2 $0xFFFFFC00  }
0x2e: {  	_ =	swait.ge [sflag:s16], $0x3E80  }
0x2f: {  	s24 =	sand.u32 $0x400, s20;
	[sflag:s16] =	ssyncset.done $0x0  }
0x30: {  	s28 =	sor.u32 $0x800, s24;
	[sflag:s16] =	ssyncadd.s32 $0xFFFFC180  }
0x31: {  	[spmem:s2] =	stream.indirect.scatter.add.f32 [tilespmem:s15], [sflag:$0x2], $0x80, s28, s14, $0xb8;
	[tilespmem:$0x1C880] =	vst v63  }
0x32: {  	s29 =	sor.u32 $0x80, s24  }
0x33: {  	[tilespmem:s17], [sflag:$0x1] =	stream.indirect.gather [hbm4b:s4+s14], $0x80, s29, s14, $0xb8;
	[tilespmem:$0x1C880] =	vst v63  }
0x34: {  	_ =	swait.ge [sflag:s16], $0x3E80  }
0x35: {  	[sflag:s16] =	ssyncset.done $0x0  }
0x36: {  	[sflag:s16] =	ssyncadd.s32 $0xFFFFC180  }
0x37: {  	_ =	swait.ge [sflag:s18], $0x3E80  }
0x38: {  	[sflag:s18] =	ssyncset.done $0x0  }
0x39: {  	s30 =	sor.u32 $0x880, s24;
	[sflag:s18] =	ssyncadd.s32 $0xFFFFC180  }
0x3a: {  	[spmem:s2] =	stream.indirect.scatter.add.f32 [tilespmem:s17], [sflag:$0x2], $0x80, s30, s14, $0xb8;
	[tilespmem:$0x1C880] =	vst v63  }
0x3b: {  	s31 =	sor.u32 $0x100, s24  }
0x3c: {  	[tilespmem:s15], [sflag:$0x1] =	stream.indirect.gather [hbm4b:s4+s14], $0x80, s31, s14, $0xb8;
	[tilespmem:$0x1C880] =	vst v63  }
0x3d: {  	_ =	swait.ge [sflag:s16], $0x3E80  }
0x3e: {  	[sflag:s16] =	ssyncset.done $0x0  }
0x3f: {  	[sflag:s16] =	ssyncadd.s32 $0xFFFFC180  }
0x40: {  	_ =	swait.ge [sflag:s18], $0x3E80  }
0x41: {  	[sflag:s18] =	ssyncset.done $0x0  }
0x42: {  	s26 =	sor.u32 $0x900, s24;
	[sflag:s18] =	ssyncadd.s32 $0xFFFFC180  }
0x43: {  	[spmem:s2] =	stream.indirect.scatter.add.f32 [tilespmem:s15], [sflag:$0x2], $0x80, s26, s14, $0xb8;
	[tilespmem:$0x1C880] =	vst v63  }
0x44: {  	s28 =	sor.u32 $0x180, s24  }
0x45: {  	[tilespmem:s17], [sflag:$0x1] =	stream.indirect.gather [hbm4b:s4+s14], $0x80, s28, s14, $0xb8;
	[tilespmem:$0x1C880] =	vst v63  }
0x46: {  	_ =	swait.ge [sflag:s16], $0x3E80  }
0x47: {  	[sflag:s16] =	ssyncset.done $0x0  }
0x48: {  	[sflag:s16] =	ssyncadd.s32 $0xFFFFC180  }
0x49: {  	_ =	swait.ge [sflag:s18], $0x3E80  }
0x4a: {  	[sflag:s18] =	ssyncset.done $0x0  }
0x4b: {  	s29 =	sor.u32 $0x980, s24;
	[sflag:s18] =	ssyncadd.s32 $0xFFFFC180  }
0x4c: {  	[spmem:s2] =	stream.indirect.scatter.add.f32 [tilespmem:s17], [sflag:$0x2], $0x80, s29, s14, $0xb8;
	[tilespmem:$0x1C880] =	vst v63  }
0x4d: {  	s30 =	sor.u32 $0x200, s24  }
0x4e: {  	[tilespmem:s15], [sflag:$0x1] =	stream.indirect.gather [hbm4b:s4+s14], $0x80, s30, s14, $0xb8;
	[tilespmem:$0x1C880] =	vst v63  }
0x4f: {  	_ =	swait.ge [sflag:s16], $0x3E80  }
0x50: {  	[sflag:s16] =	ssyncset.done $0x0  }
0x51: {  	[sflag:s16] =	ssyncadd.s32 $0xFFFFC180  }
0x52: {  	_ =	swait.ge [sflag:s18], $0x3E80  }
0x53: {  	[sflag:s18] =	ssyncset.done $0x0  }
0x54: {  	s31 =	sor.u32 $0xA00, s24;
	[sflag:s18] =	ssyncadd.s32 $0xFFFFC180  }
0x55: {  	[spmem:s2] =	stream.indirect.scatter.add.f32 [tilespmem:s15], [sflag:$0x2], $0x80, s31, s14, $0xb8;
	[tilespmem:$0x1C880] =	vst v63  }
0x56: {  	s26 =	sor.u32 $0x280, s24  }
0x57: {  	[tilespmem:s17], [sflag:$0x1] =	stream.indirect.gather [hbm4b:s4+s14], $0x80, s26, s14, $0xb8;
	[tilespmem:$0x1C880] =	vst v63  }
0x58: {  	_ =	swait.ge [sflag:s16], $0x3E80  }
0x59: {  	[sflag:s16] =	ssyncset.done $0x0  }
0x5a: {  	[sflag:s16] =	ssyncadd.s32 $0xFFFFC180  }
0x5b: {  	_ =	swait.ge [sflag:s18], $0x3E80  }
0x5c: {  	[sflag:s18] =	ssyncset.done $0x0  }
0x5d: {  	s28 =	sor.u32 $0xA80, s24;
	[sflag:s18] =	ssyncadd.s32 $0xFFFFC180  }
0x5e: {  	[spmem:s2] =	stream.indirect.scatter.add.f32 [tilespmem:s17], [sflag:$0x2], $0x80, s28, s14, $0xb8;
	[tilespmem:$0x1C880] =	vst v63  }
0x5f: {  	s29 =	sor.u32 $0x300, s24  }
0x60: {  	[tilespmem:s15], [sflag:$0x1] =	stream.indirect.gather [hbm4b:s4+s14], $0x80, s29, s14, $0xb8;
	[tilespmem:$0x1C880] =	vst v63  }
0x61: {  	_ =	swait.ge [sflag:s16], $0x3E80  }
0x62: {  	[sflag:s16] =	ssyncset.done $0x0  }
0x63: {  	[sflag:s16] =	ssyncadd.s32 $0xFFFFC180  }
0x64: {  	_ =	swait.ge [sflag:s18], $0x3E80  }
0x65: {  	[sflag:s18] =	ssyncset.done $0x0  }
0x66: {  	s30 =	sor.u32 $0xB00, s24;
	[sflag:s18] =	ssyncadd.s32 $0xFFFFC180  }
0x67: {  	[spmem:s2] =	stream.indirect.scatter.add.f32 [tilespmem:s15], [sflag:$0x2], $0x80, s30, s14, $0xb8;
	[tilespmem:$0x1C880] =	vst v63  }
0x68: {  	s31 =	sor.u32 $0x380, s24  }
0x69: {  	[tilespmem:s17], [sflag:$0x1] =	stream.indirect.gather [hbm4b:s4+s14], $0x80, s31, s14, $0xb8;
	[tilespmem:$0x1C880] =	vst v63  }
0x6a: {  	_ =	swait.ge [sflag:s16], $0x3E80  }
0x6b: {  	[sflag:s16] =	ssyncset.done $0x0  }
0x6c: {  	[sflag:s16] =	ssyncadd.s32 $0xFFFFC180  }
0x6d: {  	p1 =	por @!p1 $0x1, $0x1;
	_ =	swait.ge [sflag:s18], $0x3E80  }
0x6e: {  	p1 =	por @p2 $0x0, $0x0;
	[sflag:s18] =	ssyncset.done $0x0  }
0x6f: {  	s22 =	sadd.s32 $0x80, s22;
	s24 =	sor.u32 $0xB80, s24;
	[sflag:s18] =	ssyncadd.s32 $0xFFFFC180  }
0x70: {  	[spmem:s2] =	stream.indirect.scatter.add.f32 [tilespmem:s17], [sflag:$0x2], $0x80, s24, s14, $0xb8;
	[tilespmem:$0x1C880] =	vst v63  }
0x71: {  	s23 =	sshll.u32 @!p1 s23, $0xA;
	s25 =	simm.s32 @!p1 $0x1000;
	s24 =	simm.s32 @!p1 $0x7D  }
0x72: {  	[tilespmem:s25], [sflag:$0x1] =	stream.indirect.gather @!p1 [hbm4b:s4+s24], $0x80, s23, s24, $0xb8;
	[tilespmem:$0x1C880] =	vst v63  }
0x73: {  	p1 =	sne.s32 s22, $0x500  }
.Ltmp0:
0x74: {  	_ = 	snop;
	(pc) =	sbr.rel @p1 .LBB2_2-.Ltmp0, $2  }
0x75: {  	_ =	sdelay $0x2  }
0x76: {  	s21 =	sadd.s32 $0x1, s21;
	s20 =	sadd.s32 $0x400, s20  }
0x77: {  	_ =	swait.ge [sflag:s18], $0x3E80  }
0x78: {  	[sflag:s18] =	ssyncset.done $0x0  }
0x79: {  	s19 =	sadd.s32 $0x1, s19;
	[sflag:s18] =	ssyncadd.s32 $0xFFFFC180  }
0x7a: {  	s20 =	simm.s32 @!p0 $0x1C03;
	p1 =	sne.s32 s19, s8;
	[bflag:$0x0] =	sbarrier.arrive $0xFFFF  }
0x7b: {  	[hbm:s7], [sflag:s20] =	dma.local @!p0 [spmem:s11], $0x27100  }
.Ltmp1:
0x7c: {  	_ = 	snop;
	(pc) =	sbr.rel @p1 .LBB2_1-.Ltmp1, $4  }
0x7d: {  	s20 =	simm.s32 @!p0 $0x3  }
0x7e: {  	_ =	swait.ge @!p0 [sflag:s20], $0x27100  }
0x7f: {  	[sflag:s20] =	ssyncset.done @!p0 $0x0  }
0x80: {  	[sflag:s20] =	ssyncadd.s32 @!p0 $0xFFFD8F00  }
0x81: {  	_ =	sfence.sel $0x180000  }
0x82: {  	[bflag:$0x0] =	sbarrier.arrive $0xFFFF  }
0x83: {  	_ =	strace $0x90000047  }
0x84: {  	s0 =	sadd.s32 @!p0 $0x100000, s0;
	[bflag:$0x2] =	sbarrier.arrive $0xFFFF  }
0x85: {  	[sflag:s0] =	ssyncadd.tile.s32 @!p0 $0x1;
	_ =	shalt  }
.Lfunc_end2:
_tile_overlayer_lowered:
.L_overlay_start_2:
0x86: {  	(tag) =	ssettag $0x2  }
0x87: {  	s0 =	rddreg [dreg:$0x0];
	s2 =	stileid.u32  }
0x88: {  	s1 =	rddreg [dreg:$0x1];
	p0 =	sne.s32 s2, $0x0  }
0x89: {  	s3 =	rddreg [dreg:$0x2];
	[bflag:$0x3] =	sbarrier.arrive $0xFFFF;
	s2 =	simm.s32 @!p0 $0x1C03  }
0x8a: {  	[timem:s3], [sflag:s2] =	dma.local @!p0 [hbm:s0], s1  }
0x8b: {  	s0 =	simm.s32 @!p0 $0x3  }
0x8c: {  	_ =	swait.ge @!p0 [sflag:s0], s1  }
0x8d: {  	s1 =	ssub.s32 @!p0 $0x0, s1;
	[sflag:s0] =	ssyncset.done @!p0 $0x0  }
0x8e: {  	[sflag:s0] =	ssyncadd.s32 @!p0 s1  }
0x8f: {  	[bflag:$0x3] =	sbarrier.arrive $0xFFFF  }
0x90: {  	_ =	shalt  }

// kernel: kernel.15.cloned.1.call-start
scs
__scs_entry_jumppad:
0x0: {  	(pc) =	sbr.rel $0x88, $3  }
0x1: {  	(tag) =	ssettag $0x0;
	lr =	simm.s32 $0x1  }
0x2: {  	[smem:$0x3F94] =	sst lr;
	_ =	strace $0xD0000000  }
0x3: {  	_ = 	snop  }
0x4: {  	_ = 	snop  }
0x5: {  	_ = 	snop  }
0x6: {  	_ = 	snop  }
0x7: {  	_ = 	snop  }
__scs_overlays_trampoline_lowered:
0x8: {  	[smem:$0x3FA3] =	sst s0  }
0x9: {  	[smem:$0x3FA4] =	sst s1  }
0xa: {  	[smem:$0x3FA5] =	sst s2  }
0xb: {  	[smem:$0x3FA6] =	sst s3  }
0xc: {  	[smem:$0x3FA7] =	sst s4  }
0xd: {  	[smem:$0x3FA8] =	sst s5  }
0xe: {  	[smem:$0x3FA9] =	sst s6  }
0xf: {  	[smem:$0x3FAA] =	sst s7  }
0x10: {  	[smem:$0x3FAB] =	sst s8  }
0x11: {  	[smem:$0x3FAC] =	sst s9;
	s0 =	simm.s32 @!p0 $0x0  }
0x12: {  	s1 =	sld [smem:$0x3F92];
	s0 =	simm.s32 @p0 $0x1  }
0x13: {  	[smem:$0x3FAD] =	sst s0;
	s0 =	simm.s32 @!p1 $0x0  }
0x14: {  	s2 =	sld [smem:$0x3F91];
	s0 =	simm.s32 @p1 $0x1  }
0x15: {  	[smem:$0x3FAE] =	sst s0;
	s0 =	simm.s32 @!p2 $0x0  }
0x16: {  	s3 =	sld [smem:$0x3FDB];
	s0 =	simm.s32 @p2 $0x1  }
0x17: {  	s4 =	simm.s32 $0x1BF5;
	[smem:$0x3FB0] =	sst s0  }
0x18: {  	s0 =	sld [smem:$0x3F93];
	_ =	swait.ge [sflag:s4], $0x0  }
0x19: {  	s7 =	sld [smem:$0x3F94]  }
0x1a: {  	s8 =	sadd.s32 $0xFFFFE003, lr  }
0x1b: {  	s9 =	sadd.s32 $0xFFFFFEF7, lr;
	s5 =	simm.s32 $0xFFFFFFFF;
	p2 =	slt.u32 s8, $0xFFFFF086  }
0x1c: {  	p1 =	slt.u32 s9, $0xF7A;
	s5 =	simm.s32 @!p2 $0x0  }
0x1d: {  	s5 =	simm.s32 @p1 $0x1;
	p0 =	seq.s32 s7, s2  }
0x1e: {  	s7 =	smul.u32 @!p0 $0xF7A, s2;
	p2 =	seq.s32 @!p0 s5, $0x0  }
0x1f: {  	s9 =	smul.u32 $0xF7A, s1;
	s8 =	simm.s32 @!p0 $0x1BF5;
	p2 =	por !p2, p0  }
0x20: {  	[sflag:s8] =	ssyncset.s32 @!p0 $0xFFFFF086;
	s6 =	sadd.s32 @!p0 s3, s7;
	s7 =	simm.s32 @!p0 $0x108  }
0x21: {  	s3 =	sadd.s32 s3, s9;
	s6 =	sadd.s32 @!p0 $0x88, s6;
	s7 =	simm.s32 @p2 $0x1082  }
0x22: {  	[simem:s7], [sflag:s8] =	dma.local @!p0 [hbm:s6], $0xF7A  }
0x23: {  	s9 =	sor.u32 $0xD0000000, s2;
	s6 =	simm.s32 $0x108;
	_ =	swait.ge @!p0 [sflag:s8], $0x0  }
0x24: {  	s3 =	sadd.s32 $0x88, s3;
	s6 =	simm.s32 @!p1 $0x1082;
	[sflag:s4] =	ssyncset.s32 $0xFFFFF086  }
0x25: {  	[simem:s6], [sflag:s4] =	dma.local [hbm:s3], $0xF7A  }
0x26: {  	[smem:$0x3F94] =	sst s1;
	(tag) =	ssettag s2;
	_ =	strace s9  }
0x27: {  	s1 =	sld [smem:$0x3FA4]  }
0x28: {  	s2 =	sld [smem:$0x3FA5]  }
0x29: {  	s4 =	sld [smem:$0x3FA7]  }
0x2a: {  	p0 =	seq.s32 s5, $0x0;
	s5 =	sld [smem:$0x3FA8]  }
0x2b: {  	s6 =	sld [smem:$0x3FA9]  }
0x2c: {  	s7 =	sld [smem:$0x3FAA]  }
0x2d: {  	s3 =	simm.s32 $0x108;
	s8 =	sld [smem:$0x3FAB]  }
0x2e: {  	s3 =	simm.s32 @!p0 $0x1082;
	s9 =	sld [smem:$0x3FAC]  }
0x2f: {  	lr =	sadd.s32 s0, s3;
	s0 =	sld [smem:$0x3FA3]  }
0x30: {  	s3 =	sld [smem:$0x3FA6]  }
0x31: {  	[smem:$0x3FAF] =	sst s10  }
0x32: {  	s10 =	sld [smem:$0x3FAD];
	_ =	sdelay $0x3  }
0x33: {  	p0 =	seq.s32 s10, $0x1;
	s10 =	sld [smem:$0x3FAF];
	_ =	sdelay $0x3  }
0x34: {  	[smem:$0x3FAF] =	sst s10  }
0x35: {  	s10 =	sld [smem:$0x3FAE];
	_ =	sdelay $0x3  }
0x36: {  	p1 =	seq.s32 s10, $0x1;
	s10 =	sld [smem:$0x3FAF];
	_ =	sdelay $0x3  }
0x37: {  	[smem:$0x3FAF] =	sst s10  }
0x38: {  	s10 =	sld [smem:$0x3FB0]  }
0x39: {  	_ = 	snop;
	(pc) =	sbr.ind lr, $3  }
0x3a: {  	_ = 	snop  }
0x3b: {  	_ = 	snop  }
0x3c: {  	p2 =	seq.s32 s10, $0x1;
	s10 =	sld [smem:$0x3FAF]  }
0x3d: {  	_ =	shalt  }
0x3e: {  	_ =	shalt  }
0x3f: {  	_ =	shalt  }
0x40: {  	_ =	shalt  }
0x41: {  	_ =	shalt  }
0x42: {  	_ =	shalt  }
0x43: {  	_ =	shalt  }
0x44: {  	_ =	shalt  }
0x45: {  	_ =	shalt  }
0x46: {  	_ =	shalt  }
0x47: {  	_ =	shalt  }
0x48: {  	_ =	shalt  }
0x49: {  	_ =	shalt  }
0x4a: {  	_ =	shalt  }
0x4b: {  	_ =	shalt  }
0x4c: {  	_ =	shalt  }
0x4d: {  	_ =	shalt  }
0x4e: {  	_ =	shalt  }
0x4f: {  	_ =	shalt  }
0x50: {  	_ =	shalt  }
0x51: {  	_ =	shalt  }
0x52: {  	_ =	shalt  }
0x53: {  	_ =	shalt  }
0x54: {  	_ =	shalt  }
0x55: {  	_ =	shalt  }
0x56: {  	_ =	shalt  }
0x57: {  	_ =	shalt  }
0x58: {  	_ =	shalt  }
0x59: {  	_ =	shalt  }
0x5a: {  	_ =	shalt  }
0x5b: {  	_ =	shalt  }
0x5c: {  	_ =	shalt  }
0x5d: {  	_ =	shalt  }
0x5e: {  	_ =	shalt  }
0x5f: {  	_ =	shalt  }
0x60: {  	_ =	shalt  }
0x61: {  	_ =	shalt  }
0x62: {  	_ =	shalt  }
0x63: {  	_ =	shalt  }
0x64: {  	_ =	shalt  }
0x65: {  	_ =	shalt  }
0x66: {  	_ =	shalt  }
0x67: {  	_ =	shalt  }
0x68: {  	_ =	shalt  }
0x69: {  	_ =	shalt  }
0x6a: {  	_ =	shalt  }
0x6b: {  	_ =	shalt  }
0x6c: {  	_ =	shalt  }
0x6d: {  	_ =	shalt  }
0x6e: {  	_ =	shalt  }
0x6f: {  	_ =	shalt  }
0x70: {  	_ =	shalt  }
0x71: {  	_ =	shalt  }
0x72: {  	_ =	shalt  }
0x73: {  	_ =	shalt  }
0x74: {  	_ =	shalt  }
0x75: {  	_ =	shalt  }
0x76: {  	_ =	shalt  }
0x77: {  	_ =	shalt  }
0x78: {  	_ =	shalt  }
0x79: {  	_ =	shalt  }
0x7a: {  	_ =	shalt  }
0x7b: {  	_ =	shalt  }
0x7c: {  	_ =	shalt  }
0x7d: {  	_ =	shalt  }
0x7e: {  	_ =	shalt  }
0x7f: {  	_ =	shalt  }
0x80: {  	_ =	shalt  }
0x81: {  	_ =	shalt  }
0x82: {  	_ =	shalt  }
0x83: {  	_ =	shalt  }
0x84: {  	_ =	shalt  }
0x85: {  	_ =	shalt  }
0x86: {  	_ =	shalt  }
0x87: {  	_ =	shalt  }
.Lfunc_end0:
.L_simem_size_0:
called_computation.2_lowered:
.L_overlay_start_0:
0x88: {  	s2 =	sld [smem:$0x3FD9]  }
0x89: {  	s3 =	sld [smem:$0x3FFE];
	_ =	sdelay $0x1  }
0x8a: {  	s1 =	srdreg.scid  }
0x8b: {  	s0 =	sand.u32 $0x1, s1  }
0x8c: {  	s17 =	sshll.u32 s0, $0xA;
	s2 =	sadd.s32 s3, s2  }
0x8d: {  	s2 =	sadd.s32 s2, s17  }
0x8e: {  	[smem:$0x3FBB] =	sst s2  }
0x8f: {  	_ = 	snop  }
0x90: {  	s2 =	sld [smem:$0x3FD0];
	(tm) =	ssettm $0x1  }
0x91: {  	s18 =	sld [smem:$0x3FFB];
	_ =	sdelay $0x3  }
0x92: {  	_ =	strace s18  }
0x93: {  	s3 =	sld [smem:$0x3FFC];
	_ =	sdelay $0x3  }
0x94: {  	_ =	strace s3  }
0x95: {  	s3 =	sld [smem:$0x3FFD];
	_ =	sdelay $0x3  }
0x96: {  	_ =	strace s3  }
0x97: {  	_ =	strace $0x8FFFFFFF  }
0x98: {  	s19 =	sld [smem:$0x3FDB];
	_ =	sdelay $0x1  }
0x99: {  	s4 =	simm.s32 $_scs_section_size  }
0x9a: {  	s5 =	simm.s32 $_size__tile_overlayer_lowered;
	s6 =	simm.s32 $_tile_overlayer_lowered  }
0x9b: {  	s22 =	simm.s32 $0x1BFF;
	s21 =	sshll.u32 s6, $0x1;
	s3 =	sadd.s32 s4, s19  }
0x9c: {  	s7 =	simm.s32 $0x0;
	s20 =	sshll.u32 s5, $0x1;
	s5 =	sadd.s32 s21, s3  }
0x9d: {  	[timem:s7], [sflag:s22] =	dma.local [hbm:s5], s20  }
0x9e: {  	_ =	swait.ge [sflag:s22], s20  }
0x9f: {  	s4 =	ssub.s32 $0x0, s20;
	[sflag:s22] =	ssyncset.done $0x0  }
0xa0: {  	[sflag:s22] =	ssyncadd.s32 s4;
	_ =	sdelay $0x1  }
0xa1: {  	s23 =	simm.s32 $0x1B8B  }
0xa2: {  	_ =	swait.ge [sflag:s23], $0x1  }
0xa3: {  	[sflag:s23] =	ssyncset.done $0x0  }
0xa4: {  	s25 =	simm.s32 $0x1B8E;
	s24 =	sld [smem:$0x3FFE];
	[sflag:s23] =	ssyncadd.s32 $0xFFFFFFFF  }
0xa5: {  	s26 =	simm.s32 $execute0_lowered;
	[smem:$0x3FD2] =	sst s25  }
0xa6: {  	s5 =	sshll.u32 s26, $0x1;
	_ =	strace $0x8000004C;
	[dreg:$0x1] =	wrdreg $0xFFFFFFFF  }
0xa7: {  	s28 =	simm.s32 $_size_execute0_lowered;
	s3 =	sadd.s32 s3, s5;
	[dreg:$0x0] =	wrdreg $0x0  }
0xa8: {  	s5 =	sshll.u32 s28, $0x1;
	[dreg:$0x2] =	wrdreg s3  }
0xa9: {  	[dreg:$0x3] =	wrdreg s5  }
0xaa: {  	[dreg:$0x4] =	wrdreg $0xC0  }
0xab: {  	_ =	task [dreg:s7], $0x5FFFF  }
0xac: {  	[dreg:$0x1] =	wrdreg $0xFFFFFFFF  }
0xad: {  	[dreg:$0x0] =	wrdreg $0x60  }
0xae: {  	[dreg:$0x2] =	wrdreg s24  }
0xaf: {  	[dreg:$0x3] =	wrdreg s2  }
0xb0: {  	[dreg:$0x4] =	wrdreg $0x90000  }
0xb1: {  	[dreg:$0x5] =	wrdreg $0x9  }
0xb2: {  	_ =	task.clear_ibuf [dreg:s7], $0x6FFFF;
	_ =	strace $0x9000004C  }
0xb3: {  	s29 =	simm.s32 $0x9;
	_ =	strace $0x8000004E  }
0xb4: {  	_ =	swait.ge [sflag:s29], $0x1  }
0xb5: {  	[sflag:s29] =	ssyncadd.s32 $0xFFFFFFFF  }
0xb6: {  	_ =	strace $0x9000004E  }
0xb7: {  	_ =	sfence  }
0xb8: {  	s30 =	sld [smem:$0x0];
	_ =	sdelay $0x2  }
0xb9: {  	s31 =	sshll.u32 s1, $0xD;
	s1 =	sshrl.u32 s1, $0x2  }
0xba: {  	s3 =	sand.u32 $0x4000, s31;
	s1 =	sadd.s32 s1, s30  }
0xbb: {  	s0 =	sor.u32 s3, s0;
	s1 =	sshll.u32 s1, $0x11  }
0xbc: {  	s0 =	sor.u32 s1, s0  }
0xbd: {  	s0 =	sadd.s32 $0x8F2B, s0  }
0xbe: {  	[sflag:s0] =	ssyncadd.remote.s32 $0x1  }
0xbf: {  	_ =	sfence.sel $0xFFFF  }
0xc0: {  	[dreg:$0x0] =	wrdreg $0xFFFFFFFF;
	(pc) =	sbr.abs _section_cstart, $3  }
0xc1: {  	[dreg:$0x1] =	wrdreg $0xFFFFFFFF  }
0xc2: {  	_ =	task.clear_ibuf [dreg:s7], $0x2FFFF;
	_ =	strace $0x9FFFFFFF  }
0xc3: {  	(tm) =	ssettm $0x7FFFFFFF  }
tec
execute0_lowered:
.L_overlay_start_1:
0x0: {  	(tag) =	ssettag $0x1  }
0x1: {  	s5 =	rddreg [dreg:$0x0]  }
0x2: {  	s1 =	rddreg [dreg:$0x1]  }
0x3: {  	s0 =	srdreg.scid;
	s2 =	rddreg [dreg:$0x2]  }
0x4: {  	s11 =	stileid.u32;
	s3 =	simm.s32 $0x0;
	s15 =	simm.s32 $0x1000  }
0x5: {  	s16 =	simm.s32 $0x1;
	s17 =	simm.s32 $0x5000;
	s18 =	simm.s32 $0x2  }
0x6: {  	s19 =	simm.s32 $0x0;
	s6 =	sand.u32 $0x1, s0;
	s0 =	rddreg [dreg:$0x3]  }
0x7: {  	[smem:$0x7FF] =	sst s3;
	s10 =	sadd.s32 $0xC600, s5;
	s12 =	smul.u32 $0x2800, s11  }
0x8: {  	s13 =	sadd.s32 $0x2600, s5;
	p0 =	sne.s32 s11, $0x0;
	s7 =	smul.u32 $0x27100, s6  }
0x9: {  	s4 =	sshll.u32 s6, $0x4;
	s9 =	smul.u32 $0x28000, s6;
	s6 =	ssub.s32 $0x2, s6  }
0xa: {  	_ =	strace $0x8000004D;
	s4 =	sor.u32 s11, s4;
	s28 =	sshrl.u32 s6, $0x1  }
0xb: {  	s11 =	sshrl.u32 @!p0 s2, $0x3;
	s8 =	smul.u32 $0x2800, s4;
	s4 =	sadd.s32 $0x16600, s5  }
0xc: {  	s7 =	sadd.s32 s7, s5;
	s14 =	ssub.s32 s6, s28;
	s30 =	sadd.s32 s12, s9  }
0xd: {  	s12 =	simm.s32 $0x3;
	s9 =	sor.u32 $0x400, s30;
	s7 =	sadd.s32 $0x2AE800, s7  }
0xe: {  	s29 =	sshrl.u32 s8, $0x3;
	s8 =	smax.u32 s14, $0x1;
	s31 =	sshrl.u32 s9, $0x3  }
0xf: {  	s14 =	simm.s32 $0x7D;
	s5 =	sadd.s32 s10, s29;
	s6 =	sadd.s32 s13, s29  }
0x10: {  	s9 =	sadd.s32 s31, s13;
	s10 =	sadd.s32 s31, s10;
	s13 =	simm.s32 $0x800  }
.LBB2_1:
0x11: {  	s20 =	simm.s32 @!p0 $0x1C03  }
0x12: {  	[spmem:s11], [sflag:s20] =	dma.local @!p0 [hbm:s1], $0x27100  }
0x13: {  	s20 =	simm.s32 @!p0 $0x3  }
0x14: {  	_ =	swait.ge @!p0 [sflag:s20], $0x27100  }
0x15: {  	[sflag:s20] =	ssyncset.done @!p0 $0x0  }
0x16: {  	[sflag:s20] =	ssyncadd.s32 @!p0 $0xFFFD8F00  }
0x17: {  	[bflag:$0x0] =	sbarrier.arrive $0xFFFF  }
0x18: {  	[tilespmem:s3], [sflag:$0x3] =	stream.linear.gather [hbm4b:s5+s3], $0x400, $0x38;
	[tilespmem:$0x1C880] =	vst v63  }
0x19: {  	_ =	swait.ge [sflag:s12], $0x400  }
0x1a: {  	[sflag:s12] =	ssyncset.done $0x0  }
0x1b: {  	[sflag:s12] =	ssyncadd.s32 $0xFFFFFC00  }
0x1c: {  	[tilespmem:s13], [sflag:$0x3] =	stream.linear.gather [hbm4b:s6+s3], $0x400, $0x38;
	[tilespmem:$0x1C880] =	vst v63  }
0x1d: {  	_ =	swait.ge [sflag:s12], $0x400  }
0x1e: {  	s21 =	simm.s32 $0x1;
	[sflag:s12] =	ssyncset.done $0x0  }
0x1f: {  	s22 =	simm.s32 $0x0;
	s20 =	simm.s32 $0x0;
	[sflag:s12] =	ssyncadd.s32 $0xFFFFFC00  }
0x20: {  	[tilespmem:s15], [sflag:$0x1] =	stream.indirect.gather [hbm4b:s4+s14], $0x80, s3, s14, $0xb8;
	[tilespmem:$0x1C880] =	vst v63  }
.LBB2_2:
0x21: {  	p1 =	seq.s32 s22, $0x0  }
0x22: {  	s24 =	simm.s32 @!p1 $0x2  }
0x23: {  	p2 =	seq.s32 @!p1 s22, $0x480;
	_ =	swait.ge @!p1 [sflag:s24], $0x3E80  }
0x24: {  	s23 =	sand.u32 $0x1, s21;
	p2 =	por p1, !p2;
	[sflag:s24] =	ssyncset.done @!p1 $0x0  }
0x25: {  	s25 =	sadd.s32 @p2 s22, s10;
	[sflag:s24] =	ssyncadd.s32 @!p1 $0xFFFFC180;
	s24 =	sshll.u32 @p2 s23, $0xA  }
0x26: {  	[tilespmem:s24], [sflag:$0x3] =	stream.linear.gather @p2 [hbm4b:s25+s3], $0x400, $0x38;
	[tilespmem:$0x1C880] =	vst v63  }
0x27: {  	_ =	swait.ge @p2 [sflag:s12], $0x400  }
0x28: {  	[sflag:s12] =	ssyncset.done @p2 $0x0  }
0x29: {  	s24 =	sor.u32 @p2 $0x800, s24;
	s25 =	sadd.s32 @p2 s22, s9;
	[sflag:s12] =	ssyncadd.s32 @p2 $0xFFFFFC00  }
0x2a: {  	[tilespmem:s24], [sflag:$0x3] =	stream.linear.gather @p2 [hbm4b:s25+s3], $0x400, $0x38;
	[tilespmem:$0x1C880] =	vst v63  }
0x2b: {  	_ =	swait.ge @p2 [sflag:s12], $0x400  }
0x2c: {  	[sflag:s12] =	ssyncset.done @p2 $0x0  }
0x2d: {  	[sflag:s12] =	ssyncadd.s32 @p2 $0xFFFFFC00  }
0x2e: {  	_ =	swait.ge [sflag:s16], $0x3E80  }
0x2f: {  	s24 =	sand.u32 $0x400, s20;
	[sflag:s16] =	ssyncset.done $0x0  }
0x30: {  	s28 =	sor.u32 $0x800, s24;
	[sflag:s16] =	ssyncadd.s32 $0xFFFFC180  }
0x31: {  	[spmem:s2] =	stream.indirect.scatter.add.f32 [tilespmem:s15], [sflag:$0x2], $0x80, s28, s14, $0xb8;
	[tilespmem:$0x1C880] =	vst v63  }
0x32: {  	s29 =	sor.u32 $0x80, s24  }
0x33: {  	[tilespmem:s17], [sflag:$0x1] =	stream.indirect.gather [hbm4b:s4+s14], $0x80, s29, s14, $0xb8;
	[tilespmem:$0x1C880] =	vst v63  }
0x34: {  	_ =	swait.ge [sflag:s16], $0x3E80  }
0x35: {  	[sflag:s16] =	ssyncset.done $0x0  }
0x36: {  	[sflag:s16] =	ssyncadd.s32 $0xFFFFC180  }
0x37: {  	_ =	swait.ge [sflag:s18], $0x3E80  }
0x38: {  	[sflag:s18] =	ssyncset.done $0x0  }
0x39: {  	s30 =	sor.u32 $0x880, s24;
	[sflag:s18] =	ssyncadd.s32 $0xFFFFC180  }
0x3a: {  	[spmem:s2] =	stream.indirect.scatter.add.f32 [tilespmem:s17], [sflag:$0x2], $0x80, s30, s14, $0xb8;
	[tilespmem:$0x1C880] =	vst v63  }
0x3b: {  	s31 =	sor.u32 $0x100, s24  }
0x3c: {  	[tilespmem:s15], [sflag:$0x1] =	stream.indirect.gather [hbm4b:s4+s14], $0x80, s31, s14, $0xb8;
	[tilespmem:$0x1C880] =	vst v63  }
0x3d: {  	_ =	swait.ge [sflag:s16], $0x3E80  }
0x3e: {  	[sflag:s16] =	ssyncset.done $0x0  }
0x3f: {  	[sflag:s16] =	ssyncadd.s32 $0xFFFFC180  }
0x40: {  	_ =	swait.ge [sflag:s18], $0x3E80  }
0x41: {  	[sflag:s18] =	ssyncset.done $0x0  }
0x42: {  	s26 =	sor.u32 $0x900, s24;
	[sflag:s18] =	ssyncadd.s32 $0xFFFFC180  }
0x43: {  	[spmem:s2] =	stream.indirect.scatter.add.f32 [tilespmem:s15], [sflag:$0x2], $0x80, s26, s14, $0xb8;
	[tilespmem:$0x1C880] =	vst v63  }
0x44: {  	s28 =	sor.u32 $0x180, s24  }
0x45: {  	[tilespmem:s17], [sflag:$0x1] =	stream.indirect.gather [hbm4b:s4+s14], $0x80, s28, s14, $0xb8;
	[tilespmem:$0x1C880] =	vst v63  }
0x46: {  	_ =	swait.ge [sflag:s16], $0x3E80  }
0x47: {  	[sflag:s16] =	ssyncset.done $0x0  }
0x48: {  	[sflag:s16] =	ssyncadd.s32 $0xFFFFC180  }
0x49: {  	_ =	swait.ge [sflag:s18], $0x3E80  }
0x4a: {  	[sflag:s18] =	ssyncset.done $0x0  }
0x4b: {  	s29 =	sor.u32 $0x980, s24;
	[sflag:s18] =	ssyncadd.s32 $0xFFFFC180  }
0x4c: {  	[spmem:s2] =	stream.indirect.scatter.add.f32 [tilespmem:s17], [sflag:$0x2], $0x80, s29, s14, $0xb8;
	[tilespmem:$0x1C880] =	vst v63  }
0x4d: {  	s30 =	sor.u32 $0x200, s24  }
0x4e: {  	[tilespmem:s15], [sflag:$0x1] =	stream.indirect.gather [hbm4b:s4+s14], $0x80, s30, s14, $0xb8;
	[tilespmem:$0x1C880] =	vst v63  }
0x4f: {  	_ =	swait.ge [sflag:s16], $0x3E80  }
0x50: {  	[sflag:s16] =	ssyncset.done $0x0  }
0x51: {  	[sflag:s16] =	ssyncadd.s32 $0xFFFFC180  }
0x52: {  	_ =	swait.ge [sflag:s18], $0x3E80  }
0x53: {  	[sflag:s18] =	ssyncset.done $0x0  }
0x54: {  	s31 =	sor.u32 $0xA00, s24;
	[sflag:s18] =	ssyncadd.s32 $0xFFFFC180  }
0x55: {  	[spmem:s2] =	stream.indirect.scatter.add.f32 [tilespmem:s15], [sflag:$0x2], $0x80, s31, s14, $0xb8;
	[tilespmem:$0x1C880] =	vst v63  }
0x56: {  	s26 =	sor.u32 $0x280, s24  }
0x57: {  	[tilespmem:s17], [sflag:$0x1] =	stream.indirect.gather [hbm4b:s4+s14], $0x80, s26, s14, $0xb8;
	[tilespmem:$0x1C880] =	vst v63  }
0x58: {  	_ =	swait.ge [sflag:s16], $0x3E80  }
0x59: {  	[sflag:s16] =	ssyncset.done $0x0  }
0x5a: {  	[sflag:s16] =	ssyncadd.s32 $0xFFFFC180  }
0x5b: {  	_ =	swait.ge [sflag:s18], $0x3E80  }
0x5c: {  	[sflag:s18] =	ssyncset.done $0x0  }
0x5d: {  	s28 =	sor.u32 $0xA80, s24;
	[sflag:s18] =	ssyncadd.s32 $0xFFFFC180  }
0x5e: {  	[spmem:s2] =	stream.indirect.scatter.add.f32 [tilespmem:s17], [sflag:$0x2], $0x80, s28, s14, $0xb8;
	[tilespmem:$0x1C880] =	vst v63  }
0x5f: {  	s29 =	sor.u32 $0x300, s24  }
0x60: {  	[tilespmem:s15], [sflag:$0x1] =	stream.indirect.gather [hbm4b:s4+s14], $0x80, s29, s14, $0xb8;
	[tilespmem:$0x1C880] =	vst v63  }
0x61: {  	_ =	swait.ge [sflag:s16], $0x3E80  }
0x62: {  	[sflag:s16] =	ssyncset.done $0x0  }
0x63: {  	[sflag:s16] =	ssyncadd.s32 $0xFFFFC180  }
0x64: {  	_ =	swait.ge [sflag:s18], $0x3E80  }
0x65: {  	[sflag:s18] =	ssyncset.done $0x0  }
0x66: {  	s30 =	sor.u32 $0xB00, s24;
	[sflag:s18] =	ssyncadd.s32 $0xFFFFC180  }
0x67: {  	[spmem:s2] =	stream.indirect.scatter.add.f32 [tilespmem:s15], [sflag:$0x2], $0x80, s30, s14, $0xb8;
	[tilespmem:$0x1C880] =	vst v63  }
0x68: {  	s31 =	sor.u32 $0x380, s24  }
0x69: {  	[tilespmem:s17], [sflag:$0x1] =	stream.indirect.gather [hbm4b:s4+s14], $0x80, s31, s14, $0xb8;
	[tilespmem:$0x1C880] =	vst v63  }
0x6a: {  	_ =	swait.ge [sflag:s16], $0x3E80  }
0x6b: {  	[sflag:s16] =	ssyncset.done $0x0  }
0x6c: {  	[sflag:s16] =	ssyncadd.s32 $0xFFFFC180  }
0x6d: {  	p1 =	por @!p1 $0x1, $0x1;
	_ =	swait.ge [sflag:s18], $0x3E80  }
0x6e: {  	p1 =	por @p2 $0x0, $0x0;
	[sflag:s18] =	ssyncset.done $0x0  }
0x6f: {  	s22 =	sadd.s32 $0x80, s22;
	s24 =	sor.u32 $0xB80, s24;
	[sflag:s18] =	ssyncadd.s32 $0xFFFFC180  }
0x70: {  	[spmem:s2] =	stream.indirect.scatter.add.f32 [tilespmem:s17], [sflag:$0x2], $0x80, s24, s14, $0xb8;
	[tilespmem:$0x1C880] =	vst v63  }
0x71: {  	s23 =	sshll.u32 @!p1 s23, $0xA;
	s25 =	simm.s32 @!p1 $0x1000;
	s24 =	simm.s32 @!p1 $0x7D  }
0x72: {  	[tilespmem:s25], [sflag:$0x1] =	stream.indirect.gather @!p1 [hbm4b:s4+s24], $0x80, s23, s24, $0xb8;
	[tilespmem:$0x1C880] =	vst v63  }
0x73: {  	p1 =	sne.s32 s22, $0x500  }
.Ltmp0:
0x74: {  	_ = 	snop;
	(pc) =	sbr.rel @p1 .LBB2_2-.Ltmp0, $2  }
0x75: {  	_ =	sdelay $0x2  }
0x76: {  	s21 =	sadd.s32 $0x1, s21;
	s20 =	sadd.s32 $0x400, s20  }
0x77: {  	_ =	swait.ge [sflag:s18], $0x3E80  }
0x78: {  	[sflag:s18] =	ssyncset.done $0x0  }
0x79: {  	s19 =	sadd.s32 $0x1, s19;
	[sflag:s18] =	ssyncadd.s32 $0xFFFFC180  }
0x7a: {  	s20 =	simm.s32 @!p0 $0x1C03;
	p1 =	sne.s32 s19, s8;
	[bflag:$0x0] =	sbarrier.arrive $0xFFFF  }
0x7b: {  	[hbm:s7], [sflag:s20] =	dma.local @!p0 [spmem:s11], $0x27100  }
.Ltmp1:
0x7c: {  	_ = 	snop;
	(pc) =	sbr.rel @p1 .LBB2_1-.Ltmp1, $4  }
0x7d: {  	s20 =	simm.s32 @!p0 $0x3  }
0x7e: {  	_ =	swait.ge @!p0 [sflag:s20], $0x27100  }
0x7f: {  	[sflag:s20] =	ssyncset.done @!p0 $0x0  }
0x80: {  	[sflag:s20] =	ssyncadd.s32 @!p0 $0xFFFD8F00  }
0x81: {  	_ =	sfence.sel $0x180000  }
0x82: {  	[bflag:$0x0] =	sbarrier.arrive $0xFFFF  }
0x83: {  	_ =	strace $0x9000004D  }
0x84: {  	s0 =	sadd.s32 @!p0 $0x100000, s0;
	[bflag:$0x2] =	sbarrier.arrive $0xFFFF  }
0x85: {  	[sflag:s0] =	ssyncadd.tile.s32 @!p0 $0x1;
	_ =	shalt  }
.Lfunc_end2:
_tile_overlayer_lowered:
.L_overlay_start_2:
0x86: {  	(tag) =	ssettag $0x2  }
0x87: {  	s0 =	rddreg [dreg:$0x0];
	s2 =	stileid.u32  }
0x88: {  	s1 =	rddreg [dreg:$0x1];
	p0 =	sne.s32 s2, $0x0  }
0x89: {  	s3 =	rddreg [dreg:$0x2];
	[bflag:$0x3] =	sbarrier.arrive $0xFFFF;
	s2 =	simm.s32 @!p0 $0x1C03  }
0x8a: {  	[timem:s3], [sflag:s2] =	dma.local @!p0 [hbm:s0], s1  }
0x8b: {  	s0 =	simm.s32 @!p0 $0x3  }
0x8c: {  	_ =	swait.ge @!p0 [sflag:s0], s1  }
0x8d: {  	s1 =	ssub.s32 @!p0 $0x0, s1;
	[sflag:s0] =	ssyncset.done @!p0 $0x0  }
0x8e: {  	[sflag:s0] =	ssyncadd.s32 @!p0 s1  }
0x8f: {  	[bflag:$0x3] =	sbarrier.arrive $0xFFFF  }
0x90: {  	_ =	shalt  }

// kernel: kernel.9.cloned.1.call-start
scs
__scs_entry_jumppad:
0x0: {  	(pc) =	sbr.rel $0x88, $3  }
0x1: {  	(tag) =	ssettag $0x0;
	lr =	simm.s32 $0x1  }
0x2: {  	[smem:$0x3F94] =	sst lr;
	_ =	strace $0xD0000000  }
0x3: {  	_ = 	snop  }
0x4: {  	_ = 	snop  }
0x5: {  	_ = 	snop  }
0x6: {  	_ = 	snop  }
0x7: {  	_ = 	snop  }
__scs_overlays_trampoline_lowered:
0x8: {  	[smem:$0x3FA3] =	sst s0  }
0x9: {  	[smem:$0x3FA4] =	sst s1  }
0xa: {  	[smem:$0x3FA5] =	sst s2  }
0xb: {  	[smem:$0x3FA6] =	sst s3  }
0xc: {  	[smem:$0x3FA7] =	sst s4  }
0xd: {  	[smem:$0x3FA8] =	sst s5  }
0xe: {  	[smem:$0x3FA9] =	sst s6  }
0xf: {  	[smem:$0x3FAA] =	sst s7  }
0x10: {  	[smem:$0x3FAB] =	sst s8  }
0x11: {  	[smem:$0x3FAC] =	sst s9;
	s0 =	simm.s32 @!p0 $0x0  }
0x12: {  	s1 =	sld [smem:$0x3F92];
	s0 =	simm.s32 @p0 $0x1  }
0x13: {  	[smem:$0x3FAD] =	sst s0;
	s0 =	simm.s32 @!p1 $0x0  }
0x14: {  	s2 =	sld [smem:$0x3F91];
	s0 =	simm.s32 @p1 $0x1  }
0x15: {  	[smem:$0x3FAE] =	sst s0;
	s0 =	simm.s32 @!p2 $0x0  }
0x16: {  	s3 =	sld [smem:$0x3FDB];
	s0 =	simm.s32 @p2 $0x1  }
0x17: {  	s4 =	simm.s32 $0x1BF5;
	[smem:$0x3FB0] =	sst s0  }
0x18: {  	s0 =	sld [smem:$0x3F93];
	_ =	swait.ge [sflag:s4], $0x0  }
0x19: {  	s7 =	sld [smem:$0x3F94]  }
0x1a: {  	s8 =	sadd.s32 $0xFFFFE003, lr  }
0x1b: {  	s9 =	sadd.s32 $0xFFFFFEF7, lr;
	s5 =	simm.s32 $0xFFFFFFFF;
	p2 =	slt.u32 s8, $0xFFFFF086  }
0x1c: {  	p1 =	slt.u32 s9, $0xF7A;
	s5 =	simm.s32 @!p2 $0x0  }
0x1d: {  	s5 =	simm.s32 @p1 $0x1;
	p0 =	seq.s32 s7, s2  }
0x1e: {  	s7 =	smul.u32 @!p0 $0xF7A, s2;
	p2 =	seq.s32 @!p0 s5, $0x0  }
0x1f: {  	s9 =	smul.u32 $0xF7A, s1;
	s8 =	simm.s32 @!p0 $0x1BF5;
	p2 =	por !p2, p0  }
0x20: {  	[sflag:s8] =	ssyncset.s32 @!p0 $0xFFFFF086;
	s6 =	sadd.s32 @!p0 s3, s7;
	s7 =	simm.s32 @!p0 $0x108  }
0x21: {  	s3 =	sadd.s32 s3, s9;
	s6 =	sadd.s32 @!p0 $0x88, s6;
	s7 =	simm.s32 @p2 $0x1082  }
0x22: {  	[simem:s7], [sflag:s8] =	dma.local @!p0 [hbm:s6], $0xF7A  }
0x23: {  	s9 =	sor.u32 $0xD0000000, s2;
	s6 =	simm.s32 $0x108;
	_ =	swait.ge @!p0 [sflag:s8], $0x0  }
0x24: {  	s3 =	sadd.s32 $0x88, s3;
	s6 =	simm.s32 @!p1 $0x1082;
	[sflag:s4] =	ssyncset.s32 $0xFFFFF086  }
0x25: {  	[simem:s6], [sflag:s4] =	dma.local [hbm:s3], $0xF7A  }
0x26: {  	[smem:$0x3F94] =	sst s1;
	(tag) =	ssettag s2;
	_ =	strace s9  }
0x27: {  	s1 =	sld [smem:$0x3FA4]  }
0x28: {  	s2 =	sld [smem:$0x3FA5]  }
0x29: {  	s4 =	sld [smem:$0x3FA7]  }
0x2a: {  	p0 =	seq.s32 s5, $0x0;
	s5 =	sld [smem:$0x3FA8]  }
0x2b: {  	s6 =	sld [smem:$0x3FA9]  }
0x2c: {  	s7 =	sld [smem:$0x3FAA]  }
0x2d: {  	s3 =	simm.s32 $0x108;
	s8 =	sld [smem:$0x3FAB]  }
0x2e: {  	s3 =	simm.s32 @!p0 $0x1082;
	s9 =	sld [smem:$0x3FAC]  }
0x2f: {  	lr =	sadd.s32 s0, s3;
	s0 =	sld [smem:$0x3FA3]  }
0x30: {  	s3 =	sld [smem:$0x3FA6]  }
0x31: {  	[smem:$0x3FAF] =	sst s10  }
0x32: {  	s10 =	sld [smem:$0x3FAD];
	_ =	sdelay $0x3  }
0x33: {  	p0 =	seq.s32 s10, $0x1;
	s10 =	sld [smem:$0x3FAF];
	_ =	sdelay $0x3  }
0x34: {  	[smem:$0x3FAF] =	sst s10  }
0x35: {  	s10 =	sld [smem:$0x3FAE];
	_ =	sdelay $0x3  }
0x36: {  	p1 =	seq.s32 s10, $0x1;
	s10 =	sld [smem:$0x3FAF];
	_ =	sdelay $0x3  }
0x37: {  	[smem:$0x3FAF] =	sst s10  }
0x38: {  	s10 =	sld [smem:$0x3FB0]  }
0x39: {  	_ = 	snop;
	(pc) =	sbr.ind lr, $3  }
0x3a: {  	_ = 	snop  }
0x3b: {  	_ = 	snop  }
0x3c: {  	p2 =	seq.s32 s10, $0x1;
	s10 =	sld [smem:$0x3FAF]  }
0x3d: {  	_ =	shalt  }
0x3e: {  	_ =	shalt  }
0x3f: {  	_ =	shalt  }
0x40: {  	_ =	shalt  }
0x41: {  	_ =	shalt  }
0x42: {  	_ =	shalt  }
0x43: {  	_ =	shalt  }
0x44: {  	_ =	shalt  }
0x45: {  	_ =	shalt  }
0x46: {  	_ =	shalt  }
0x47: {  	_ =	shalt  }
0x48: {  	_ =	shalt  }
0x49: {  	_ =	shalt  }
0x4a: {  	_ =	shalt  }
0x4b: {  	_ =	shalt  }
0x4c: {  	_ =	shalt  }
0x4d: {  	_ =	shalt  }
0x4e: {  	_ =	shalt  }
0x4f: {  	_ =	shalt  }
0x50: {  	_ =	shalt  }
0x51: {  	_ =	shalt  }
0x52: {  	_ =	shalt  }
0x53: {  	_ =	shalt  }
0x54: {  	_ =	shalt  }
0x55: {  	_ =	shalt  }
0x56: {  	_ =	shalt  }
0x57: {  	_ =	shalt  }
0x58: {  	_ =	shalt  }
0x59: {  	_ =	shalt  }
0x5a: {  	_ =	shalt  }
0x5b: {  	_ =	shalt  }
0x5c: {  	_ =	shalt  }
0x5d: {  	_ =	shalt  }
0x5e: {  	_ =	shalt  }
0x5f: {  	_ =	shalt  }
0x60: {  	_ =	shalt  }
0x61: {  	_ =	shalt  }
0x62: {  	_ =	shalt  }
0x63: {  	_ =	shalt  }
0x64: {  	_ =	shalt  }
0x65: {  	_ =	shalt  }
0x66: {  	_ =	shalt  }
0x67: {  	_ =	shalt  }
0x68: {  	_ =	shalt  }
0x69: {  	_ =	shalt  }
0x6a: {  	_ =	shalt  }
0x6b: {  	_ =	shalt  }
0x6c: {  	_ =	shalt  }
0x6d: {  	_ =	shalt  }
0x6e: {  	_ =	shalt  }
0x6f: {  	_ =	shalt  }
0x70: {  	_ =	shalt  }
0x71: {  	_ =	shalt  }
0x72: {  	_ =	shalt  }
0x73: {  	_ =	shalt  }
0x74: {  	_ =	shalt  }
0x75: {  	_ =	shalt  }
0x76: {  	_ =	shalt  }
0x77: {  	_ =	shalt  }
0x78: {  	_ =	shalt  }
0x79: {  	_ =	shalt  }
0x7a: {  	_ =	shalt  }
0x7b: {  	_ =	shalt  }
0x7c: {  	_ =	shalt  }
0x7d: {  	_ =	shalt  }
0x7e: {  	_ =	shalt  }
0x7f: {  	_ =	shalt  }
0x80: {  	_ =	shalt  }
0x81: {  	_ =	shalt  }
0x82: {  	_ =	shalt  }
0x83: {  	_ =	shalt  }
0x84: {  	_ =	shalt  }
0x85: {  	_ =	shalt  }
0x86: {  	_ =	shalt  }
0x87: {  	_ =	shalt  }
.Lfunc_end0:
.L_simem_size_0:
called_computation_lowered:
.L_overlay_start_0:
0x88: {  	s2 =	sld [smem:$0x3FD9]  }
0x89: {  	s3 =	sld [smem:$0x3FFE];
	_ =	sdelay $0x1  }
0x8a: {  	s1 =	srdreg.scid  }
0x8b: {  	s0 =	sand.u32 $0x1, s1  }
0x8c: {  	s17 =	sshll.u32 s0, $0xA;
	s2 =	sadd.s32 s3, s2  }
0x8d: {  	s2 =	sadd.s32 s2, s17  }
0x8e: {  	[smem:$0x3FBB] =	sst s2  }
0x8f: {  	_ = 	snop  }
0x90: {  	s18 =	sld [smem:$0x3FD0];
	(tm) =	ssettm $0x1  }
0x91: {  	s19 =	sld [smem:$0x3FFB];
	_ =	sdelay $0x3  }
0x92: {  	_ =	strace s19  }
0x93: {  	s2 =	sld [smem:$0x3FFC];
	_ =	sdelay $0x3  }
0x94: {  	_ =	strace s2  }
0x95: {  	s2 =	sld [smem:$0x3FFD];
	_ =	sdelay $0x3  }
0x96: {  	_ =	strace s2  }
0x97: {  	_ =	strace $0x8FFFFFFF  }
0x98: {  	s20 =	sld [smem:$0x3FDB];
	_ =	sdelay $0x1  }
0x99: {  	s4 =	simm.s32 $_scs_section_size  }
0x9a: {  	s5 =	simm.s32 $_size__tile_overlayer_lowered;
	s6 =	simm.s32 $_tile_overlayer_lowered  }
0x9b: {  	s7 =	simm.s32 $0x1BFF;
	s21 =	sshll.u32 s6, $0x1;
	s4 =	sadd.s32 s4, s20  }
0x9c: {  	s22 =	simm.s32 $0x0;
	s5 =	sshll.u32 s5, $0x1;
	s6 =	sadd.s32 s21, s4  }
0x9d: {  	[timem:s22], [sflag:s7] =	dma.local [hbm:s6], s5  }
0x9e: {  	_ =	swait.ge [sflag:s7], s5  }
0x9f: {  	s5 =	ssub.s32 $0x0, s5;
	[sflag:s7] =	ssyncset.done $0x0  }
0xa0: {  	[sflag:s7] =	ssyncadd.s32 s5;
	_ =	sdelay $0x1  }
0xa1: {  	s23 =	simm.s32 $0x1B8B  }
0xa2: {  	_ =	swait.ge [sflag:s23], $0x1  }
0xa3: {  	[sflag:s23] =	ssyncset.done $0x0  }
0xa4: {  	[sflag:s23] =	ssyncadd.s32 $0xFFFFFFFF  }
0xa5: {  	s5 =	sld [smem:$0x0]  }
0xa6: {  	s6 =	sand.u32 $0xFFFFFFFE, s1  }
0xa7: {  	p0 =	sne.s32 s1, s6  }
0xa8: {  	s6 =	sshll.u32 @p0 s6, $0xE  }
0xa9: {  	s6 =	sadd.s32 @p0 $0x11B8D, s6;
	s7 =	sshll.u32 @p0 s5, $0x11  }
0xaa: {  	s6 =	sor.u32 @p0 s7, s6  }
0xab: {  	[sflag:s6] =	ssyncadd.remote.s32 @p0 $0x1;
	_ =	sdelay $0x1  }
0xac: {  	s6 =	simm.s32 @p0 $0x1B8D  }
0xad: {  	_ =	swait.eq @p0 [sflag:s6], $0x1  }
0xae: {  	[sflag:s6] =	ssyncadd.s32 @p0 $0xFFFFFFFF  }
0xaf: {  	s7 =	sshll.u32 @!p0 s1, $0xE  }
0xb0: {  	s7 =	sor.u32 @!p0 $0x4000, s7;
	s6 =	simm.s32 @!p0 $0x1B8D  }
0xb1: {  	s5 =	sshll.u32 @!p0 s5, $0x11;
	s7 =	sadd.s32 @!p0 $0x11B8D, s7;
	_ =	swait.eq @!p0 [sflag:s6], $0x1  }
0xb2: {  	s5 =	sor.u32 @!p0 s5, s7;
	[sflag:s6] =	ssyncadd.s32 @!p0 $0xFFFFFFFF  }
0xb3: {  	s25 =	simm.s32 $0x1B8E;
	s24 =	sld [smem:$0x3FFE];
	[sflag:s5] =	ssyncadd.remote.s32 @!p0 $0x1  }
0xb4: {  	s26 =	simm.s32 $execute0_lowered;
	[smem:$0x3FD2] =	sst s25  }
0xb5: {  	s6 =	sshll.u32 s26, $0x1;
	_ =	strace $0x80000049;
	[dreg:$0x1] =	wrdreg $0xFFFFFFFF  }
0xb6: {  	s28 =	simm.s32 $_size_execute0_lowered;
	s4 =	sadd.s32 s4, s6;
	[dreg:$0x0] =	wrdreg $0x0  }
0xb7: {  	s6 =	sshll.u32 s28, $0x1;
	[dreg:$0x2] =	wrdreg s4  }
0xb8: {  	[dreg:$0x3] =	wrdreg s6  }
0xb9: {  	[dreg:$0x4] =	wrdreg $0xC0  }
0xba: {  	_ =	task [dreg:s22], $0x5FFFF  }
0xbb: {  	[dreg:$0x1] =	wrdreg $0xFFFFFFFF  }
0xbc: {  	[dreg:$0x0] =	wrdreg $0x60  }
0xbd: {  	[dreg:$0x2] =	wrdreg s24  }
0xbe: {  	[dreg:$0x3] =	wrdreg s18  }
0xbf: {  	[dreg:$0x4] =	wrdreg $0x48000  }
0xc0: {  	[dreg:$0x5] =	wrdreg $0x9  }
0xc1: {  	_ =	task.clear_ibuf [dreg:s22], $0x6FFFF;
	_ =	strace $0x90000049  }
0xc2: {  	s29 =	simm.s32 $0x9;
	_ =	strace $0x8000004B  }
0xc3: {  	_ =	swait.ge [sflag:s29], $0x1  }
0xc4: {  	[sflag:s29] =	ssyncadd.s32 $0xFFFFFFFF  }
0xc5: {  	_ =	strace $0x9000004B  }
0xc6: {  	_ =	sfence  }
0xc7: {  	s30 =	sld [smem:$0x0];
	_ =	sdelay $0x2  }
0xc8: {  	s31 =	sshll.u32 s1, $0xD;
	s1 =	sshrl.u32 s1, $0x2  }
0xc9: {  	s4 =	sand.u32 $0x4000, s31;
	s1 =	sadd.s32 s1, s30  }
0xca: {  	s0 =	sor.u32 s4, s0;
	s1 =	sshll.u32 s1, $0x11  }
0xcb: {  	s0 =	sor.u32 s1, s0  }
0xcc: {  	s0 =	sadd.s32 $0x8F2B, s0  }
0xcd: {  	[sflag:s0] =	ssyncadd.remote.s32 $0x1  }
0xce: {  	_ =	sfence.sel $0xFFFF  }
0xcf: {  	[dreg:$0x0] =	wrdreg $0xFFFFFFFF;
	(pc) =	sbr.abs _section_cstart, $3  }
0xd0: {  	[dreg:$0x1] =	wrdreg $0xFFFFFFFF  }
0xd1: {  	_ =	task.clear_ibuf [dreg:s22], $0x2FFFF;
	_ =	strace $0x9FFFFFFF  }
0xd2: {  	(tm) =	ssettm $0x7FFFFFFF  }
0xd3: {  	_ =	shalt  }
tec
execute0_lowered:
.L_overlay_start_1:
0x0: {  	(tag) =	ssettag $0x1  }
0x1: {  	s0 =	srdreg.scid  }
0x2: {  	s1 =	rddreg [dreg:$0x0];
	s10 =	stileid.u32  }
0x3: {  	s2 =	rddreg [dreg:$0x2];
	s11 =	simm.s32 $0x800;
	s12 =	simm.s32 $0x2  }
0x4: {  	s13 =	simm.s32 $0x7D;
	s17 =	simm.s32 $0x200;
	s18 =	simm.s32 $0x280  }
0x5: {  	s19 =	simm.s32 $0x300;
	s20 =	simm.s32 $0x380;
	s21 =	simm.s32 $0x1  }
0x6: {  	s22 =	simm.s32 $0x400;
	s23 =	simm.s32 $0x480;
	s24 =	simm.s32 $0x500  }
0x7: {  	s28 =	simm.s32 $0x680;
	s29 =	simm.s32 $0x700;
	s30 =	simm.s32 $0x780  }
0x8: {  	s31 =	simm.s32 $0x0;
	s0 =	sand.u32 $0x1, s0;
	s8 =	smul.u32 $0x2800, s10  }
0x9: {  	s9 =	sadd.s32 $0x2600, s1;
	p0 =	sne.s32 s10, $0x0;
	s5 =	smul.u32 $0x27100, s0  }
0xa: {  	s3 =	sshll.u32 s0, $0x4;
	s7 =	smul.u32 $0x28000, s0;
	s0 =	ssub.s32 $0x2, s0  }
0xb: {  	s4 =	sor.u32 s10, s3;
	s3 =	simm.s32 $0x0;
	s25 =	sshrl.u32 s0, $0x1  }
0xc: {  	s10 =	sshrl.u32 @!p0 s2, $0x3;
	s6 =	smul.u32 $0x2800, s4;
	[smem:$0x7FF] =	sst s3  }
0xd: {  	s4 =	sadd.s32 $0x2FCA00, s1;
	s1 =	sadd.s32 s5, s1;
	s7 =	sadd.s32 s8, s7  }
0xe: {  	s0 =	ssub.s32 s0, s25;
	s25 =	simm.s32 $0x580;
	_ =	strace $0x8000004A  }
0xf: {  	s8 =	sadd.s32 $0x800, s7;
	s7 =	smax.u32 s0, $0x1;
	s6 =	sshrl.u32 s6, $0x3  }
0x10: {  	s26 =	sshrl.u32 s8, $0x3;
	s5 =	sadd.s32 s9, s6;
	s6 =	sadd.s32 $0x2FD200, s1  }
0x11: {  	s9 =	sadd.s32 s26, s9;
	s26 =	simm.s32 $0x600;
	s8 =	sadd.s32 $0x80, s5  }
.LBB2_1:
0x12: {  	s0 =	simm.s32 @!p0 $0x1C02;
	s1 =	rddreg [dreg:$0x1]  }
0x13: {  	[spmem:s10], [sflag:s0] =	dma.local @!p0 [hbm:s1], $0x27100  }
0x14: {  	s0 =	simm.s32 @!p0 $0x2  }
0x15: {  	_ =	swait.ge @!p0 [sflag:s0], $0x27100  }
0x16: {  	[sflag:s0] =	ssyncset.done @!p0 $0x0  }
0x17: {  	[sflag:s0] =	ssyncadd.s32 @!p0 $0xFFFD8F00  }
0x18: {  	[tilespmem:s11], [sflag:$0x2] =	stream.linear.gather [hbm4b:s4+s3], $0x3E80, $0x38;
	[tilespmem:$0x18080] =	vst v63  }
0x19: {  	_ =	swait.ge [sflag:s12], $0x3E80  }
0x1a: {  	[sflag:s12] =	ssyncset.done $0x0  }
0x1b: {  	[sflag:s12] =	ssyncadd.s32 $0xFFFFC180  }
0x1c: {  	[bflag:$0x0] =	sbarrier.arrive $0xFFFF  }
0x1d: {  	[tilespmem:s3], [sflag:$0x2] =	stream.linear.gather [hbm4b:s5+s3], $0x400, $0x38;
	[tilespmem:$0x18080] =	vst v63  }
0x1e: {  	_ =	swait.ge [sflag:s12], $0x400  }
0x1f: {  	[sflag:s12] =	ssyncset.done $0x0  }
0x20: {  	[sflag:s12] =	ssyncadd.s32 $0xFFFFFC00  }
0x21: {  	[tilespmem:s22], [sflag:$0x2] =	stream.linear.gather [hbm4b:s8+s3], $0x400, $0x38;
	[tilespmem:$0x18080] =	vst v63  }
0x22: {  	_ =	swait.ge [sflag:s12], $0x400  }
0x23: {  	[sflag:s12] =	ssyncset.done $0x0  }
0x24: {  	[sflag:s12] =	ssyncadd.s32 $0xFFFFFC00  }
0x25: {  	[spmem:s2] =	stream.indirect.scatter.add.f32 [tilespmem:s11], [sflag:$0x1], $0x80, s3, s13, $0xb8;
	[tilespmem:$0x18080] =	vst v63  }
0x26: {  	s14 =	simm.s32 $0x80  }
0x27: {  	[spmem:s2] =	stream.indirect.scatter.add.f32 [tilespmem:s11], [sflag:$0x1], $0x80, s14, s13, $0xb8;
	[tilespmem:$0x18080] =	vst v63  }
0x28: {  	s15 =	simm.s32 $0x100  }
0x29: {  	[spmem:s2] =	stream.indirect.scatter.add.f32 [tilespmem:s11], [sflag:$0x1], $0x80, s15, s13, $0xb8;
	[tilespmem:$0x18080] =	vst v63  }
0x2a: {  	s16 =	simm.s32 $0x180  }
0x2b: {  	[spmem:s2] =	stream.indirect.scatter.add.f32 [tilespmem:s11], [sflag:$0x1], $0x80, s16, s13, $0xb8;
	[tilespmem:$0x18080] =	vst v63  }
0x2c: {  	_ = 	snop  }
0x2d: {  	[spmem:s2] =	stream.indirect.scatter.add.f32 [tilespmem:s11], [sflag:$0x1], $0x80, s17, s13, $0xb8;
	[tilespmem:$0x18080] =	vst v63  }
0x2e: {  	_ = 	snop  }
0x2f: {  	[spmem:s2] =	stream.indirect.scatter.add.f32 [tilespmem:s11], [sflag:$0x1], $0x80, s18, s13, $0xb8;
	[tilespmem:$0x18080] =	vst v63  }
0x30: {  	_ = 	snop  }
0x31: {  	[spmem:s2] =	stream.indirect.scatter.add.f32 [tilespmem:s11], [sflag:$0x1], $0x80, s19, s13, $0xb8;
	[tilespmem:$0x18080] =	vst v63  }
0x32: {  	_ = 	snop  }
0x33: {  	[spmem:s2] =	stream.indirect.scatter.add.f32 [tilespmem:s11], [sflag:$0x1], $0x80, s20, s13, $0xb8;
	[tilespmem:$0x18080] =	vst v63  }
0x34: {  	_ =	swait.ge [sflag:s21], $0x3E80  }
0x35: {  	[sflag:s21] =	ssyncset.done $0x0  }
0x36: {  	[sflag:s21] =	ssyncadd.s32 $0xFFFFC180  }
0x37: {  	_ =	swait.ge [sflag:s21], $0x3E80  }
0x38: {  	[sflag:s21] =	ssyncset.done $0x0  }
0x39: {  	[sflag:s21] =	ssyncadd.s32 $0xFFFFC180  }
0x3a: {  	_ =	swait.ge [sflag:s21], $0x3E80  }
0x3b: {  	[sflag:s21] =	ssyncset.done $0x0  }
0x3c: {  	[sflag:s21] =	ssyncadd.s32 $0xFFFFC180  }
0x3d: {  	_ =	swait.ge [sflag:s21], $0x3E80  }
0x3e: {  	[sflag:s21] =	ssyncset.done $0x0  }
0x3f: {  	[sflag:s21] =	ssyncadd.s32 $0xFFFFC180  }
0x40: {  	_ =	swait.ge [sflag:s21], $0x3E80  }
0x41: {  	[sflag:s21] =	ssyncset.done $0x0  }
0x42: {  	[sflag:s21] =	ssyncadd.s32 $0xFFFFC180  }
0x43: {  	_ =	swait.ge [sflag:s21], $0x3E80  }
0x44: {  	[sflag:s21] =	ssyncset.done $0x0  }
0x45: {  	[sflag:s21] =	ssyncadd.s32 $0xFFFFC180  }
0x46: {  	_ =	swait.ge [sflag:s21], $0x3E80  }
0x47: {  	[sflag:s21] =	ssyncset.done $0x0  }
0x48: {  	[sflag:s21] =	ssyncadd.s32 $0xFFFFC180  }
0x49: {  	s1 =	simm.s32 $0x2000;
	_ =	swait.ge [sflag:s21], $0x3E80  }
0x4a: {  	s0 =	sand.u32 $0x1000, s1;
	[sflag:s21] =	ssyncset.done $0x0  }
0x4b: {  	s0 =	sshrl.u32 s0, $0x2;
	[sflag:s21] =	ssyncadd.s32 $0xFFFFC180  }
0x4c: {  	[tilespmem:s0], [sflag:$0x2] =	stream.linear.gather [hbm4b:s9+s3], $0x400, $0x38;
	[tilespmem:$0x18080] =	vst v63  }
0x4d: {  	_ =	swait.ge [sflag:s12], $0x400  }
0x4e: {  	[sflag:s12] =	ssyncset.done $0x0  }
0x4f: {  	s0 =	sand.u32 $0x400, s22;
	[sflag:s12] =	ssyncadd.s32 $0xFFFFFC00  }
0x50: {  	[spmem:s2] =	stream.indirect.scatter.add.f32 [tilespmem:s11], [sflag:$0x1], $0x80, s0, s13, $0xb8;
	[tilespmem:$0x18080] =	vst v63  }
0x51: {  	s14 =	sor.u32 $0x80, s0  }
0x52: {  	[spmem:s2] =	stream.indirect.scatter.add.f32 [tilespmem:s11], [sflag:$0x1], $0x80, s14, s13, $0xb8;
	[tilespmem:$0x18080] =	vst v63  }
0x53: {  	s15 =	sor.u32 $0x100, s0  }
0x54: {  	[spmem:s2] =	stream.indirect.scatter.add.f32 [tilespmem:s11], [sflag:$0x1], $0x80, s15, s13, $0xb8;
	[tilespmem:$0x18080] =	vst v63  }
0x55: {  	s16 =	sor.u32 $0x180, s0  }
0x56: {  	[spmem:s2] =	stream.indirect.scatter.add.f32 [tilespmem:s11], [sflag:$0x1], $0x80, s16, s13, $0xb8;
	[tilespmem:$0x18080] =	vst v63  }
0x57: {  	s14 =	sor.u32 $0x200, s0  }
0x58: {  	[spmem:s2] =	stream.indirect.scatter.add.f32 [tilespmem:s11], [sflag:$0x1], $0x80, s14, s13, $0xb8;
	[tilespmem:$0x18080] =	vst v63  }
0x59: {  	s1 =	simm.s32 $0x800;
	s15 =	sor.u32 $0x280, s0;
	s16 =	sor.u32 $0x300, s0  }
0x5a: {  	[spmem:s2] =	stream.indirect.scatter.add.f32 [tilespmem:s11], [sflag:$0x1], $0x80, s15, s13, $0xb8;
	[tilespmem:$0x18080] =	vst v63  }
0x5b: {  	s14 =	simm.s32 $0x3000;
	s15 =	sor.u32 $0x380, s0;
	s0 =	sadd.s32 $0x80, s9  }
0x5c: {  	[spmem:s2] =	stream.indirect.scatter.add.f32 [tilespmem:s11], [sflag:$0x1], $0x80, s16, s13, $0xb8;
	[tilespmem:$0x18080] =	vst v63  }
.LBB2_2:
0x5d: {  	[spmem:s2] =	stream.indirect.scatter.add.f32 [tilespmem:s11], [sflag:$0x1], $0x80, s15, s13, $0xb8;
	[tilespmem:$0x18080] =	vst v63  }
0x5e: {  	s15 =	smov.u32 s1  }
0x5f: {  	p1 =	sne.s32 s1, $0x2000;
	s1 =	sadd.s32 $0x400, s1;
	_ =	swait.ge [sflag:s21], $0x3E80  }
0x60: {  	[sflag:s21] =	ssyncset.done $0x0  }
0x61: {  	[sflag:s21] =	ssyncadd.s32 $0xFFFFC180  }
0x62: {  	_ =	swait.ge [sflag:s21], $0x3E80  }
0x63: {  	[sflag:s21] =	ssyncset.done $0x0  }
0x64: {  	[sflag:s21] =	ssyncadd.s32 $0xFFFFC180  }
0x65: {  	_ =	swait.ge [sflag:s21], $0x3E80  }
0x66: {  	[sflag:s21] =	ssyncset.done $0x0  }
0x67: {  	[sflag:s21] =	ssyncadd.s32 $0xFFFFC180  }
0x68: {  	_ =	swait.ge [sflag:s21], $0x3E80  }
0x69: {  	[sflag:s21] =	ssyncset.done $0x0  }
0x6a: {  	[sflag:s21] =	ssyncadd.s32 $0xFFFFC180  }
0x6b: {  	_ =	swait.ge [sflag:s21], $0x3E80  }
0x6c: {  	[sflag:s21] =	ssyncset.done $0x0  }
0x6d: {  	[sflag:s21] =	ssyncadd.s32 $0xFFFFC180  }
0x6e: {  	_ =	swait.ge [sflag:s21], $0x3E80  }
0x6f: {  	[sflag:s21] =	ssyncset.done $0x0  }
0x70: {  	[sflag:s21] =	ssyncadd.s32 $0xFFFFC180  }
0x71: {  	_ =	swait.ge [sflag:s21], $0x3E80  }
0x72: {  	[sflag:s21] =	ssyncset.done $0x0  }
0x73: {  	[sflag:s21] =	ssyncadd.s32 $0xFFFFC180  }
0x74: {  	_ =	swait.ge [sflag:s21], $0x3E80  }
0x75: {  	s16 =	sand.u32 $0x1000, s14;
	[sflag:s21] =	ssyncset.done $0x0  }
0x76: {  	s16 =	sshrl.u32 s16, $0x2;
	[sflag:s21] =	ssyncadd.s32 $0xFFFFC180  }
0x77: {  	[tilespmem:s16], [sflag:$0x2] =	stream.linear.gather [hbm4b:s0+s3], $0x400, $0x38;
	[tilespmem:$0x18080] =	vst v63  }
0x78: {  	_ =	swait.ge [sflag:s12], $0x400  }
0x79: {  	[sflag:s12] =	ssyncset.done $0x0  }
0x7a: {  	s15 =	sand.u32 $0x400, s15;
	[sflag:s12] =	ssyncadd.s32 $0xFFFFFC00  }
0x7b: {  	[spmem:s2] =	stream.indirect.scatter.add.f32 [tilespmem:s11], [sflag:$0x1], $0x80, s15, s13, $0xb8;
	[tilespmem:$0x18080] =	vst v63  }
0x7c: {  	s16 =	sor.u32 $0x80, s15  }
0x7d: {  	[spmem:s2] =	stream.indirect.scatter.add.f32 [tilespmem:s11], [sflag:$0x1], $0x80, s16, s13, $0xb8;
	[tilespmem:$0x18080] =	vst v63  }
0x7e: {  	s16 =	sor.u32 $0x100, s15  }
0x7f: {  	[spmem:s2] =	stream.indirect.scatter.add.f32 [tilespmem:s11], [sflag:$0x1], $0x80, s16, s13, $0xb8;
	[tilespmem:$0x18080] =	vst v63  }
0x80: {  	s16 =	sor.u32 $0x180, s15  }
0x81: {  	[spmem:s2] =	stream.indirect.scatter.add.f32 [tilespmem:s11], [sflag:$0x1], $0x80, s16, s13, $0xb8;
	[tilespmem:$0x18080] =	vst v63  }
0x82: {  	s16 =	sor.u32 $0x200, s15  }
0x83: {  	[spmem:s2] =	stream.indirect.scatter.add.f32 [tilespmem:s11], [sflag:$0x1], $0x80, s16, s13, $0xb8;
	[tilespmem:$0x18080] =	vst v63  }
.Ltmp0:
0x84: {  	s16 =	sor.u32 $0x280, s15;
	(pc) =	sbr.rel @p1 .LBB2_2-.Ltmp0, $4  }
0x85: {  	[spmem:s2] =	stream.indirect.scatter.add.f32 [tilespmem:s11], [sflag:$0x1], $0x80, s16, s13, $0xb8;
	[tilespmem:$0x18080] =	vst v63  }
0x86: {  	s16 =	sor.u32 $0x300, s15  }
0x87: {  	[spmem:s2] =	stream.indirect.scatter.add.f32 [tilespmem:s11], [sflag:$0x1], $0x80, s16, s13, $0xb8;
	[tilespmem:$0x18080] =	vst v63  }
0x88: {  	s14 =	sadd.s32 $0x1000, s14;
	s0 =	sadd.s32 $0x80, s0;
	s15 =	sor.u32 $0x380, s15  }
0x89: {  	[spmem:s2] =	stream.indirect.scatter.add.f32 [tilespmem:s11], [sflag:$0x1], $0x80, s15, s13, $0xb8;
	[tilespmem:$0x18080] =	vst v63  }
0x8a: {  	_ =	swait.ge [sflag:s21], $0x3E80  }
0x8b: {  	[sflag:s21] =	ssyncset.done $0x0  }
0x8c: {  	[sflag:s21] =	ssyncadd.s32 $0xFFFFC180  }
0x8d: {  	_ =	swait.ge [sflag:s21], $0x3E80  }
0x8e: {  	[sflag:s21] =	ssyncset.done $0x0  }
0x8f: {  	[sflag:s21] =	ssyncadd.s32 $0xFFFFC180  }
0x90: {  	_ =	swait.ge [sflag:s21], $0x3E80  }
0x91: {  	[sflag:s21] =	ssyncset.done $0x0  }
0x92: {  	[sflag:s21] =	ssyncadd.s32 $0xFFFFC180  }
0x93: {  	_ =	swait.ge [sflag:s21], $0x3E80  }
0x94: {  	[sflag:s21] =	ssyncset.done $0x0  }
0x95: {  	[sflag:s21] =	ssyncadd.s32 $0xFFFFC180  }
0x96: {  	_ =	swait.ge [sflag:s21], $0x3E80  }
0x97: {  	[sflag:s21] =	ssyncset.done $0x0  }
0x98: {  	[sflag:s21] =	ssyncadd.s32 $0xFFFFC180  }
0x99: {  	_ =	swait.ge [sflag:s21], $0x3E80  }
0x9a: {  	[sflag:s21] =	ssyncset.done $0x0  }
0x9b: {  	[sflag:s21] =	ssyncadd.s32 $0xFFFFC180  }
0x9c: {  	_ =	swait.ge [sflag:s21], $0x3E80  }
0x9d: {  	[sflag:s21] =	ssyncset.done $0x0  }
0x9e: {  	[sflag:s21] =	ssyncadd.s32 $0xFFFFC180  }
0x9f: {  	_ =	swait.ge [sflag:s21], $0x3E80  }
0xa0: {  	[sflag:s21] =	ssyncset.done $0x0  }
0xa1: {  	[sflag:s21] =	ssyncadd.s32 $0xFFFFC180  }
0xa2: {  	[spmem:s2] =	stream.indirect.scatter.add.f32 [tilespmem:s11], [sflag:$0x1], $0x80, s22, s13, $0xb8;
	[tilespmem:$0x18080] =	vst v63  }
0xa3: {  	_ = 	snop  }
0xa4: {  	[spmem:s2] =	stream.indirect.scatter.add.f32 [tilespmem:s11], [sflag:$0x1], $0x80, s23, s13, $0xb8;
	[tilespmem:$0x18080] =	vst v63  }
0xa5: {  	_ = 	snop  }
0xa6: {  	[spmem:s2] =	stream.indirect.scatter.add.f32 [tilespmem:s11], [sflag:$0x1], $0x80, s24, s13, $0xb8;
	[tilespmem:$0x18080] =	vst v63  }
0xa7: {  	_ = 	snop  }
0xa8: {  	[spmem:s2] =	stream.indirect.scatter.add.f32 [tilespmem:s11], [sflag:$0x1], $0x80, s25, s13, $0xb8;
	[tilespmem:$0x18080] =	vst v63  }
0xa9: {  	_ = 	snop  }
0xaa: {  	[spmem:s2] =	stream.indirect.scatter.add.f32 [tilespmem:s11], [sflag:$0x1], $0x80, s26, s13, $0xb8;
	[tilespmem:$0x18080] =	vst v63  }
0xab: {  	_ = 	snop  }
0xac: {  	[spmem:s2] =	stream.indirect.scatter.add.f32 [tilespmem:s11], [sflag:$0x1], $0x80, s28, s13, $0xb8;
	[tilespmem:$0x18080] =	vst v63  }
0xad: {  	_ = 	snop  }
0xae: {  	[spmem:s2] =	stream.indirect.scatter.add.f32 [tilespmem:s11], [sflag:$0x1], $0x80, s29, s13, $0xb8;
	[tilespmem:$0x18080] =	vst v63  }
0xaf: {  	_ = 	snop  }
0xb0: {  	[spmem:s2] =	stream.indirect.scatter.add.f32 [tilespmem:s11], [sflag:$0x1], $0x80, s30, s13, $0xb8;
	[tilespmem:$0x18080] =	vst v63  }
0xb1: {  	_ =	swait.ge [sflag:s21], $0x3E80  }
0xb2: {  	[sflag:s21] =	ssyncset.done $0x0  }
0xb3: {  	[sflag:s21] =	ssyncadd.s32 $0xFFFFC180  }
0xb4: {  	_ =	swait.ge [sflag:s21], $0x3E80  }
0xb5: {  	[sflag:s21] =	ssyncset.done $0x0  }
0xb6: {  	[sflag:s21] =	ssyncadd.s32 $0xFFFFC180  }
0xb7: {  	_ =	swait.ge [sflag:s21], $0x3E80  }
0xb8: {  	[sflag:s21] =	ssyncset.done $0x0  }
0xb9: {  	[sflag:s21] =	ssyncadd.s32 $0xFFFFC180  }
0xba: {  	_ =	swait.ge [sflag:s21], $0x3E80  }
0xbb: {  	[sflag:s21] =	ssyncset.done $0x0  }
0xbc: {  	[sflag:s21] =	ssyncadd.s32 $0xFFFFC180  }
0xbd: {  	_ =	swait.ge [sflag:s21], $0x3E80  }
0xbe: {  	[sflag:s21] =	ssyncset.done $0x0  }
0xbf: {  	[sflag:s21] =	ssyncadd.s32 $0xFFFFC180  }
0xc0: {  	_ =	swait.ge [sflag:s21], $0x3E80  }
0xc1: {  	[sflag:s21] =	ssyncset.done $0x0  }
0xc2: {  	[sflag:s21] =	ssyncadd.s32 $0xFFFFC180  }
0xc3: {  	_ =	swait.ge [sflag:s21], $0x3E80  }
0xc4: {  	[sflag:s21] =	ssyncset.done $0x0  }
0xc5: {  	[sflag:s21] =	ssyncadd.s32 $0xFFFFC180  }
0xc6: {  	_ =	swait.ge [sflag:s21], $0x3E80  }
0xc7: {  	[sflag:s21] =	ssyncset.done $0x0  }
0xc8: {  	s31 =	sadd.s32 $0x1, s31;
	[sflag:s21] =	ssyncadd.s32 $0xFFFFC180  }
0xc9: {  	s0 =	simm.s32 @!p0 $0x1C02;
	p1 =	sne.s32 s31, s7;
	[bflag:$0x0] =	sbarrier.arrive $0xFFFF  }
0xca: {  	[hbm:s6], [sflag:s0] =	dma.local @!p0 [spmem:s10], $0x27100  }
.Ltmp1:
0xcb: {  	_ = 	snop;
	(pc) =	sbr.rel @p1 .LBB2_1-.Ltmp1, $4  }
0xcc: {  	s0 =	simm.s32 @!p0 $0x2  }
0xcd: {  	_ =	swait.ge @!p0 [sflag:s0], $0x27100  }
0xce: {  	[sflag:s0] =	ssyncset.done @!p0 $0x0  }
0xcf: {  	[sflag:s0] =	ssyncadd.s32 @!p0 $0xFFFD8F00  }
0xd0: {  	_ =	sfence.sel $0x180000  }
0xd1: {  	[bflag:$0x0] =	sbarrier.arrive $0xFFFF  }
0xd2: {  	_ =	strace $0x9000004A  }
0xd3: {  	[bflag:$0x2] =	sbarrier.arrive $0xFFFF  }
0xd4: {  	s0 =	rddreg [dreg:$0x3]  }
0xd5: {  	s0 =	sadd.s32 @!p0 $0x100000, s0  }
0xd6: {  	[sflag:s0] =	ssyncadd.tile.s32 @!p0 $0x1;
	_ =	shalt  }
.Lfunc_end2:
_tile_overlayer_lowered:
.L_overlay_start_2:
0xd7: {  	(tag) =	ssettag $0x2  }
0xd8: {  	s0 =	rddreg [dreg:$0x0];
	s2 =	stileid.u32  }
0xd9: {  	s1 =	rddreg [dreg:$0x1];
	p0 =	sne.s32 s2, $0x0  }
0xda: {  	s3 =	rddreg [dreg:$0x2];
	[bflag:$0x3] =	sbarrier.arrive $0xFFFF;
	s2 =	simm.s32 @!p0 $0x1C02  }
0xdb: {  	[timem:s3], [sflag:s2] =	dma.local @!p0 [hbm:s0], s1  }
0xdc: {  	s0 =	simm.s32 @!p0 $0x2  }
0xdd: {  	_ =	swait.ge @!p0 [sflag:s0], s1  }
0xde: {  	s1 =	ssub.s32 @!p0 $0x0, s1;
	[sflag:s0] =	ssyncset.done @!p0 $0x0  }
0xdf: {  	[sflag:s0] =	ssyncadd.s32 @!p0 s1  }
0xe0: {  	[bflag:$0x3] =	sbarrier.arrive $0xFFFF  }
0xe1: {  	_ =	shalt  }

</sc_bundles>
